<compile_context>
chip_gen: v7x
topology: tpu7x:2x2x1
jax: 0.10.2.dev20260603
libtpu: 0.0.44.dev20260713+nightly
codegen_flags: <defaults>
</compile_context>

<pallas_src>
import functools

import jax
import jax.numpy as jnp
from jax import lax
from jax.experimental import pallas as pl
from jax.experimental.pallas import tpu as pltpu
from jax.experimental.pallas import tpu_sc as plsc

N = 10000
E = 320000
D_IN = 128
DH = 64
NC, NS = 2, 16
K = 64
NBUF = 4
PD = 2
NW = NC * NS
_CG = K * NBUF
EPW = ((E + NW - 1) // NW + _CG - 1) // _CG * _CG
NCH = EPW // K
GROUPS = NCH // NBUF
TAIL_E = E - (NW - 1) * EPW
TAILCH = TAIL_E // K
TAILG = TAILCH // NBUF
NPAD = (N // 1280 + 1) * 1280
RPT = NPAD // NS

RB = 1000
NB = N // RB

_mesh = plsc.VectorSubcoreMesh(core_axis_name="c", subcore_axis_name="s")


@functools.partial(
    pl.kernel,
    out_type=[jax.ShapeDtypeStruct((NPAD,), jnp.float32),
              jax.ShapeDtypeStruct((NPAD,), jnp.float32)],
    mesh=_mesh,
    scratch_types=[
        pltpu.VMEM((NCH, K), jnp.int32),
        pltpu.VMEM((K,), jnp.float32),
        pltpu.VMEM((RPT,), jnp.float32),
        pltpu.VMEM_SHARED((NPAD,), jnp.float32),
        pltpu.SemaphoreType.DMA,
    ],
)
def _deg_kernel(dst2_hbm, z_hbm, out0_hbm, out1_hbm, didx2, ones_v, zv, dacc,
                sem):
    c = lax.axis_index("c")
    s = lax.axis_index("s")
    w = c * NS + s
    for j in range(K // 16):
        ones_v[pl.ds(j * 16, 16)] = jnp.full((16,), 1.0, jnp.float32)
    nch_w = jnp.where(w == NW - 1, TAILCH, NCH)
    pltpu.sync_copy(dst2_hbm.at[pl.ds(w * NCH, TAILCH)],
                    didx2.at[pl.ds(0, TAILCH)])
    pl.when(w < NW - 1)(lambda: pltpu.sync_copy(
        dst2_hbm.at[pl.ds(w * NCH + TAILCH, NCH - TAILCH)],
        didx2.at[pl.ds(TAILCH, NCH - TAILCH)]))
    pltpu.sync_copy(z_hbm, zv)
    pltpu.sync_copy(zv, dacc.at[pl.ds(s * RPT, RPT)])
    plsc.subcore_barrier()

    def fire(i, carry):
        pltpu.async_copy(ones_v, dacc.at[didx2.at[i]], sem, add=True)
        return carry

    lax.fori_loop(0, nch_w, fire, 0)

    def drain(i, carry):
        pltpu.make_async_copy(z_hbm.at[pl.ds(0, K)], ones_v, sem).wait()
        return carry

    lax.fori_loop(0, nch_w, drain, 0)
    plsc.subcore_barrier()

    def out(o_hbm):
        pltpu.sync_copy(dacc.at[pl.ds(s * RPT, RPT)],
                        o_hbm.at[pl.ds(s * RPT, RPT)])

    pl.when(c == 0)(lambda: out(out0_hbm))
    pl.when(c == 1)(lambda: out(out1_hbm))


@functools.partial(
    pl.kernel,
    out_type=[jax.ShapeDtypeStruct((NPAD, 128), jnp.float32),
              jax.ShapeDtypeStruct((NPAD, 128), jnp.float32)],
    mesh=_mesh,
    scratch_types=[
        pltpu.VMEM((EPW,), jnp.int32),
        [pltpu.VMEM((K,), jnp.int32)] * NBUF,
        [pltpu.VMEM((K, 128), jnp.float32)] * NBUF,
        pltpu.VMEM_SHARED((NPAD, 128), jnp.float32),
        [pltpu.SemaphoreType.DMA] * NBUF,
        [pltpu.SemaphoreType.DMA] * NBUF,
    ],
)
def _pass_kernel(y_hbm, src1_hbm, dst1_hbm, z_hbm,
                 out0_hbm, out1_hbm, sidx1, didx, rows, acc, gsem, ssem):
    c = lax.axis_index("c")
    s = lax.axis_index("s")
    w = c * NS + s
    gw = jnp.where(w == NW - 1, TAILG, GROUPS)
    pltpu.sync_copy(src1_hbm.at[pl.ds(w * EPW, TAIL_E)],
                    sidx1.at[pl.ds(0, TAIL_E)])
    pl.when(w < NW - 1)(lambda: pltpu.sync_copy(
        src1_hbm.at[pl.ds(w * EPW + TAIL_E, EPW - TAIL_E)],
        sidx1.at[pl.ds(TAIL_E, EPW - TAIL_E)]))
    pltpu.sync_copy(z_hbm, rows[0])
    for t in range(RPT // K):
        pltpu.sync_copy(rows[0], acc.at[pl.ds(s * RPT + t * K, K)])
    plsc.subcore_barrier()

    def launch(m, b):
        pltpu.async_copy(dst1_hbm.at[pl.ds((w * NCH + m) * K, K)], didx[b],
                         gsem[b])
        pltpu.async_copy(y_hbm.at[sidx1.at[pl.ds(m * K, K)]], rows[b],
                         gsem[b])

    def wait_gather(b):
        pltpu.make_async_copy(dst1_hbm.at[pl.ds(0, K)], didx[b],
                              gsem[b]).wait()
        pltpu.make_async_copy(z_hbm, rows[b], gsem[b]).wait()

    def wait_scatter(b):
        pltpu.make_async_copy(z_hbm, rows[b], ssem[b]).wait()

    for t in range(PD):
        launch(t, t)

    def group(g, carry):
        for b in range(NBUF):
            m = g * NBUF + b
            br = (b + PD) % NBUF
            if b + PD < NBUF:
                pl.when(g > 0)(lambda: wait_scatter(br))
                launch(m + PD, br)
            else:
                @pl.when(g < gw - 1)
                def _refill():
                    wait_scatter(br)
                    launch(m + PD, br)

            wait_gather(b)
            pltpu.async_copy(rows[b], acc.at[didx[b]], ssem[b], add=True)
        return carry

    lax.fori_loop(0, gw, group, 0)
    for b in range(NBUF):
        wait_scatter(b)
    plsc.subcore_barrier()

    def out(o_hbm):
        pltpu.sync_copy(acc.at[pl.ds(s * RPT, RPT)],
                        o_hbm.at[pl.ds(s * RPT, RPT)])

    pl.when(c == 0)(lambda: out(out0_hbm))
    pl.when(c == 1)(lambda: out(out1_hbm))


def _tc1_body(x_ref, w_ref, dv_ref, y_ref):
    y = jnp.dot(x_ref[...], w_ref[...], preferred_element_type=jnp.float32)
    y_ref[...] = y * dv_ref[...]


_tc1 = pl.pallas_call(
    _tc1_body,
    grid=(NB,),
    in_specs=[pl.BlockSpec((RB, D_IN), lambda i: (i, 0)),
              pl.BlockSpec((D_IN, 128), lambda i: (0, 0)),
              pl.BlockSpec((RB, 1), lambda i: (i, 0))],
    out_specs=pl.BlockSpec((RB, 128), lambda i: (i, 0)),
    out_shape=jax.ShapeDtypeStruct((N, 128), jnp.float32),
)


def _tc2_body(p0_ref, p1_ref, dv_ref, b1_ref, wm_ref, wl_ref, z_ref):
    dv = dv_ref[...]
    a = p0_ref[...] + p1_ref[...]
    h = jnp.maximum(a * dv + b1_ref[...], 0.0)
    d64 = dv
    zm = jnp.dot(h, wm_ref[...], preferred_element_type=jnp.float32) * d64
    zl = jnp.dot(h, wl_ref[...], preferred_element_type=jnp.float32) * d64
    z_ref[...] = jnp.concatenate([zm, zl], axis=1)


_tc2 = pl.pallas_call(
    _tc2_body,
    grid=(NB,),
    in_specs=[pl.BlockSpec((RB, 128), lambda i: (i, 0)),
              pl.BlockSpec((RB, 128), lambda i: (i, 0)),
              pl.BlockSpec((RB, 1), lambda i: (i, 0)),
              pl.BlockSpec((1, 128), lambda i: (0, 0)),
              pl.BlockSpec((128, DH), lambda i: (0, 0)),
              pl.BlockSpec((128, DH), lambda i: (0, 0))],
    out_specs=pl.BlockSpec((RB, 128), lambda i: (i, 0)),
    out_shape=jax.ShapeDtypeStruct((N, 128), jnp.float32),
)


def _tc3_body(q0_ref, q1_ref, dv_ref, bm_ref, bl_ref, mu_ref, ls_ref):
    d64 = dv_ref[...]
    q = q0_ref[...] + q1_ref[...]
    mu_ref[...] = q[:, :DH] * d64 + bm_ref[...]
    ls_ref[...] = q[:, DH:] * d64 + bl_ref[...]


_tc3 = pl.pallas_call(
    _tc3_body,
    grid=(NB,),
    in_specs=[pl.BlockSpec((RB, 128), lambda i: (i, 0)),
              pl.BlockSpec((RB, 128), lambda i: (i, 0)),
              pl.BlockSpec((RB, 1), lambda i: (i, 0)),
              pl.BlockSpec((1, DH), lambda i: (0, 0)),
              pl.BlockSpec((1, DH), lambda i: (0, 0))],
    out_specs=[pl.BlockSpec((RB, DH), lambda i: (i, 0)),
               pl.BlockSpec((RB, DH), lambda i: (i, 0))],
    out_shape=[jax.ShapeDtypeStruct((N, DH), jnp.float32)] * 2,
)


def kernel(x, edge_index, W1, b1, W_mu, b_mu, W_ls, b_ls):
    src1 = edge_index[0].astype(jnp.int32)
    dst1 = edge_index[1].astype(jnp.int32)
    dst2 = dst1.reshape(E // K, K)
    z2d = jnp.zeros((K, 128), jnp.float32)
    z1d = jnp.zeros((RPT,), jnp.float32)

    d0, d1 = _deg_kernel(dst2, z1d)
    deg = d0[:N] + d1[:N]
    dinv = jnp.where(deg > 0, lax.rsqrt(deg), 0.0).reshape(N, 1)

    y = _tc1(x, W1, dinv)
    p0, p1 = _pass_kernel(y, src1, dst1, z2d)
    z = _tc2(p0, p1, dinv, b1.reshape(1, -1), W_mu, W_ls)
    q0, q1 = _pass_kernel(z, src1, dst1, z2d)
    mu, ls = _tc3(q0, q1, dinv,
                  b_mu.reshape(1, -1), b_ls.reshape(1, -1))
    return (mu, ls)

# --- scband reference (transcript-rebuilt; emitter-appended) ---
"""Pipeline reference for scband-variational-gcnencoder-21543555956945 (READ-ONLY COPY).

The authoritative reference and input builder live on the scoring server;
editing this copy changes nothing except your own understanding.
"""

import jax, jax.numpy as jnp
import numpy as np

N_NODES = 10000
N_EDGES = 320000
D_IN = 128
D_OUT = 64


def gcn_conv(x, W, b, src, dst, n):
    # GCNConv with add_self_loops=False, edge_weight=1
    h = x @ W
    deg = jnp.zeros((n,), dtype=h.dtype).at[dst].add(1.0)
    dinv = jnp.where(deg > 0, deg ** -0.5, 0.0)
    norm = dinv[src] * dinv[dst]
    msg = h[src] * norm[:, None]
    out = jnp.zeros((n, h.shape[1]), dtype=h.dtype).at[dst].add(msg)
    return out + b


def setup_inputs(seed: int = 0) -> dict:
    key = jax.random.key(seed)
    ks = jax.random.split(key, 8)
    x = jax.random.normal(ks[0], (N_NODES, D_IN), dtype=jnp.float32)
    edge_index = jax.random.randint(ks[1], (2, N_EDGES), 0, N_NODES, dtype=jnp.int64)
    W1 = jax.random.normal(ks[2], (D_IN, 2 * D_OUT), dtype=jnp.float32) * (1.0 / np.sqrt(D_IN))
    b1 = jnp.zeros((2 * D_OUT,), dtype=jnp.float32)
    W_mu = jax.random.normal(ks[3], (2 * D_OUT, D_OUT), dtype=jnp.float32) * (1.0 / np.sqrt(2 * D_OUT))
    b_mu = jnp.zeros((D_OUT,), dtype=jnp.float32)
    W_ls = jax.random.normal(ks[4], (2 * D_OUT, D_OUT), dtype=jnp.float32) * (1.0 / np.sqrt(2 * D_OUT))
    b_ls = jnp.zeros((D_OUT,), dtype=jnp.float32)
    return {"x": x, "edge_index": edge_index, "W1": W1, "b1": b1, "W_mu": W_mu, "b_mu": b_mu, "W_ls": W_ls, "b_ls": b_ls}


def reference(x, edge_index, W1, b1, W_mu, b_mu, W_ls, b_ls):
    src = edge_index[0]
    dst = edge_index[1]
    n = x.shape[0]
    h = jax.nn.relu(gcn_conv(x, W1, b1, src, dst, n))
    mu = gcn_conv(h, W_mu, b_mu, src, dst, n)
    logstd = gcn_conv(h, W_ls, b_ls, src, dst, n)
    return (mu, logstd)

if __name__ == "__main__":
    import jax
    _d = setup_inputs()
    print(jax.jit(kernel)(*tuple(_d.values())))

</pallas_src>

<mosaic_0001>
#map = affine_map<(d0, d1) -> (0, 0)>
#map1 = affine_map<(d0, d1) -> (0)>
module attributes {stable_mosaic.version = 14 : i64} {
  func.func @_deg_kernel(%arg0: i32, %arg1: i32, %arg2: memref<5000x64xi32, #tpu.memory_space<hbm>>, %arg3: memref<640xf32, #tpu.memory_space<hbm>>, %arg4: memref<10240xf32, #tpu.memory_space<hbm>>, %arg5: memref<10240xf32, #tpu.memory_space<hbm>>, %arg6: memref<160x64xi32, #tpu.memory_space<vmem>>, %arg7: memref<64xf32, #tpu.memory_space<vmem>>, %arg8: memref<640xf32, #tpu.memory_space<vmem>>, %arg9: memref<10240xf32, #tpu.memory_space<vmem_shared>>, %arg10: memref<!tpu.dma_semaphore, #tpu.memory_space<semaphore_mem>>) attributes {dimension_semantics = [#tpu.dimension_semantics<core_parallel>, #tpu.dimension_semantics<subcore_parallel>], iteration_bounds = array<i64: 2, 16>, scalar_prefetch = 0 : i64, scratch_operands = 5 : i64, tpu.core_type = #tpu.core_type<sc_vector_subcore>, window_params = [{transform_indices = #map}, {transform_indices = #map1}, {transform_indices = #map1}, {transform_indices = #map1}]} {
    %mul3A = arith.constant 16 : i32
    %mul3A_0 = arith.muli %arg0, %mul3A : i32
    %add3A = arith.addi %mul3A_0, %arg1 : i32
    %broadcast_in_dim3A = arith.constant 1.000000e+00 : f32
    %broadcast_in_dim3A_1 = vector.broadcast %broadcast_in_dim3A : f32 to vector<16xf32>
    %swap3A = arith.constant 0 : index
    %swap3A_2 = tpu.vector_load %arg7[%swap3A] {strides = array<i32>} : memref<64xf32, #tpu.memory_space<vmem>>, vector<16xf32>,
    %swap3A_3 = vector.shape_cast %swap3A_2 : vector<16xf32> to vector<16xf32>
    %swap3A_4 = vector.shape_cast %broadcast_in_dim3A_1 : vector<16xf32> to vector<16xf32>
    tpu.vector_store %arg7[%swap3A], %swap3A_4 {strides = array<i32>} : memref<64xf32, #tpu.memory_space<vmem>>, vector<16xf32>,
    %broadcast_in_dim3A_5 = arith.constant 1.000000e+00 : f32
    %broadcast_in_dim3A_6 = vector.broadcast %broadcast_in_dim3A_5 : f32 to vector<16xf32>
    %swap3A_7 = arith.constant 16 : index
    %swap3A_8 = tpu.vector_load %arg7[%swap3A_7] {strides = array<i32>} : memref<64xf32, #tpu.memory_space<vmem>>, vector<16xf32>,
    %swap3A_9 = vector.shape_cast %swap3A_8 : vector<16xf32> to vector<16xf32>
    %swap3A_10 = vector.shape_cast %broadcast_in_dim3A_6 : vector<16xf32> to vector<16xf32>
    tpu.vector_store %arg7[%swap3A_7], %swap3A_10 {strides = array<i32>} : memref<64xf32, #tpu.memory_space<vmem>>, vector<16xf32>,
    %broadcast_in_dim3A_11 = arith.constant 1.000000e+00 : f32
    %broadcast_in_dim3A_12 = vector.broadcast %broadcast_in_dim3A_11 : f32 to vector<16xf32>
    %swap3A_13 = arith.constant 32 : index
    %swap3A_14 = tpu.vector_load %arg7[%swap3A_13] {strides = array<i32>} : memref<64xf32, #tpu.memory_space<vmem>>, vector<16xf32>,
    %swap3A_15 = vector.shape_cast %swap3A_14 : vector<16xf32> to vector<16xf32>
    %swap3A_16 = vector.shape_cast %broadcast_in_dim3A_12 : vector<16xf32> to vector<16xf32>
    tpu.vector_store %arg7[%swap3A_13], %swap3A_16 {strides = array<i32>} : memref<64xf32, #tpu.memory_space<vmem>>, vector<16xf32>,
    %broadcast_in_dim3A_17 = arith.constant 1.000000e+00 : f32
    %broadcast_in_dim3A_18 = vector.broadcast %broadcast_in_dim3A_17 : f32 to vector<16xf32>
    %swap3A_19 = arith.constant 48 : index
    %swap3A_20 = tpu.vector_load %arg7[%swap3A_19] {strides = array<i32>} : memref<64xf32, #tpu.memory_space<vmem>>, vector<16xf32>,
    %swap3A_21 = vector.shape_cast %swap3A_20 : vector<16xf32> to vector<16xf32>
    %swap3A_22 = vector.shape_cast %broadcast_in_dim3A_18 : vector<16xf32> to vector<16xf32>
    tpu.vector_store %arg7[%swap3A_19], %swap3A_22 {strides = array<i32>} : memref<64xf32, #tpu.memory_space<vmem>>, vector<16xf32>,
    %eq3A = arith.constant 31 : i32
    %eq3A_23 = arith.cmpi eq, %add3A, %eq3A : i32
    %jit3A = arith.constant 40 : i32
    %jit3A_24 = arith.constant 160 : i32
    %select_n3A = arith.select %eq3A_23, %jit3A, %jit3A_24 : i32
    %mul3A_25 = arith.constant 160 : i32
    %mul3A_26 = arith.muli %add3A, %mul3A_25 : i32
    "tpu.region"() ({
      %run_scoped3A = tpu.sem_alloc : memref<!tpu.dma_semaphore, #tpu.memory_space<semaphore_mem>>
      %dma_start3A = arith.constant 0 : i32
      %dma_start3A_61 = arith.constant 0 : i32
      %dma_start3A_62 = tpu.memref_slice %arg6[%dma_start3A, %dma_start3A_61] : memref<160x64xi32, #tpu.memory_space<vmem>> -> memref<40x64xi32, #tpu.memory_space<vmem>>
      %dma_start3A_63 = arith.constant 0 : i32
      %dma_start3A_64 = tpu.memref_slice %arg2[%mul3A_26, %dma_start3A_63] : memref<5000x64xi32, #tpu.memory_space<hbm>> -> memref<40x64xi32, #tpu.memory_space<hbm>>
      %dma_start3A_65 = arith.constant 0 : i32
      %dma_start3A_66 = arith.constant 0 : i32
      %dma_start3A_67 = tpu.memref_slice %arg6[%dma_start3A_65, %dma_start3A_66] : memref<160x64xi32, #tpu.memory_space<vmem>> -> memref<40x64xi32, #tpu.memory_space<vmem>>
      %dma_start3A_68 = arith.constant 0 : i32
      %dma_start3A_69 = tpu.memref_slice %arg2[%mul3A_26, %dma_start3A_68] : memref<5000x64xi32, #tpu.memory_space<hbm>> -> memref<40x64xi32, #tpu.memory_space<hbm>>
      tpu.enqueue_dma source(%dma_start3A_69 : memref<40x64xi32, #tpu.memory_space<hbm>>) target(%dma_start3A_67 : memref<40x64xi32, #tpu.memory_space<vmem>>) target_semaphore(%run_scoped3A : memref<!tpu.dma_semaphore, #tpu.memory_space<semaphore_mem>>)
      %dma_wait3A = arith.constant 0 : i32
      %dma_wait3A_70 = arith.constant 0 : i32
      %dma_wait3A_71 = tpu.memref_slice %arg6[%dma_wait3A, %dma_wait3A_70] : memref<160x64xi32, #tpu.memory_space<vmem>> -> memref<40x64xi32, #tpu.memory_space<vmem>>
      %dma_wait3A_72 = arith.constant 0 : i32
      %dma_wait3A_73 = tpu.memref_slice %arg2[%mul3A_26, %dma_wait3A_72] : memref<5000x64xi32, #tpu.memory_space<hbm>> -> memref<40x64xi32, #tpu.memory_space<hbm>>
      %dma_wait3A_74 = arith.constant 0 : i32
      %dma_wait3A_75 = arith.constant 0 : i32
      %dma_wait3A_76 = tpu.memref_slice %arg6[%dma_wait3A_74, %dma_wait3A_75] : memref<160x64xi32, #tpu.memory_space<vmem>> -> memref<40x64xi32, #tpu.memory_space<vmem>>
      %dma_wait3A_77 = arith.constant 0 : i32
      %dma_wait3A_78 = tpu.memref_slice %arg2[%mul3A_26, %dma_wait3A_77] : memref<5000x64xi32, #tpu.memory_space<hbm>> -> memref<40x64xi32, #tpu.memory_space<hbm>>
      tpu.wait_dma2 semaphore(%run_scoped3A : memref<!tpu.dma_semaphore, #tpu.memory_space<semaphore_mem>>) src(%dma_wait3A_78 : memref<40x64xi32, #tpu.memory_space<hbm>>) dst(%dma_wait3A_76 : memref<40x64xi32, #tpu.memory_space<vmem>>)
      tpu.yield
    }) : () -> ()
    %lt3A = arith.constant 31 : i32
    %lt3A_27 = arith.cmpi slt, %add3A, %lt3A : i32
    %convert_element_type3A = arith.extui %lt3A_27 : i1 to i32
    %cond3A = arith.constant 0 : i32
    %cond3A_28 = arith.cmpi ne, %convert_element_type3A, %cond3A : i32
    scf.if %cond3A_28 {
      %mul3A_61 = arith.constant 160 : i32
      %mul3A_62 = arith.muli %add3A, %mul3A_61 : i32
      %add3A_63 = arith.constant 40 : i32
      %add3A_64 = arith.addi %mul3A_62, %add3A_63 : i32
      "tpu.region"() ({
        %run_scoped3A = tpu.sem_alloc : memref<!tpu.dma_semaphore, #tpu.memory_space<semaphore_mem>>
        %dma_start3A = arith.constant 40 : i32
        %dma_start3A_65 = arith.constant 0 : i32
        %dma_start3A_66 = tpu.memref_slice %arg6[%dma_start3A, %dma_start3A_65] : memref<160x64xi32, #tpu.memory_space<vmem>> -> memref<120x64xi32, #tpu.memory_space<vmem>>
        %dma_start3A_67 = arith.constant 0 : i32
        %dma_start3A_68 = tpu.memref_slice %arg2[%add3A_64, %dma_start3A_67] : memref<5000x64xi32, #tpu.memory_space<hbm>> -> memref<120x64xi32, #tpu.memory_space<hbm>>
        %dma_start3A_69 = arith.constant 40 : i32
        %dma_start3A_70 = arith.constant 0 : i32
        %dma_start3A_71 = tpu.memref_slice %arg6[%dma_start3A_69, %dma_start3A_70] : memref<160x64xi32, #tpu.memory_space<vmem>> -> memref<120x64xi32, #tpu.memory_space<vmem>>
        %dma_start3A_72 = arith.constant 0 : i32
        %dma_start3A_73 = tpu.memref_slice %arg2[%add3A_64, %dma_start3A_72] : memref<5000x64xi32, #tpu.memory_space<hbm>> -> memref<120x64xi32, #tpu.memory_space<hbm>>
        tpu.enqueue_dma source(%dma_start3A_73 : memref<120x64xi32, #tpu.memory_space<hbm>>) target(%dma_start3A_71 : memref<120x64xi32, #tpu.memory_space<vmem>>) target_semaphore(%run_scoped3A : memref<!tpu.dma_semaphore, #tpu.memory_space<semaphore_mem>>)
        %dma_wait3A = arith.constant 40 : i32
        %dma_wait3A_74 = arith.constant 0 : i32
        %dma_wait3A_75 = tpu.memref_slice %arg6[%dma_wait3A, %dma_wait3A_74] : memref<160x64xi32, #tpu.memory_space<vmem>> -> memref<120x64xi32, #tpu.memory_space<vmem>>
        %dma_wait3A_76 = arith.constant 0 : i32
        %dma_wait3A_77 = tpu.memref_slice %arg2[%add3A_64, %dma_wait3A_76] : memref<5000x64xi32, #tpu.memory_space<hbm>> -> memref<120x64xi32, #tpu.memory_space<hbm>>
        %dma_wait3A_78 = arith.constant 40 : i32
        %dma_wait3A_79 = arith.constant 0 : i32
        %dma_wait3A_80 = tpu.memref_slice %arg6[%dma_wait3A_78, %dma_wait3A_79] : memref<160x64xi32, #tpu.memory_space<vmem>> -> memref<120x64xi32, #tpu.memory_space<vmem>>
        %dma_wait3A_81 = arith.constant 0 : i32
        %dma_wait3A_82 = tpu.memref_slice %arg2[%add3A_64, %dma_wait3A_81] : memref<5000x64xi32, #tpu.memory_space<hbm>> -> memref<120x64xi32, #tpu.memory_space<hbm>>
        tpu.wait_dma2 semaphore(%run_scoped3A : memref<!tpu.dma_semaphore, #tpu.memory_space<semaphore_mem>>) src(%dma_wait3A_82 : memref<120x64xi32, #tpu.memory_space<hbm>>) dst(%dma_wait3A_80 : memref<120x64xi32, #tpu.memory_space<vmem>>)
        tpu.yield
      }) : () -> ()
    } else {
    }
    "tpu.region"() ({
      %run_scoped3A = tpu.sem_alloc : memref<!tpu.dma_semaphore, #tpu.memory_space<semaphore_mem>>
      tpu.enqueue_dma source(%arg3 : memref<640xf32, #tpu.memory_space<hbm>>) target(%arg8 : memref<640xf32, #tpu.memory_space<vmem>>) target_semaphore(%run_scoped3A : memref<!tpu.dma_semaphore, #tpu.memory_space<semaphore_mem>>)
      tpu.wait_dma2 semaphore(%run_scoped3A : memref<!tpu.dma_semaphore, #tpu.memory_space<semaphore_mem>>) src(%arg3 : memref<640xf32, #tpu.memory_space<hbm>>) dst(%arg8 : memref<640xf32, #tpu.memory_space<vmem>>)
      tpu.yield
    }) : () -> ()
    %mul3A_29 = arith.constant 640 : i32
    %mul3A_30 = arith.muli %arg1, %mul3A_29 : i32
    "tpu.region"() ({
      %run_scoped3A = tpu.sem_alloc : memref<!tpu.dma_semaphore, #tpu.memory_space<semaphore_mem>>
      %dma_start3A = tpu.memref_slice %arg9[%mul3A_30] : memref<10240xf32, #tpu.memory_space<vmem_shared>> -> memref<640xf32, #tpu.memory_space<vmem_shared>>
      %dma_start3A_61 = tpu.memref_slice %arg9[%mul3A_30] : memref<10240xf32, #tpu.memory_space<vmem_shared>> -> memref<640xf32, #tpu.memory_space<vmem_shared>>
      tpu.enqueue_dma source(%arg8 : memref<640xf32, #tpu.memory_space<vmem>>) target(%dma_start3A_61 : memref<640xf32, #tpu.memory_space<vmem_shared>>) target_semaphore(%run_scoped3A : memref<!tpu.dma_semaphore, #tpu.memory_space<semaphore_mem>>)
      %dma_wait3A = tpu.memref_slice %arg9[%mul3A_30] : memref<10240xf32, #tpu.memory_space<vmem_shared>> -> memref<640xf32, #tpu.memory_space<vmem_shared>>
      %dma_wait3A_62 = tpu.memref_slice %arg9[%mul3A_30] : memref<10240xf32, #tpu.memory_space<vmem_shared>> -> memref<640xf32, #tpu.memory_space<vmem_shared>>
      tpu.wait_dma2 semaphore(%run_scoped3A : memref<!tpu.dma_semaphore, #tpu.memory_space<semaphore_mem>>) src(%arg8 : memref<640xf32, #tpu.memory_space<vmem>>) dst(%dma_wait3A_62 : memref<640xf32, #tpu.memory_space<vmem_shared>>)
      tpu.yield
    }) : () -> ()
    %barrier3A = arith.constant 0 : index
    tpu.barrier barrier_id(%barrier3A)
    %while3A = arith.constant 0 : i32
    %while3A_31 = arith.constant 0 : i32
    %while3A_32 = arith.subi %select_n3A, %while3A_31 : i32
    %while3A_33 = arith.addi %while3A_31, %while3A_32 : i32
    %while3A_34 = arith.constant 1 : i32
    %while3A_35 = arith.divsi %while3A_32, %while3A_34 : i32
    %while3A_36 = arith.muli %while3A_35, %while3A_34 : i32
    %while3A_37 = arith.addi %while3A_31, %while3A_36 : i32
    %while3A_38 = arith.constant 1 : i32
    scf.for %while3A_61 = %while3A_31 to %while3A_37 step %while3A_38  : i32 {
      %dma_start3A = arith.constant 0 : i32
      %dma_start3A_62 = tpu.memref_slice %arg6[%while3A_61, %dma_start3A] : memref<160x64xi32, #tpu.memory_space<vmem>> -> memref<1x64xi32, #tpu.memory_space<vmem>>
      %dma_start3A_63 = tpu.memref_squeeze %dma_start3A_62 : memref<1x64xi32, #tpu.memory_space<vmem>> -> memref<64xi32, #tpu.memory_space<vmem>>
      %dma_start3A_64 = arith.constant 0 : i32
      %dma_start3A_65 = tpu.memref_slice %arg9[%dma_start3A_64] : memref<10240xf32, #tpu.memory_space<vmem_shared>> -> memref<10240xf32, #tpu.memory_space<vmem_shared>>
      tpu.enqueue_indirect_dma source(%arg7 : memref<64xf32, #tpu.memory_space<vmem>>) target(%dma_start3A_65 : memref<10240xf32, #tpu.memory_space<vmem_shared>>) offsets(%dma_start3A_63 : memref<64xi32, #tpu.memory_space<vmem>>) semaphore(%arg10 : memref<!tpu.dma_semaphore, #tpu.memory_space<semaphore_mem>>) {add = true}
    }
    %while3A_39 = arith.constant 1 : i32
    scf.for %while3A_61 = %while3A_37 to %while3A_33 step %while3A_39  : i32 {
      %dma_start3A = arith.constant 0 : i32
      %dma_start3A_62 = tpu.memref_slice %arg6[%while3A_61, %dma_start3A] : memref<160x64xi32, #tpu.memory_space<vmem>> -> memref<1x64xi32, #tpu.memory_space<vmem>>
      %dma_start3A_63 = tpu.memref_squeeze %dma_start3A_62 : memref<1x64xi32, #tpu.memory_space<vmem>> -> memref<64xi32, #tpu.memory_space<vmem>>
      %dma_start3A_64 = arith.constant 0 : i32
      %dma_start3A_65 = tpu.memref_slice %arg9[%dma_start3A_64] : memref<10240xf32, #tpu.memory_space<vmem_shared>> -> memref<10240xf32, #tpu.memory_space<vmem_shared>>
      tpu.enqueue_indirect_dma source(%arg7 : memref<64xf32, #tpu.memory_space<vmem>>) target(%dma_start3A_65 : memref<10240xf32, #tpu.memory_space<vmem_shared>>) offsets(%dma_start3A_63 : memref<64xi32, #tpu.memory_space<vmem>>) semaphore(%arg10 : memref<!tpu.dma_semaphore, #tpu.memory_space<semaphore_mem>>) {add = true}
    }
    %while3A_40 = arith.constant 0 : i32
    %while3A_41 = arith.constant 0 : i32
    %while3A_42 = arith.subi %select_n3A, %while3A_41 : i32
    %while3A_43 = arith.addi %while3A_41, %while3A_42 : i32
    %while3A_44 = arith.constant 1 : i32
    %while3A_45 = arith.divsi %while3A_42, %while3A_44 : i32
    %while3A_46 = arith.muli %while3A_45, %while3A_44 : i32
    %while3A_47 = arith.addi %while3A_41, %while3A_46 : i32
    %while3A_48 = arith.constant 1 : i32
    scf.for %while3A_61 = %while3A_41 to %while3A_47 step %while3A_48  : i32 {
      %dma_wait3A = arith.constant 0 : i32
      %dma_wait3A_62 = tpu.memref_slice %arg3[%dma_wait3A] : memref<640xf32, #tpu.memory_space<hbm>> -> memref<64xf32, #tpu.memory_space<hbm>>
      %dma_wait3A_63 = arith.constant 0 : i32
      %dma_wait3A_64 = tpu.memref_slice %arg3[%dma_wait3A_63] : memref<640xf32, #tpu.memory_space<hbm>> -> memref<64xf32, #tpu.memory_space<hbm>>
      tpu.wait_dma2 semaphore(%arg10 : memref<!tpu.dma_semaphore, #tpu.memory_space<semaphore_mem>>) src(%dma_wait3A_64 : memref<64xf32, #tpu.memory_space<hbm>>) dst(%arg7 : memref<64xf32, #tpu.memory_space<vmem>>)
    }
    %while3A_49 = arith.constant 1 : i32
    scf.for %while3A_61 = %while3A_47 to %while3A_43 step %while3A_49  : i32 {
      %dma_wait3A = arith.constant 0 : i32
      %dma_wait3A_62 = tpu.memref_slice %arg3[%dma_wait3A] : memref<640xf32, #tpu.memory_space<hbm>> -> memref<64xf32, #tpu.memory_space<hbm>>
      %dma_wait3A_63 = arith.constant 0 : i32
      %dma_wait3A_64 = tpu.memref_slice %arg3[%dma_wait3A_63] : memref<640xf32, #tpu.memory_space<hbm>> -> memref<64xf32, #tpu.memory_space<hbm>>
      tpu.wait_dma2 semaphore(%arg10 : memref<!tpu.dma_semaphore, #tpu.memory_space<semaphore_mem>>) src(%dma_wait3A_64 : memref<64xf32, #tpu.memory_space<hbm>>) dst(%arg7 : memref<64xf32, #tpu.memory_space<vmem>>)
    }
    %barrier3A_50 = arith.constant 0 : index
    tpu.barrier barrier_id(%barrier3A_50)
    %eq3A_51 = arith.constant 0 : i32
    %eq3A_52 = arith.cmpi eq, %arg0, %eq3A_51 : i32
    %convert_element_type3A_53 = arith.extui %eq3A_52 : i1 to i32
    %cond3A_54 = arith.constant 0 : i32
    %cond3A_55 = arith.cmpi ne, %convert_element_type3A_53, %cond3A_54 : i32
    scf.if %cond3A_55 {
      %mul3A_61 = arith.constant 640 : i32
      %mul3A_62 = arith.muli %arg1, %mul3A_61 : i32
      %mul3A_63 = arith.constant 640 : i32
      %mul3A_64 = arith.muli %arg1, %mul3A_63 : i32
      "tpu.region"() ({
        %run_scoped3A = tpu.sem_alloc : memref<!tpu.dma_semaphore, #tpu.memory_space<semaphore_mem>>
        %dma_start3A = tpu.memref_slice %arg4[%mul3A_64] : memref<10240xf32, #tpu.memory_space<hbm>> -> memref<640xf32, #tpu.memory_space<hbm>>
        %dma_start3A_65 = tpu.memref_slice %arg9[%mul3A_62] : memref<10240xf32, #tpu.memory_space<vmem_shared>> -> memref<640xf32, #tpu.memory_space<vmem_shared>>
        tpu.enqueue_dma source(%dma_start3A_65 : memref<640xf32, #tpu.memory_space<vmem_shared>>) target(%dma_start3A : memref<640xf32, #tpu.memory_space<hbm>>) target_semaphore(%run_scoped3A : memref<!tpu.dma_semaphore, #tpu.memory_space<semaphore_mem>>)
        %dma_wait3A = tpu.memref_slice %arg4[%mul3A_64] : memref<10240xf32, #tpu.memory_space<hbm>> -> memref<640xf32, #tpu.memory_space<hbm>>
        %dma_wait3A_66 = tpu.memref_slice %arg9[%mul3A_62] : memref<10240xf32, #tpu.memory_space<vmem_shared>> -> memref<640xf32, #tpu.memory_space<vmem_shared>>
        tpu.wait_dma2 semaphore(%run_scoped3A : memref<!tpu.dma_semaphore, #tpu.memory_space<semaphore_mem>>) src(%dma_wait3A_66 : memref<640xf32, #tpu.memory_space<vmem_shared>>) dst(%dma_wait3A : memref<640xf32, #tpu.memory_space<hbm>>)
        tpu.yield
      }) : () -> ()
    } else {
    }
    %eq3A_56 = arith.constant 1 : i32
    %eq3A_57 = arith.cmpi eq, %arg0, %eq3A_56 : i32
    %convert_element_type3A_58 = arith.extui %eq3A_57 : i1 to i32
    %cond3A_59 = arith.constant 0 : i32
    %cond3A_60 = arith.cmpi ne, %convert_element_type3A_58, %cond3A_59 : i32
    scf.if %cond3A_60 {
      %mul3A_61 = arith.constant 640 : i32
      %mul3A_62 = arith.muli %arg1, %mul3A_61 : i32
      %mul3A_63 = arith.constant 640 : i32
      %mul3A_64 = arith.muli %arg1, %mul3A_63 : i32
      "tpu.region"() ({
        %run_scoped3A = tpu.sem_alloc : memref<!tpu.dma_semaphore, #tpu.memory_space<semaphore_mem>>
        %dma_start3A = tpu.memref_slice %arg5[%mul3A_64] : memref<10240xf32, #tpu.memory_space<hbm>> -> memref<640xf32, #tpu.memory_space<hbm>>
        %dma_start3A_65 = tpu.memref_slice %arg9[%mul3A_62] : memref<10240xf32, #tpu.memory_space<vmem_shared>> -> memref<640xf32, #tpu.memory_space<vmem_shared>>
        tpu.enqueue_dma source(%dma_start3A_65 : memref<640xf32, #tpu.memory_space<vmem_shared>>) target(%dma_start3A : memref<640xf32, #tpu.memory_space<hbm>>) target_semaphore(%run_scoped3A : memref<!tpu.dma_semaphore, #tpu.memory_space<semaphore_mem>>)
        %dma_wait3A = tpu.memref_slice %arg5[%mul3A_64] : memref<10240xf32, #tpu.memory_space<hbm>> -> memref<640xf32, #tpu.memory_space<hbm>>
        %dma_wait3A_66 = tpu.memref_slice %arg9[%mul3A_62] : memref<10240xf32, #tpu.memory_space<vmem_shared>> -> memref<640xf32, #tpu.memory_space<vmem_shared>>
        tpu.wait_dma2 semaphore(%run_scoped3A : memref<!tpu.dma_semaphore, #tpu.memory_space<semaphore_mem>>) src(%dma_wait3A_66 : memref<640xf32, #tpu.memory_space<vmem_shared>>) dst(%dma_wait3A : memref<640xf32, #tpu.memory_space<hbm>>)
        tpu.yield
      }) : () -> ()
    } else {
    }
    return
  }
}

#map = affine_map<(d0, d1) -> (0, 0)>
#map1 = affine_map<(d0, d1) -> (0)>
module attributes {stable_mosaic.version = 14 : i64} {
  func.func @_pass_kernel(%arg0: i32, %arg1: i32, %arg2: memref<10000x128xf32, #tpu.memory_space<hbm>>, %arg3: memref<320000xi32, #tpu.memory_space<hbm>>, %arg4: memref<320000xi32, #tpu.memory_space<hbm>>, %arg5: memref<64x128xf32, #tpu.memory_space<hbm>>, %arg6: memref<10240x128xf32, #tpu.memory_space<hbm>>, %arg7: memref<10240x128xf32, #tpu.memory_space<hbm>>, %arg8: memref<10240xi32, #tpu.memory_space<vmem>>, %arg9: memref<64xi32, #tpu.memory_space<vmem>>, %arg10: memref<64xi32, #tpu.memory_space<vmem>>, %arg11: memref<64xi32, #tpu.memory_space<vmem>>, %arg12: memref<64xi32, #tpu.memory_space<vmem>>, %arg13: memref<64x128xf32, #tpu.memory_space<vmem>>, %arg14: memref<64x128xf32, #tpu.memory_space<vmem>>, %arg15: memref<64x128xf32, #tpu.memory_space<vmem>>, %arg16: memref<64x128xf32, #tpu.memory_space<vmem>>, %arg17: memref<10240x128xf32, #tpu.memory_space<vmem_shared>>, %arg18: memref<!tpu.dma_semaphore, #tpu.memory_space<semaphore_mem>>, %arg19: memref<!tpu.dma_semaphore, #tpu.memory_space<semaphore_mem>>, %arg20: memref<!tpu.dma_semaphore, #tpu.memory_space<semaphore_mem>>, %arg21: memref<!tpu.dma_semaphore, #tpu.memory_space<semaphore_mem>>, %arg22: memref<!tpu.dma_semaphore, #tpu.memory_space<semaphore_mem>>, %arg23: memref<!tpu.dma_semaphore, #tpu.memory_space<semaphore_mem>>, %arg24: memref<!tpu.dma_semaphore, #tpu.memory_space<semaphore_mem>>, %arg25: memref<!tpu.dma_semaphore, #tpu.memory_space<semaphore_mem>>) attributes {dimension_semantics = [#tpu.dimension_semantics<core_parallel>, #tpu.dimension_semantics<subcore_parallel>], iteration_bounds = array<i64: 2, 16>, scalar_prefetch = 0 : i64, scratch_operands = 18 : i64, tpu.core_type = #tpu.core_type<sc_vector_subcore>, window_params = [{transform_indices = #map}, {transform_indices = #map1}, {transform_indices = #map1}, {transform_indices = #map}, {transform_indices = #map}, {transform_indices = #map}]} {
    %mul3A = arith.constant 16 : i32
    %mul3A_0 = arith.muli %arg0, %mul3A : i32
    %add3A = arith.addi %mul3A_0, %arg1 : i32
    %eq3A = arith.constant 31 : i32
    %eq3A_1 = arith.cmpi eq, %add3A, %eq3A : i32
    %jit3A = arith.constant 10 : i32
    %jit3A_2 = arith.constant 40 : i32
    %select_n3A = arith.select %eq3A_1, %jit3A, %jit3A_2 : i32
    %mul3A_3 = arith.constant 10240 : i32
    %mul3A_4 = arith.muli %add3A, %mul3A_3 : i32
    "tpu.region"() ({
      %run_scoped3A = tpu.sem_alloc : memref<!tpu.dma_semaphore, #tpu.memory_space<semaphore_mem>>
      %dma_start3A_92 = arith.constant 0 : i32
      %dma_start3A_93 = tpu.memref_slice %arg8[%dma_start3A_92] : memref<10240xi32, #tpu.memory_space<vmem>> -> memref<2560xi32, #tpu.memory_space<vmem>>
      %dma_start3A_94 = tpu.memref_slice %arg3[%mul3A_4] : memref<320000xi32, #tpu.memory_space<hbm>> -> memref<2560xi32, #tpu.memory_space<hbm>>
      %dma_start3A_95 = arith.constant 0 : i32
      %dma_start3A_96 = tpu.memref_slice %arg8[%dma_start3A_95] : memref<10240xi32, #tpu.memory_space<vmem>> -> memref<2560xi32, #tpu.memory_space<vmem>>
      %dma_start3A_97 = tpu.memref_slice %arg3[%mul3A_4] : memref<320000xi32, #tpu.memory_space<hbm>> -> memref<2560xi32, #tpu.memory_space<hbm>>
      tpu.enqueue_dma source(%dma_start3A_97 : memref<2560xi32, #tpu.memory_space<hbm>>) target(%dma_start3A_96 : memref<2560xi32, #tpu.memory_space<vmem>>) target_semaphore(%run_scoped3A : memref<!tpu.dma_semaphore, #tpu.memory_space<semaphore_mem>>)
      %dma_wait3A = arith.constant 0 : i32
      %dma_wait3A_98 = tpu.memref_slice %arg8[%dma_wait3A] : memref<10240xi32, #tpu.memory_space<vmem>> -> memref<2560xi32, #tpu.memory_space<vmem>>
      %dma_wait3A_99 = tpu.memref_slice %arg3[%mul3A_4] : memref<320000xi32, #tpu.memory_space<hbm>> -> memref<2560xi32, #tpu.memory_space<hbm>>
      %dma_wait3A_100 = arith.constant 0 : i32
      %dma_wait3A_101 = tpu.memref_slice %arg8[%dma_wait3A_100] : memref<10240xi32, #tpu.memory_space<vmem>> -> memref<2560xi32, #tpu.memory_space<vmem>>
      %dma_wait3A_102 = tpu.memref_slice %arg3[%mul3A_4] : memref<320000xi32, #tpu.memory_space<hbm>> -> memref<2560xi32, #tpu.memory_space<hbm>>
      tpu.wait_dma2 semaphore(%run_scoped3A : memref<!tpu.dma_semaphore, #tpu.memory_space<semaphore_mem>>) src(%dma_wait3A_102 : memref<2560xi32, #tpu.memory_space<hbm>>) dst(%dma_wait3A_101 : memref<2560xi32, #tpu.memory_space<vmem>>)
      tpu.yield
    }) : () -> ()
    %lt3A = arith.constant 31 : i32
    %lt3A_5 = arith.cmpi slt, %add3A, %lt3A : i32
    %convert_element_type3A = arith.extui %lt3A_5 : i1 to i32
    %cond3A = arith.constant 0 : i32
    %cond3A_6 = arith.cmpi ne, %convert_element_type3A, %cond3A : i32
    scf.if %cond3A_6 {
      %mul3A_92 = arith.constant 10240 : i32
      %mul3A_93 = arith.muli %add3A, %mul3A_92 : i32
      %add3A_94 = arith.constant 2560 : i32
      %add3A_95 = arith.addi %mul3A_93, %add3A_94 : i32
      "tpu.region"() ({
        %run_scoped3A = tpu.sem_alloc : memref<!tpu.dma_semaphore, #tpu.memory_space<semaphore_mem>>
        %dma_start3A_96 = arith.constant 2560 : i32
        %dma_start3A_97 = tpu.memref_slice %arg8[%dma_start3A_96] : memref<10240xi32, #tpu.memory_space<vmem>> -> memref<7680xi32, #tpu.memory_space<vmem>>
        %dma_start3A_98 = tpu.memref_slice %arg3[%add3A_95] : memref<320000xi32, #tpu.memory_space<hbm>> -> memref<7680xi32, #tpu.memory_space<hbm>>
        %dma_start3A_99 = arith.constant 2560 : i32
        %dma_start3A_100 = tpu.memref_slice %arg8[%dma_start3A_99] : memref<10240xi32, #tpu.memory_space<vmem>> -> memref<7680xi32, #tpu.memory_space<vmem>>
        %dma_start3A_101 = tpu.memref_slice %arg3[%add3A_95] : memref<320000xi32, #tpu.memory_space<hbm>> -> memref<7680xi32, #tpu.memory_space<hbm>>
        tpu.enqueue_dma source(%dma_start3A_101 : memref<7680xi32, #tpu.memory_space<hbm>>) target(%dma_start3A_100 : memref<7680xi32, #tpu.memory_space<vmem>>) target_semaphore(%run_scoped3A : memref<!tpu.dma_semaphore, #tpu.memory_space<semaphore_mem>>)
        %dma_wait3A = arith.constant 2560 : i32
        %dma_wait3A_102 = tpu.memref_slice %arg8[%dma_wait3A] : memref<10240xi32, #tpu.memory_space<vmem>> -> memref<7680xi32, #tpu.memory_space<vmem>>
        %dma_wait3A_103 = tpu.memref_slice %arg3[%add3A_95] : memref<320000xi32, #tpu.memory_space<hbm>> -> memref<7680xi32, #tpu.memory_space<hbm>>
        %dma_wait3A_104 = arith.constant 2560 : i32
        %dma_wait3A_105 = tpu.memref_slice %arg8[%dma_wait3A_104] : memref<10240xi32, #tpu.memory_space<vmem>> -> memref<7680xi32, #tpu.memory_space<vmem>>
        %dma_wait3A_106 = tpu.memref_slice %arg3[%add3A_95] : memref<320000xi32, #tpu.memory_space<hbm>> -> memref<7680xi32, #tpu.memory_space<hbm>>
        tpu.wait_dma2 semaphore(%run_scoped3A : memref<!tpu.dma_semaphore, #tpu.memory_space<semaphore_mem>>) src(%dma_wait3A_106 : memref<7680xi32, #tpu.memory_space<hbm>>) dst(%dma_wait3A_105 : memref<7680xi32, #tpu.memory_space<vmem>>)
        tpu.yield
      }) : () -> ()
    } else {
    }
    "tpu.region"() ({
      %run_scoped3A = tpu.sem_alloc : memref<!tpu.dma_semaphore, #tpu.memory_space<semaphore_mem>>
      tpu.enqueue_dma source(%arg5 : memref<64x128xf32, #tpu.memory_space<hbm>>) target(%arg13 : memref<64x128xf32, #tpu.memory_space<vmem>>) target_semaphore(%run_scoped3A : memref<!tpu.dma_semaphore, #tpu.memory_space<semaphore_mem>>)
      tpu.wait_dma2 semaphore(%run_scoped3A : memref<!tpu.dma_semaphore, #tpu.memory_space<semaphore_mem>>) src(%arg5 : memref<64x128xf32, #tpu.memory_space<hbm>>) dst(%arg13 : memref<64x128xf32, #tpu.memory_space<vmem>>)
      tpu.yield
    }) : () -> ()
    %mul3A_7 = arith.constant 640 : i32
    %mul3A_8 = arith.muli %arg1, %mul3A_7 : i32
    %add3A_9 = arith.constant 0 : i32
    %add3A_10 = arith.addi %mul3A_8, %add3A_9 : i32
    "tpu.region"() ({
      %run_scoped3A = tpu.sem_alloc : memref<!tpu.dma_semaphore, #tpu.memory_space<semaphore_mem>>
      %dma_start3A_92 = arith.constant 0 : i32
      %dma_start3A_93 = tpu.memref_slice %arg17[%add3A_10, %dma_start3A_92] : memref<10240x128xf32, #tpu.memory_space<vmem_shared>> -> memref<64x128xf32, #tpu.memory_space<vmem_shared>>
      %dma_start3A_94 = arith.constant 0 : i32
      %dma_start3A_95 = tpu.memref_slice %arg17[%add3A_10, %dma_start3A_94] : memref<10240x128xf32, #tpu.memory_space<vmem_shared>> -> memref<64x128xf32, #tpu.memory_space<vmem_shared>>
      tpu.enqueue_dma source(%arg13 : memref<64x128xf32, #tpu.memory_space<vmem>>) target(%dma_start3A_95 : memref<64x128xf32, #tpu.memory_space<vmem_shared>>) target_semaphore(%run_scoped3A : memref<!tpu.dma_semaphore, #tpu.memory_space<semaphore_mem>>)
      %dma_wait3A = arith.constant 0 : i32
      %dma_wait3A_96 = tpu.memref_slice %arg17[%add3A_10, %dma_wait3A] : memref<10240x128xf32, #tpu.memory_space<vmem_shared>> -> memref<64x128xf32, #tpu.memory_space<vmem_shared>>
      %dma_wait3A_97 = arith.constant 0 : i32
      %dma_wait3A_98 = tpu.memref_slice %arg17[%add3A_10, %dma_wait3A_97] : memref<10240x128xf32, #tpu.memory_space<vmem_shared>> -> memref<64x128xf32, #tpu.memory_space<vmem_shared>>
      tpu.wait_dma2 semaphore(%run_scoped3A : memref<!tpu.dma_semaphore, #tpu.memory_space<semaphore_mem>>) src(%arg13 : memref<64x128xf32, #tpu.memory_space<vmem>>) dst(%dma_wait3A_98 : memref<64x128xf32, #tpu.memory_space<vmem_shared>>)
      tpu.yield
    }) : () -> ()
    %mul3A_11 = arith.constant 640 : i32
    %mul3A_12 = arith.muli %arg1, %mul3A_11 : i32
    %add3A_13 = arith.constant 64 : i32
    %add3A_14 = arith.addi %mul3A_12, %add3A_13 : i32
    "tpu.region"() ({
      %run_scoped3A = tpu.sem_alloc : memref<!tpu.dma_semaphore, #tpu.memory_space<semaphore_mem>>
      %dma_start3A_92 = arith.constant 0 : i32
      %dma_start3A_93 = tpu.memref_slice %arg17[%add3A_14, %dma_start3A_92] : memref<10240x128xf32, #tpu.memory_space<vmem_shared>> -> memref<64x128xf32, #tpu.memory_space<vmem_shared>>
      %dma_start3A_94 = arith.constant 0 : i32
      %dma_start3A_95 = tpu.memref_slice %arg17[%add3A_14, %dma_start3A_94] : memref<10240x128xf32, #tpu.memory_space<vmem_shared>> -> memref<64x128xf32, #tpu.memory_space<vmem_shared>>
      tpu.enqueue_dma source(%arg13 : memref<64x128xf32, #tpu.memory_space<vmem>>) target(%dma_start3A_95 : memref<64x128xf32, #tpu.memory_space<vmem_shared>>) target_semaphore(%run_scoped3A : memref<!tpu.dma_semaphore, #tpu.memory_space<semaphore_mem>>)
      %dma_wait3A = arith.constant 0 : i32
      %dma_wait3A_96 = tpu.memref_slice %arg17[%add3A_14, %dma_wait3A] : memref<10240x128xf32, #tpu.memory_space<vmem_shared>> -> memref<64x128xf32, #tpu.memory_space<vmem_shared>>
      %dma_wait3A_97 = arith.constant 0 : i32
      %dma_wait3A_98 = tpu.memref_slice %arg17[%add3A_14, %dma_wait3A_97] : memref<10240x128xf32, #tpu.memory_space<vmem_shared>> -> memref<64x128xf32, #tpu.memory_space<vmem_shared>>
      tpu.wait_dma2 semaphore(%run_scoped3A : memref<!tpu.dma_semaphore, #tpu.memory_space<semaphore_mem>>) src(%arg13 : memref<64x128xf32, #tpu.memory_space<vmem>>) dst(%dma_wait3A_98 : memref<64x128xf32, #tpu.memory_space<vmem_shared>>)
      tpu.yield
    }) : () -> ()
    %mul3A_15 = arith.constant 640 : i32
    %mul3A_16 = arith.muli %arg1, %mul3A_15 : i32
    %add3A_17 = arith.constant 128 : i32
    %add3A_18 = arith.addi %mul3A_16, %add3A_17 : i32
    "tpu.region"() ({
      %run_scoped3A = tpu.sem_alloc : memref<!tpu.dma_semaphore, #tpu.memory_space<semaphore_mem>>
      %dma_start3A_92 = arith.constant 0 : i32
      %dma_start3A_93 = tpu.memref_slice %arg17[%add3A_18, %dma_start3A_92] : memref<10240x128xf32, #tpu.memory_space<vmem_shared>> -> memref<64x128xf32, #tpu.memory_space<vmem_shared>>
      %dma_start3A_94 = arith.constant 0 : i32
      %dma_start3A_95 = tpu.memref_slice %arg17[%add3A_18, %dma_start3A_94] : memref<10240x128xf32, #tpu.memory_space<vmem_shared>> -> memref<64x128xf32, #tpu.memory_space<vmem_shared>>
      tpu.enqueue_dma source(%arg13 : memref<64x128xf32, #tpu.memory_space<vmem>>) target(%dma_start3A_95 : memref<64x128xf32, #tpu.memory_space<vmem_shared>>) target_semaphore(%run_scoped3A : memref<!tpu.dma_semaphore, #tpu.memory_space<semaphore_mem>>)
      %dma_wait3A = arith.constant 0 : i32
      %dma_wait3A_96 = tpu.memref_slice %arg17[%add3A_18, %dma_wait3A] : memref<10240x128xf32, #tpu.memory_space<vmem_shared>> -> memref<64x128xf32, #tpu.memory_space<vmem_shared>>
      %dma_wait3A_97 = arith.constant 0 : i32
      %dma_wait3A_98 = tpu.memref_slice %arg17[%add3A_18, %dma_wait3A_97] : memref<10240x128xf32, #tpu.memory_space<vmem_shared>> -> memref<64x128xf32, #tpu.memory_space<vmem_shared>>
      tpu.wait_dma2 semaphore(%run_scoped3A : memref<!tpu.dma_semaphore, #tpu.memory_space<semaphore_mem>>) src(%arg13 : memref<64x128xf32, #tpu.memory_space<vmem>>) dst(%dma_wait3A_98 : memref<64x128xf32, #tpu.memory_space<vmem_shared>>)
      tpu.yield
    }) : () -> ()
    %mul3A_19 = arith.constant 640 : i32
    %mul3A_20 = arith.muli %arg1, %mul3A_19 : i32
    %add3A_21 = arith.constant 192 : i32
    %add3A_22 = arith.addi %mul3A_20, %add3A_21 : i32
    "tpu.region"() ({
      %run_scoped3A = tpu.sem_alloc : memref<!tpu.dma_semaphore, #tpu.memory_space<semaphore_mem>>
      %dma_start3A_92 = arith.constant 0 : i32
      %dma_start3A_93 = tpu.memref_slice %arg17[%add3A_22, %dma_start3A_92] : memref<10240x128xf32, #tpu.memory_space<vmem_shared>> -> memref<64x128xf32, #tpu.memory_space<vmem_shared>>
      %dma_start3A_94 = arith.constant 0 : i32
      %dma_start3A_95 = tpu.memref_slice %arg17[%add3A_22, %dma_start3A_94] : memref<10240x128xf32, #tpu.memory_space<vmem_shared>> -> memref<64x128xf32, #tpu.memory_space<vmem_shared>>
      tpu.enqueue_dma source(%arg13 : memref<64x128xf32, #tpu.memory_space<vmem>>) target(%dma_start3A_95 : memref<64x128xf32, #tpu.memory_space<vmem_shared>>) target_semaphore(%run_scoped3A : memref<!tpu.dma_semaphore, #tpu.memory_space<semaphore_mem>>)
      %dma_wait3A = arith.constant 0 : i32
      %dma_wait3A_96 = tpu.memref_slice %arg17[%add3A_22, %dma_wait3A] : memref<10240x128xf32, #tpu.memory_space<vmem_shared>> -> memref<64x128xf32, #tpu.memory_space<vmem_shared>>
      %dma_wait3A_97 = arith.constant 0 : i32
      %dma_wait3A_98 = tpu.memref_slice %arg17[%add3A_22, %dma_wait3A_97] : memref<10240x128xf32, #tpu.memory_space<vmem_shared>> -> memref<64x128xf32, #tpu.memory_space<vmem_shared>>
      tpu.wait_dma2 semaphore(%run_scoped3A : memref<!tpu.dma_semaphore, #tpu.memory_space<semaphore_mem>>) src(%arg13 : memref<64x128xf32, #tpu.memory_space<vmem>>) dst(%dma_wait3A_98 : memref<64x128xf32, #tpu.memory_space<vmem_shared>>)
      tpu.yield
    }) : () -> ()
    %mul3A_23 = arith.constant 640 : i32
    %mul3A_24 = arith.muli %arg1, %mul3A_23 : i32
    %add3A_25 = arith.constant 256 : i32
    %add3A_26 = arith.addi %mul3A_24, %add3A_25 : i32
    "tpu.region"() ({
      %run_scoped3A = tpu.sem_alloc : memref<!tpu.dma_semaphore, #tpu.memory_space<semaphore_mem>>
      %dma_start3A_92 = arith.constant 0 : i32
      %dma_start3A_93 = tpu.memref_slice %arg17[%add3A_26, %dma_start3A_92] : memref<10240x128xf32, #tpu.memory_space<vmem_shared>> -> memref<64x128xf32, #tpu.memory_space<vmem_shared>>
      %dma_start3A_94 = arith.constant 0 : i32
      %dma_start3A_95 = tpu.memref_slice %arg17[%add3A_26, %dma_start3A_94] : memref<10240x128xf32, #tpu.memory_space<vmem_shared>> -> memref<64x128xf32, #tpu.memory_space<vmem_shared>>
      tpu.enqueue_dma source(%arg13 : memref<64x128xf32, #tpu.memory_space<vmem>>) target(%dma_start3A_95 : memref<64x128xf32, #tpu.memory_space<vmem_shared>>) target_semaphore(%run_scoped3A : memref<!tpu.dma_semaphore, #tpu.memory_space<semaphore_mem>>)
      %dma_wait3A = arith.constant 0 : i32
      %dma_wait3A_96 = tpu.memref_slice %arg17[%add3A_26, %dma_wait3A] : memref<10240x128xf32, #tpu.memory_space<vmem_shared>> -> memref<64x128xf32, #tpu.memory_space<vmem_shared>>
      %dma_wait3A_97 = arith.constant 0 : i32
      %dma_wait3A_98 = tpu.memref_slice %arg17[%add3A_26, %dma_wait3A_97] : memref<10240x128xf32, #tpu.memory_space<vmem_shared>> -> memref<64x128xf32, #tpu.memory_space<vmem_shared>>
      tpu.wait_dma2 semaphore(%run_scoped3A : memref<!tpu.dma_semaphore, #tpu.memory_space<semaphore_mem>>) src(%arg13 : memref<64x128xf32, #tpu.memory_space<vmem>>) dst(%dma_wait3A_98 : memref<64x128xf32, #tpu.memory_space<vmem_shared>>)
      tpu.yield
    }) : () -> ()
    %mul3A_27 = arith.constant 640 : i32
    %mul3A_28 = arith.muli %arg1, %mul3A_27 : i32
    %add3A_29 = arith.constant 320 : i32
    %add3A_30 = arith.addi %mul3A_28, %add3A_29 : i32
    "tpu.region"() ({
      %run_scoped3A = tpu.sem_alloc : memref<!tpu.dma_semaphore, #tpu.memory_space<semaphore_mem>>
      %dma_start3A_92 = arith.constant 0 : i32
      %dma_start3A_93 = tpu.memref_slice %arg17[%add3A_30, %dma_start3A_92] : memref<10240x128xf32, #tpu.memory_space<vmem_shared>> -> memref<64x128xf32, #tpu.memory_space<vmem_shared>>
      %dma_start3A_94 = arith.constant 0 : i32
      %dma_start3A_95 = tpu.memref_slice %arg17[%add3A_30, %dma_start3A_94] : memref<10240x128xf32, #tpu.memory_space<vmem_shared>> -> memref<64x128xf32, #tpu.memory_space<vmem_shared>>
      tpu.enqueue_dma source(%arg13 : memref<64x128xf32, #tpu.memory_space<vmem>>) target(%dma_start3A_95 : memref<64x128xf32, #tpu.memory_space<vmem_shared>>) target_semaphore(%run_scoped3A : memref<!tpu.dma_semaphore, #tpu.memory_space<semaphore_mem>>)
      %dma_wait3A = arith.constant 0 : i32
      %dma_wait3A_96 = tpu.memref_slice %arg17[%add3A_30, %dma_wait3A] : memref<10240x128xf32, #tpu.memory_space<vmem_shared>> -> memref<64x128xf32, #tpu.memory_space<vmem_shared>>
      %dma_wait3A_97 = arith.constant 0 : i32
      %dma_wait3A_98 = tpu.memref_slice %arg17[%add3A_30, %dma_wait3A_97] : memref<10240x128xf32, #tpu.memory_space<vmem_shared>> -> memref<64x128xf32, #tpu.memory_space<vmem_shared>>
      tpu.wait_dma2 semaphore(%run_scoped3A : memref<!tpu.dma_semaphore, #tpu.memory_space<semaphore_mem>>) src(%arg13 : memref<64x128xf32, #tpu.memory_space<vmem>>) dst(%dma_wait3A_98 : memref<64x128xf32, #tpu.memory_space<vmem_shared>>)
      tpu.yield
    }) : () -> ()
    %mul3A_31 = arith.constant 640 : i32
    %mul3A_32 = arith.muli %arg1, %mul3A_31 : i32
    %add3A_33 = arith.constant 384 : i32
    %add3A_34 = arith.addi %mul3A_32, %add3A_33 : i32
    "tpu.region"() ({
      %run_scoped3A = tpu.sem_alloc : memref<!tpu.dma_semaphore, #tpu.memory_space<semaphore_mem>>
      %dma_start3A_92 = arith.constant 0 : i32
      %dma_start3A_93 = tpu.memref_slice %arg17[%add3A_34, %dma_start3A_92] : memref<10240x128xf32, #tpu.memory_space<vmem_shared>> -> memref<64x128xf32, #tpu.memory_space<vmem_shared>>
      %dma_start3A_94 = arith.constant 0 : i32
      %dma_start3A_95 = tpu.memref_slice %arg17[%add3A_34, %dma_start3A_94] : memref<10240x128xf32, #tpu.memory_space<vmem_shared>> -> memref<64x128xf32, #tpu.memory_space<vmem_shared>>
      tpu.enqueue_dma source(%arg13 : memref<64x128xf32, #tpu.memory_space<vmem>>) target(%dma_start3A_95 : memref<64x128xf32, #tpu.memory_space<vmem_shared>>) target_semaphore(%run_scoped3A : memref<!tpu.dma_semaphore, #tpu.memory_space<semaphore_mem>>)
      %dma_wait3A = arith.constant 0 : i32
      %dma_wait3A_96 = tpu.memref_slice %arg17[%add3A_34, %dma_wait3A] : memref<10240x128xf32, #tpu.memory_space<vmem_shared>> -> memref<64x128xf32, #tpu.memory_space<vmem_shared>>
      %dma_wait3A_97 = arith.constant 0 : i32
      %dma_wait3A_98 = tpu.memref_slice %arg17[%add3A_34, %dma_wait3A_97] : memref<10240x128xf32, #tpu.memory_space<vmem_shared>> -> memref<64x128xf32, #tpu.memory_space<vmem_shared>>
      tpu.wait_dma2 semaphore(%run_scoped3A : memref<!tpu.dma_semaphore, #tpu.memory_space<semaphore_mem>>) src(%arg13 : memref<64x128xf32, #tpu.memory_space<vmem>>) dst(%dma_wait3A_98 : memref<64x128xf32, #tpu.memory_space<vmem_shared>>)
      tpu.yield
    }) : () -> ()
    %mul3A_35 = arith.constant 640 : i32
    %mul3A_36 = arith.muli %arg1, %mul3A_35 : i32
    %add3A_37 = arith.constant 448 : i32
    %add3A_38 = arith.addi %mul3A_36, %add3A_37 : i32
    "tpu.region"() ({
      %run_scoped3A = tpu.sem_alloc : memref<!tpu.dma_semaphore, #tpu.memory_space<semaphore_mem>>
      %dma_start3A_92 = arith.constant 0 : i32
      %dma_start3A_93 = tpu.memref_slice %arg17[%add3A_38, %dma_start3A_92] : memref<10240x128xf32, #tpu.memory_space<vmem_shared>> -> memref<64x128xf32, #tpu.memory_space<vmem_shared>>
      %dma_start3A_94 = arith.constant 0 : i32
      %dma_start3A_95 = tpu.memref_slice %arg17[%add3A_38, %dma_start3A_94] : memref<10240x128xf32, #tpu.memory_space<vmem_shared>> -> memref<64x128xf32, #tpu.memory_space<vmem_shared>>
      tpu.enqueue_dma source(%arg13 : memref<64x128xf32, #tpu.memory_space<vmem>>) target(%dma_start3A_95 : memref<64x128xf32, #tpu.memory_space<vmem_shared>>) target_semaphore(%run_scoped3A : memref<!tpu.dma_semaphore, #tpu.memory_space<semaphore_mem>>)
      %dma_wait3A = arith.constant 0 : i32
      %dma_wait3A_96 = tpu.memref_slice %arg17[%add3A_38, %dma_wait3A] : memref<10240x128xf32, #tpu.memory_space<vmem_shared>> -> memref<64x128xf32, #tpu.memory_space<vmem_shared>>
      %dma_wait3A_97 = arith.constant 0 : i32
      %dma_wait3A_98 = tpu.memref_slice %arg17[%add3A_38, %dma_wait3A_97] : memref<10240x128xf32, #tpu.memory_space<vmem_shared>> -> memref<64x128xf32, #tpu.memory_space<vmem_shared>>
      tpu.wait_dma2 semaphore(%run_scoped3A : memref<!tpu.dma_semaphore, #tpu.memory_space<semaphore_mem>>) src(%arg13 : memref<64x128xf32, #tpu.memory_space<vmem>>) dst(%dma_wait3A_98 : memref<64x128xf32, #tpu.memory_space<vmem_shared>>)
      tpu.yield
    }) : () -> ()
    %mul3A_39 = arith.constant 640 : i32
    %mul3A_40 = arith.muli %arg1, %mul3A_39 : i32
    %add3A_41 = arith.constant 512 : i32
    %add3A_42 = arith.addi %mul3A_40, %add3A_41 : i32
    "tpu.region"() ({
      %run_scoped3A = tpu.sem_alloc : memref<!tpu.dma_semaphore, #tpu.memory_space<semaphore_mem>>
      %dma_start3A_92 = arith.constant 0 : i32
      %dma_start3A_93 = tpu.memref_slice %arg17[%add3A_42, %dma_start3A_92] : memref<10240x128xf32, #tpu.memory_space<vmem_shared>> -> memref<64x128xf32, #tpu.memory_space<vmem_shared>>
      %dma_start3A_94 = arith.constant 0 : i32
      %dma_start3A_95 = tpu.memref_slice %arg17[%add3A_42, %dma_start3A_94] : memref<10240x128xf32, #tpu.memory_space<vmem_shared>> -> memref<64x128xf32, #tpu.memory_space<vmem_shared>>
      tpu.enqueue_dma source(%arg13 : memref<64x128xf32, #tpu.memory_space<vmem>>) target(%dma_start3A_95 : memref<64x128xf32, #tpu.memory_space<vmem_shared>>) target_semaphore(%run_scoped3A : memref<!tpu.dma_semaphore, #tpu.memory_space<semaphore_mem>>)
      %dma_wait3A = arith.constant 0 : i32
      %dma_wait3A_96 = tpu.memref_slice %arg17[%add3A_42, %dma_wait3A] : memref<10240x128xf32, #tpu.memory_space<vmem_shared>> -> memref<64x128xf32, #tpu.memory_space<vmem_shared>>
      %dma_wait3A_97 = arith.constant 0 : i32
      %dma_wait3A_98 = tpu.memref_slice %arg17[%add3A_42, %dma_wait3A_97] : memref<10240x128xf32, #tpu.memory_space<vmem_shared>> -> memref<64x128xf32, #tpu.memory_space<vmem_shared>>
      tpu.wait_dma2 semaphore(%run_scoped3A : memref<!tpu.dma_semaphore, #tpu.memory_space<semaphore_mem>>) src(%arg13 : memref<64x128xf32, #tpu.memory_space<vmem>>) dst(%dma_wait3A_98 : memref<64x128xf32, #tpu.memory_space<vmem_shared>>)
      tpu.yield
    }) : () -> ()
    %mul3A_43 = arith.constant 640 : i32
    %mul3A_44 = arith.muli %arg1, %mul3A_43 : i32
    %add3A_45 = arith.constant 576 : i32
    %add3A_46 = arith.addi %mul3A_44, %add3A_45 : i32
    "tpu.region"() ({
      %run_scoped3A = tpu.sem_alloc : memref<!tpu.dma_semaphore, #tpu.memory_space<semaphore_mem>>
      %dma_start3A_92 = arith.constant 0 : i32
      %dma_start3A_93 = tpu.memref_slice %arg17[%add3A_46, %dma_start3A_92] : memref<10240x128xf32, #tpu.memory_space<vmem_shared>> -> memref<64x128xf32, #tpu.memory_space<vmem_shared>>
      %dma_start3A_94 = arith.constant 0 : i32
      %dma_start3A_95 = tpu.memref_slice %arg17[%add3A_46, %dma_start3A_94] : memref<10240x128xf32, #tpu.memory_space<vmem_shared>> -> memref<64x128xf32, #tpu.memory_space<vmem_shared>>
      tpu.enqueue_dma source(%arg13 : memref<64x128xf32, #tpu.memory_space<vmem>>) target(%dma_start3A_95 : memref<64x128xf32, #tpu.memory_space<vmem_shared>>) target_semaphore(%run_scoped3A : memref<!tpu.dma_semaphore, #tpu.memory_space<semaphore_mem>>)
      %dma_wait3A = arith.constant 0 : i32
      %dma_wait3A_96 = tpu.memref_slice %arg17[%add3A_46, %dma_wait3A] : memref<10240x128xf32, #tpu.memory_space<vmem_shared>> -> memref<64x128xf32, #tpu.memory_space<vmem_shared>>
      %dma_wait3A_97 = arith.constant 0 : i32
      %dma_wait3A_98 = tpu.memref_slice %arg17[%add3A_46, %dma_wait3A_97] : memref<10240x128xf32, #tpu.memory_space<vmem_shared>> -> memref<64x128xf32, #tpu.memory_space<vmem_shared>>
      tpu.wait_dma2 semaphore(%run_scoped3A : memref<!tpu.dma_semaphore, #tpu.memory_space<semaphore_mem>>) src(%arg13 : memref<64x128xf32, #tpu.memory_space<vmem>>) dst(%dma_wait3A_98 : memref<64x128xf32, #tpu.memory_space<vmem_shared>>)
      tpu.yield
    }) : () -> ()
    %barrier3A = arith.constant 0 : index
    tpu.barrier barrier_id(%barrier3A)
    %mul3A_47 = arith.constant 160 : i32
    %mul3A_48 = arith.muli %add3A, %mul3A_47 : i32
    %add3A_49 = arith.constant 0 : i32
    %add3A_50 = arith.addi %mul3A_48, %add3A_49 : i32
    %mul3A_51 = arith.constant 64 : i32
    %mul3A_52 = arith.muli %add3A_50, %mul3A_51 : i32
    %dma_start3A = tpu.memref_slice %arg4[%mul3A_52] : memref<320000xi32, #tpu.memory_space<hbm>> -> memref<64xi32, #tpu.memory_space<hbm>>
    %dma_start3A_53 = tpu.memref_slice %arg4[%mul3A_52] : memref<320000xi32, #tpu.memory_space<hbm>> -> memref<64xi32, #tpu.memory_space<hbm>>
    tpu.enqueue_dma source(%dma_start3A_53 : memref<64xi32, #tpu.memory_space<hbm>>) target(%arg9 : memref<64xi32, #tpu.memory_space<vmem>>) target_semaphore(%arg18 : memref<!tpu.dma_semaphore, #tpu.memory_space<semaphore_mem>>)
    %dma_start3A_54 = arith.constant 0 : i32
    %dma_start3A_55 = tpu.memref_slice %arg8[%dma_start3A_54] : memref<10240xi32, #tpu.memory_space<vmem>> -> memref<64xi32, #tpu.memory_space<vmem>>
    %dma_start3A_56 = arith.constant 0 : i32
    %dma_start3A_57 = arith.constant 0 : i32
    %dma_start3A_58 = tpu.memref_slice %arg2[%dma_start3A_56, %dma_start3A_57] : memref<10000x128xf32, #tpu.memory_space<hbm>> -> memref<10000x128xf32, #tpu.memory_space<hbm>>
    tpu.enqueue_indirect_dma source(%dma_start3A_58 : memref<10000x128xf32, #tpu.memory_space<hbm>>) target(%arg13 : memref<64x128xf32, #tpu.memory_space<vmem>>) offsets(%dma_start3A_55 : memref<64xi32, #tpu.memory_space<vmem>>) semaphore(%arg18 : memref<!tpu.dma_semaphore, #tpu.memory_space<semaphore_mem>>)
    %mul3A_59 = arith.constant 160 : i32
    %mul3A_60 = arith.muli %add3A, %mul3A_59 : i32
    %add3A_61 = arith.constant 1 : i32
    %add3A_62 = arith.addi %mul3A_60, %add3A_61 : i32
    %mul3A_63 = arith.constant 64 : i32
    %mul3A_64 = arith.muli %add3A_62, %mul3A_63 : i32
    %dma_start3A_65 = tpu.memref_slice %arg4[%mul3A_64] : memref<320000xi32, #tpu.memory_space<hbm>> -> memref<64xi32, #tpu.memory_space<hbm>>
    %dma_start3A_66 = tpu.memref_slice %arg4[%mul3A_64] : memref<320000xi32, #tpu.memory_space<hbm>> -> memref<64xi32, #tpu.memory_space<hbm>>
    tpu.enqueue_dma source(%dma_start3A_66 : memref<64xi32, #tpu.memory_space<hbm>>) target(%arg10 : memref<64xi32, #tpu.memory_space<vmem>>) target_semaphore(%arg19 : memref<!tpu.dma_semaphore, #tpu.memory_space<semaphore_mem>>)
    %dma_start3A_67 = arith.constant 64 : i32
    %dma_start3A_68 = tpu.memref_slice %arg8[%dma_start3A_67] : memref<10240xi32, #tpu.memory_space<vmem>> -> memref<64xi32, #tpu.memory_space<vmem>>
    %dma_start3A_69 = arith.constant 0 : i32
    %dma_start3A_70 = arith.constant 0 : i32
    %dma_start3A_71 = tpu.memref_slice %arg2[%dma_start3A_69, %dma_start3A_70] : memref<10000x128xf32, #tpu.memory_space<hbm>> -> memref<10000x128xf32, #tpu.memory_space<hbm>>
    tpu.enqueue_indirect_dma source(%dma_start3A_71 : memref<10000x128xf32, #tpu.memory_space<hbm>>) target(%arg14 : memref<64x128xf32, #tpu.memory_space<vmem>>) offsets(%dma_start3A_68 : memref<64xi32, #tpu.memory_space<vmem>>) semaphore(%arg19 : memref<!tpu.dma_semaphore, #tpu.memory_space<semaphore_mem>>)
    %while3A = arith.constant 0 : i32
    %while3A_72 = arith.constant 0 : i32
    %while3A_73 = arith.subi %select_n3A, %while3A_72 : i32
    %while3A_74 = arith.addi %while3A_72, %while3A_73 : i32
    %while3A_75 = arith.constant 1 : i32
    %while3A_76 = arith.divsi %while3A_73, %while3A_75 : i32
    %while3A_77 = arith.muli %while3A_76, %while3A_75 : i32
    %while3A_78 = arith.addi %while3A_72, %while3A_77 : i32
    %while3A_79 = arith.constant 1 : i32
    scf.for %while3A_92 = %while3A_72 to %while3A_78 step %while3A_79  : i32 {
      %mul3A_93 = arith.constant 4 : i32
      %mul3A_94 = arith.muli %while3A_92, %mul3A_93 : i32
      %add3A_95 = arith.constant 0 : i32
      %add3A_96 = arith.addi %mul3A_94, %add3A_95 : i32
      %gt3A = arith.constant 0 : i32
      %gt3A_97 = arith.cmpi sgt, %while3A_92, %gt3A : i32
      %convert_element_type3A_98 = arith.extui %gt3A_97 : i1 to i32
      %cond3A_99 = arith.constant 0 : i32
      %cond3A_100 = arith.cmpi ne, %convert_element_type3A_98, %cond3A_99 : i32
      scf.if %cond3A_100 {
        tpu.wait_dma2 semaphore(%arg24 : memref<!tpu.dma_semaphore, #tpu.memory_space<semaphore_mem>>) src(%arg5 : memref<64x128xf32, #tpu.memory_space<hbm>>) dst(%arg15 : memref<64x128xf32, #tpu.memory_space<vmem>>)
      } else {
      }
      %add3A_101 = arith.constant 2 : i32
      %add3A_102 = arith.addi %add3A_96, %add3A_101 : i32
      %mul3A_103 = arith.constant 160 : i32
      %mul3A_104 = arith.muli %add3A, %mul3A_103 : i32
      %add3A_105 = arith.addi %mul3A_104, %add3A_102 : i32
      %mul3A_106 = arith.constant 64 : i32
      %mul3A_107 = arith.muli %add3A_105, %mul3A_106 : i32
      %dma_start3A_108 = tpu.memref_slice %arg4[%mul3A_107] : memref<320000xi32, #tpu.memory_space<hbm>> -> memref<64xi32, #tpu.memory_space<hbm>>
      %dma_start3A_109 = tpu.memref_slice %arg4[%mul3A_107] : memref<320000xi32, #tpu.memory_space<hbm>> -> memref<64xi32, #tpu.memory_space<hbm>>
      tpu.enqueue_dma source(%dma_start3A_109 : memref<64xi32, #tpu.memory_space<hbm>>) target(%arg11 : memref<64xi32, #tpu.memory_space<vmem>>) target_semaphore(%arg20 : memref<!tpu.dma_semaphore, #tpu.memory_space<semaphore_mem>>)
      %mul3A_110 = arith.constant 64 : i32
      %mul3A_111 = arith.muli %add3A_102, %mul3A_110 : i32
      %dma_start3A_112 = tpu.memref_slice %arg8[%mul3A_111] : memref<10240xi32, #tpu.memory_space<vmem>> -> memref<64xi32, #tpu.memory_space<vmem>>
      %dma_start3A_113 = arith.constant 0 : i32
      %dma_start3A_114 = arith.constant 0 : i32
      %dma_start3A_115 = tpu.memref_slice %arg2[%dma_start3A_113, %dma_start3A_114] : memref<10000x128xf32, #tpu.memory_space<hbm>> -> memref<10000x128xf32, #tpu.memory_space<hbm>>
      tpu.enqueue_indirect_dma source(%dma_start3A_115 : memref<10000x128xf32, #tpu.memory_space<hbm>>) target(%arg15 : memref<64x128xf32, #tpu.memory_space<vmem>>) offsets(%dma_start3A_112 : memref<64xi32, #tpu.memory_space<vmem>>) semaphore(%arg20 : memref<!tpu.dma_semaphore, #tpu.memory_space<semaphore_mem>>)
      %dma_wait3A = arith.constant 0 : i32
      %dma_wait3A_116 = tpu.memref_slice %arg4[%dma_wait3A] : memref<320000xi32, #tpu.memory_space<hbm>> -> memref<64xi32, #tpu.memory_space<hbm>>
      %dma_wait3A_117 = arith.constant 0 : i32
      %dma_wait3A_118 = tpu.memref_slice %arg4[%dma_wait3A_117] : memref<320000xi32, #tpu.memory_space<hbm>> -> memref<64xi32, #tpu.memory_space<hbm>>
      tpu.wait_dma2 semaphore(%arg18 : memref<!tpu.dma_semaphore, #tpu.memory_space<semaphore_mem>>) src(%dma_wait3A_118 : memref<64xi32, #tpu.memory_space<hbm>>) dst(%arg9 : memref<64xi32, #tpu.memory_space<vmem>>)
      tpu.wait_dma2 semaphore(%arg18 : memref<!tpu.dma_semaphore, #tpu.memory_space<semaphore_mem>>) src(%arg5 : memref<64x128xf32, #tpu.memory_space<hbm>>) dst(%arg13 : memref<64x128xf32, #tpu.memory_space<vmem>>)
      %dma_start3A_119 = arith.constant 0 : i32
      %dma_start3A_120 = arith.constant 0 : i32
      %dma_start3A_121 = tpu.memref_slice %arg17[%dma_start3A_119, %dma_start3A_120] : memref<10240x128xf32, #tpu.memory_space<vmem_shared>> -> memref<10240x128xf32, #tpu.memory_space<vmem_shared>>
      tpu.enqueue_indirect_dma source(%arg13 : memref<64x128xf32, #tpu.memory_space<vmem>>) target(%dma_start3A_121 : memref<10240x128xf32, #tpu.memory_space<vmem_shared>>) offsets(%arg9 : memref<64xi32, #tpu.memory_space<vmem>>) semaphore(%arg22 : memref<!tpu.dma_semaphore, #tpu.memory_space<semaphore_mem>>) {add = true}
      %mul3A_122 = arith.constant 4 : i32
      %mul3A_123 = arith.muli %while3A_92, %mul3A_122 : i32
      %add3A_124 = arith.constant 1 : i32
      %add3A_125 = arith.addi %mul3A_123, %add3A_124 : i32
      %gt3A_126 = arith.constant 0 : i32
      %gt3A_127 = arith.cmpi sgt, %while3A_92, %gt3A_126 : i32
      %convert_element_type3A_128 = arith.extui %gt3A_127 : i1 to i32
      %cond3A_129 = arith.constant 0 : i32
      %cond3A_130 = arith.cmpi ne, %convert_element_type3A_128, %cond3A_129 : i32
      scf.if %cond3A_130 {
        tpu.wait_dma2 semaphore(%arg25 : memref<!tpu.dma_semaphore, #tpu.memory_space<semaphore_mem>>) src(%arg5 : memref<64x128xf32, #tpu.memory_space<hbm>>) dst(%arg16 : memref<64x128xf32, #tpu.memory_space<vmem>>)
      } else {
      }
      %add3A_131 = arith.constant 2 : i32
      %add3A_132 = arith.addi %add3A_125, %add3A_131 : i32
      %mul3A_133 = arith.constant 160 : i32
      %mul3A_134 = arith.muli %add3A, %mul3A_133 : i32
      %add3A_135 = arith.addi %mul3A_134, %add3A_132 : i32
      %mul3A_136 = arith.constant 64 : i32
      %mul3A_137 = arith.muli %add3A_135, %mul3A_136 : i32
      %dma_start3A_138 = tpu.memref_slice %arg4[%mul3A_137] : memref<320000xi32, #tpu.memory_space<hbm>> -> memref<64xi32, #tpu.memory_space<hbm>>
      %dma_start3A_139 = tpu.memref_slice %arg4[%mul3A_137] : memref<320000xi32, #tpu.memory_space<hbm>> -> memref<64xi32, #tpu.memory_space<hbm>>
      tpu.enqueue_dma source(%dma_start3A_139 : memref<64xi32, #tpu.memory_space<hbm>>) target(%arg12 : memref<64xi32, #tpu.memory_space<vmem>>) target_semaphore(%arg21 : memref<!tpu.dma_semaphore, #tpu.memory_space<semaphore_mem>>)
      %mul3A_140 = arith.constant 64 : i32
      %mul3A_141 = arith.muli %add3A_132, %mul3A_140 : i32
      %dma_start3A_142 = tpu.memref_slice %arg8[%mul3A_141] : memref<10240xi32, #tpu.memory_space<vmem>> -> memref<64xi32, #tpu.memory_space<vmem>>
      %dma_start3A_143 = arith.constant 0 : i32
      %dma_start3A_144 = arith.constant 0 : i32
      %dma_start3A_145 = tpu.memref_slice %arg2[%dma_start3A_143, %dma_start3A_144] : memref<10000x128xf32, #tpu.memory_space<hbm>> -> memref<10000x128xf32, #tpu.memory_space<hbm>>
      tpu.enqueue_indirect_dma source(%dma_start3A_145 : memref<10000x128xf32, #tpu.memory_space<hbm>>) target(%arg16 : memref<64x128xf32, #tpu.memory_space<vmem>>) offsets(%dma_start3A_142 : memref<64xi32, #tpu.memory_space<vmem>>) semaphore(%arg21 : memref<!tpu.dma_semaphore, #tpu.memory_space<semaphore_mem>>)
      %dma_wait3A_146 = arith.constant 0 : i32
      %dma_wait3A_147 = tpu.memref_slice %arg4[%dma_wait3A_146] : memref<320000xi32, #tpu.memory_space<hbm>> -> memref<64xi32, #tpu.memory_space<hbm>>
      %dma_wait3A_148 = arith.constant 0 : i32
      %dma_wait3A_149 = tpu.memref_slice %arg4[%dma_wait3A_148] : memref<320000xi32, #tpu.memory_space<hbm>> -> memref<64xi32, #tpu.memory_space<hbm>>
      tpu.wait_dma2 semaphore(%arg19 : memref<!tpu.dma_semaphore, #tpu.memory_space<semaphore_mem>>) src(%dma_wait3A_149 : memref<64xi32, #tpu.memory_space<hbm>>) dst(%arg10 : memref<64xi32, #tpu.memory_space<vmem>>)
      tpu.wait_dma2 semaphore(%arg19 : memref<!tpu.dma_semaphore, #tpu.memory_space<semaphore_mem>>) src(%arg5 : memref<64x128xf32, #tpu.memory_space<hbm>>) dst(%arg14 : memref<64x128xf32, #tpu.memory_space<vmem>>)
      %dma_start3A_150 = arith.constant 0 : i32
      %dma_start3A_151 = arith.constant 0 : i32
      %dma_start3A_152 = tpu.memref_slice %arg17[%dma_start3A_150, %dma_start3A_151] : memref<10240x128xf32, #tpu.memory_space<vmem_shared>> -> memref<10240x128xf32, #tpu.memory_space<vmem_shared>>
      tpu.enqueue_indirect_dma source(%arg14 : memref<64x128xf32, #tpu.memory_space<vmem>>) target(%dma_start3A_152 : memref<10240x128xf32, #tpu.memory_space<vmem_shared>>) offsets(%arg10 : memref<64xi32, #tpu.memory_space<vmem>>) semaphore(%arg23 : memref<!tpu.dma_semaphore, #tpu.memory_space<semaphore_mem>>) {add = true}
      %mul3A_153 = arith.constant 4 : i32
      %mul3A_154 = arith.muli %while3A_92, %mul3A_153 : i32
      %add3A_155 = arith.constant 2 : i32
      %add3A_156 = arith.addi %mul3A_154, %add3A_155 : i32
      %sub3A = arith.constant 1 : i32
      %sub3A_157 = arith.subi %select_n3A, %sub3A : i32
      %lt3A_158 = arith.cmpi slt, %while3A_92, %sub3A_157 : i32
      %convert_element_type3A_159 = arith.extui %lt3A_158 : i1 to i32
      %cond3A_160 = arith.constant 0 : i32
      %cond3A_161 = arith.cmpi ne, %convert_element_type3A_159, %cond3A_160 : i32
      scf.if %cond3A_161 {
        tpu.wait_dma2 semaphore(%arg22 : memref<!tpu.dma_semaphore, #tpu.memory_space<semaphore_mem>>) src(%arg5 : memref<64x128xf32, #tpu.memory_space<hbm>>) dst(%arg13 : memref<64x128xf32, #tpu.memory_space<vmem>>)
        %add3A_186 = arith.constant 2 : i32
        %add3A_187 = arith.addi %add3A_156, %add3A_186 : i32
        %mul3A_188 = arith.constant 160 : i32
        %mul3A_189 = arith.muli %add3A, %mul3A_188 : i32
        %add3A_190 = arith.addi %mul3A_189, %add3A_187 : i32
        %mul3A_191 = arith.constant 64 : i32
        %mul3A_192 = arith.muli %add3A_190, %mul3A_191 : i32
        %dma_start3A_193 = tpu.memref_slice %arg4[%mul3A_192] : memref<320000xi32, #tpu.memory_space<hbm>> -> memref<64xi32, #tpu.memory_space<hbm>>
        %dma_start3A_194 = tpu.memref_slice %arg4[%mul3A_192] : memref<320000xi32, #tpu.memory_space<hbm>> -> memref<64xi32, #tpu.memory_space<hbm>>
        tpu.enqueue_dma source(%dma_start3A_194 : memref<64xi32, #tpu.memory_space<hbm>>) target(%arg9 : memref<64xi32, #tpu.memory_space<vmem>>) target_semaphore(%arg18 : memref<!tpu.dma_semaphore, #tpu.memory_space<semaphore_mem>>)
        %mul3A_195 = arith.constant 64 : i32
        %mul3A_196 = arith.muli %add3A_187, %mul3A_195 : i32
        %dma_start3A_197 = tpu.memref_slice %arg8[%mul3A_196] : memref<10240xi32, #tpu.memory_space<vmem>> -> memref<64xi32, #tpu.memory_space<vmem>>
        %dma_start3A_198 = arith.constant 0 : i32
        %dma_start3A_199 = arith.constant 0 : i32
        %dma_start3A_200 = tpu.memref_slice %arg2[%dma_start3A_198, %dma_start3A_199] : memref<10000x128xf32, #tpu.memory_space<hbm>> -> memref<10000x128xf32, #tpu.memory_space<hbm>>
        tpu.enqueue_indirect_dma source(%dma_start3A_200 : memref<10000x128xf32, #tpu.memory_space<hbm>>) target(%arg13 : memref<64x128xf32, #tpu.memory_space<vmem>>) offsets(%dma_start3A_197 : memref<64xi32, #tpu.memory_space<vmem>>) semaphore(%arg18 : memref<!tpu.dma_semaphore, #tpu.memory_space<semaphore_mem>>)
      } else {
      }
      %dma_wait3A_162 = arith.constant 0 : i32
      %dma_wait3A_163 = tpu.memref_slice %arg4[%dma_wait3A_162] : memref<320000xi32, #tpu.memory_space<hbm>> -> memref<64xi32, #tpu.memory_space<hbm>>
      %dma_wait3A_164 = arith.constant 0 : i32
      %dma_wait3A_165 = tpu.memref_slice %arg4[%dma_wait3A_164] : memref<320000xi32, #tpu.memory_space<hbm>> -> memref<64xi32, #tpu.memory_space<hbm>>
      tpu.wait_dma2 semaphore(%arg20 : memref<!tpu.dma_semaphore, #tpu.memory_space<semaphore_mem>>) src(%dma_wait3A_165 : memref<64xi32, #tpu.memory_space<hbm>>) dst(%arg11 : memref<64xi32, #tpu.memory_space<vmem>>)
      tpu.wait_dma2 semaphore(%arg20 : memref<!tpu.dma_semaphore, #tpu.memory_space<semaphore_mem>>) src(%arg5 : memref<64x128xf32, #tpu.memory_space<hbm>>) dst(%arg15 : memref<64x128xf32, #tpu.memory_space<vmem>>)
      %dma_start3A_166 = arith.constant 0 : i32
      %dma_start3A_167 = arith.constant 0 : i32
      %dma_start3A_168 = tpu.memref_slice %arg17[%dma_start3A_166, %dma_start3A_167] : memref<10240x128xf32, #tpu.memory_space<vmem_shared>> -> memref<10240x128xf32, #tpu.memory_space<vmem_shared>>
      tpu.enqueue_indirect_dma source(%arg15 : memref<64x128xf32, #tpu.memory_space<vmem>>) target(%dma_start3A_168 : memref<10240x128xf32, #tpu.memory_space<vmem_shared>>) offsets(%arg11 : memref<64xi32, #tpu.memory_space<vmem>>) semaphore(%arg24 : memref<!tpu.dma_semaphore, #tpu.memory_space<semaphore_mem>>) {add = true}
      %mul3A_169 = arith.constant 4 : i32
      %mul3A_170 = arith.muli %while3A_92, %mul3A_169 : i32
      %add3A_171 = arith.constant 3 : i32
      %add3A_172 = arith.addi %mul3A_170, %add3A_171 : i32
      %sub3A_173 = arith.constant 1 : i32
      %sub3A_174 = arith.subi %select_n3A, %sub3A_173 : i32
      %lt3A_175 = arith.cmpi slt, %while3A_92, %sub3A_174 : i32
      %convert_element_type3A_176 = arith.extui %lt3A_175 : i1 to i32
      %cond3A_177 = arith.constant 0 : i32
      %cond3A_178 = arith.cmpi ne, %convert_element_type3A_176, %cond3A_177 : i32
      scf.if %cond3A_178 {
        tpu.wait_dma2 semaphore(%arg23 : memref<!tpu.dma_semaphore, #tpu.memory_space<semaphore_mem>>) src(%arg5 : memref<64x128xf32, #tpu.memory_space<hbm>>) dst(%arg14 : memref<64x128xf32, #tpu.memory_space<vmem>>)
        %add3A_186 = arith.constant 2 : i32
        %add3A_187 = arith.addi %add3A_172, %add3A_186 : i32
        %mul3A_188 = arith.constant 160 : i32
        %mul3A_189 = arith.muli %add3A, %mul3A_188 : i32
        %add3A_190 = arith.addi %mul3A_189, %add3A_187 : i32
        %mul3A_191 = arith.constant 64 : i32
        %mul3A_192 = arith.muli %add3A_190, %mul3A_191 : i32
        %dma_start3A_193 = tpu.memref_slice %arg4[%mul3A_192] : memref<320000xi32, #tpu.memory_space<hbm>> -> memref<64xi32, #tpu.memory_space<hbm>>
        %dma_start3A_194 = tpu.memref_slice %arg4[%mul3A_192] : memref<320000xi32, #tpu.memory_space<hbm>> -> memref<64xi32, #tpu.memory_space<hbm>>
        tpu.enqueue_dma source(%dma_start3A_194 : memref<64xi32, #tpu.memory_space<hbm>>) target(%arg10 : memref<64xi32, #tpu.memory_space<vmem>>) target_semaphore(%arg19 : memref<!tpu.dma_semaphore, #tpu.memory_space<semaphore_mem>>)
        %mul3A_195 = arith.constant 64 : i32
        %mul3A_196 = arith.muli %add3A_187, %mul3A_195 : i32
        %dma_start3A_197 = tpu.memref_slice %arg8[%mul3A_196] : memref<10240xi32, #tpu.memory_space<vmem>> -> memref<64xi32, #tpu.memory_space<vmem>>
        %dma_start3A_198 = arith.constant 0 : i32
        %dma_start3A_199 = arith.constant 0 : i32
        %dma_start3A_200 = tpu.memref_slice %arg2[%dma_start3A_198, %dma_start3A_199] : memref<10000x128xf32, #tpu.memory_space<hbm>> -> memref<10000x128xf32, #tpu.memory_space<hbm>>
        tpu.enqueue_indirect_dma source(%dma_start3A_200 : memref<10000x128xf32, #tpu.memory_space<hbm>>) target(%arg14 : memref<64x128xf32, #tpu.memory_space<vmem>>) offsets(%dma_start3A_197 : memref<64xi32, #tpu.memory_space<vmem>>) semaphore(%arg19 : memref<!tpu.dma_semaphore, #tpu.memory_space<semaphore_mem>>)
      } else {
      }
      %dma_wait3A_179 = arith.constant 0 : i32
      %dma_wait3A_180 = tpu.memref_slice %arg4[%dma_wait3A_179] : memref<320000xi32, #tpu.memory_space<hbm>> -> memref<64xi32, #tpu.memory_space<hbm>>
      %dma_wait3A_181 = arith.constant 0 : i32
      %dma_wait3A_182 = tpu.memref_slice %arg4[%dma_wait3A_181] : memref<320000xi32, #tpu.memory_space<hbm>> -> memref<64xi32, #tpu.memory_space<hbm>>
      tpu.wait_dma2 semaphore(%arg21 : memref<!tpu.dma_semaphore, #tpu.memory_space<semaphore_mem>>) src(%dma_wait3A_182 : memref<64xi32, #tpu.memory_space<hbm>>) dst(%arg12 : memref<64xi32, #tpu.memory_space<vmem>>)
      tpu.wait_dma2 semaphore(%arg21 : memref<!tpu.dma_semaphore, #tpu.memory_space<semaphore_mem>>) src(%arg5 : memref<64x128xf32, #tpu.memory_space<hbm>>) dst(%arg16 : memref<64x128xf32, #tpu.memory_space<vmem>>)
      %dma_start3A_183 = arith.constant 0 : i32
      %dma_start3A_184 = arith.constant 0 : i32
      %dma_start3A_185 = tpu.memref_slice %arg17[%dma_start3A_183, %dma_start3A_184] : memref<10240x128xf32, #tpu.memory_space<vmem_shared>> -> memref<10240x128xf32, #tpu.memory_space<vmem_shared>>
      tpu.enqueue_indirect_dma source(%arg16 : memref<64x128xf32, #tpu.memory_space<vmem>>) target(%dma_start3A_185 : memref<10240x128xf32, #tpu.memory_space<vmem_shared>>) offsets(%arg12 : memref<64xi32, #tpu.memory_space<vmem>>) semaphore(%arg25 : memref<!tpu.dma_semaphore, #tpu.memory_space<semaphore_mem>>) {add = true}
    }
    %while3A_80 = arith.constant 1 : i32
    scf.for %while3A_92 = %while3A_78 to %while3A_74 step %while3A_80  : i32 {
      %mul3A_93 = arith.constant 4 : i32
      %mul3A_94 = arith.muli %while3A_92, %mul3A_93 : i32
      %add3A_95 = arith.constant 0 : i32
      %add3A_96 = arith.addi %mul3A_94, %add3A_95 : i32
      %gt3A = arith.constant 0 : i32
      %gt3A_97 = arith.cmpi sgt, %while3A_92, %gt3A : i32
      %convert_element_type3A_98 = arith.extui %gt3A_97 : i1 to i32
      %cond3A_99 = arith.constant 0 : i32
      %cond3A_100 = arith.cmpi ne, %convert_element_type3A_98, %cond3A_99 : i32
      scf.if %cond3A_100 {
        tpu.wait_dma2 semaphore(%arg24 : memref<!tpu.dma_semaphore, #tpu.memory_space<semaphore_mem>>) src(%arg5 : memref<64x128xf32, #tpu.memory_space<hbm>>) dst(%arg15 : memref<64x128xf32, #tpu.memory_space<vmem>>)
      } else {
      }
      %add3A_101 = arith.constant 2 : i32
      %add3A_102 = arith.addi %add3A_96, %add3A_101 : i32
      %mul3A_103 = arith.constant 160 : i32
      %mul3A_104 = arith.muli %add3A, %mul3A_103 : i32
      %add3A_105 = arith.addi %mul3A_104, %add3A_102 : i32
      %mul3A_106 = arith.constant 64 : i32
      %mul3A_107 = arith.muli %add3A_105, %mul3A_106 : i32
      %dma_start3A_108 = tpu.memref_slice %arg4[%mul3A_107] : memref<320000xi32, #tpu.memory_space<hbm>> -> memref<64xi32, #tpu.memory_space<hbm>>
      %dma_start3A_109 = tpu.memref_slice %arg4[%mul3A_107] : memref<320000xi32, #tpu.memory_space<hbm>> -> memref<64xi32, #tpu.memory_space<hbm>>
      tpu.enqueue_dma source(%dma_start3A_109 : memref<64xi32, #tpu.memory_space<hbm>>) target(%arg11 : memref<64xi32, #tpu.memory_space<vmem>>) target_semaphore(%arg20 : memref<!tpu.dma_semaphore, #tpu.memory_space<semaphore_mem>>)
      %mul3A_110 = arith.constant 64 : i32
      %mul3A_111 = arith.muli %add3A_102, %mul3A_110 : i32
      %dma_start3A_112 = tpu.memref_slice %arg8[%mul3A_111] : memref<10240xi32, #tpu.memory_space<vmem>> -> memref<64xi32, #tpu.memory_space<vmem>>
      %dma_start3A_113 = arith.constant 0 : i32
      %dma_start3A_114 = arith.constant 0 : i32
      %dma_start3A_115 = tpu.memref_slice %arg2[%dma_start3A_113, %dma_start3A_114] : memref<10000x128xf32, #tpu.memory_space<hbm>> -> memref<10000x128xf32, #tpu.memory_space<hbm>>
      tpu.enqueue_indirect_dma source(%dma_start3A_115 : memref<10000x128xf32, #tpu.memory_space<hbm>>) target(%arg15 : memref<64x128xf32, #tpu.memory_space<vmem>>) offsets(%dma_start3A_112 : memref<64xi32, #tpu.memory_space<vmem>>) semaphore(%arg20 : memref<!tpu.dma_semaphore, #tpu.memory_space<semaphore_mem>>)
      %dma_wait3A = arith.constant 0 : i32
      %dma_wait3A_116 = tpu.memref_slice %arg4[%dma_wait3A] : memref<320000xi32, #tpu.memory_space<hbm>> -> memref<64xi32, #tpu.memory_space<hbm>>
      %dma_wait3A_117 = arith.constant 0 : i32
      %dma_wait3A_118 = tpu.memref_slice %arg4[%dma_wait3A_117] : memref<320000xi32, #tpu.memory_space<hbm>> -> memref<64xi32, #tpu.memory_space<hbm>>
      tpu.wait_dma2 semaphore(%arg18 : memref<!tpu.dma_semaphore, #tpu.memory_space<semaphore_mem>>) src(%dma_wait3A_118 : memref<64xi32, #tpu.memory_space<hbm>>) dst(%arg9 : memref<64xi32, #tpu.memory_space<vmem>>)
      tpu.wait_dma2 semaphore(%arg18 : memref<!tpu.dma_semaphore, #tpu.memory_space<semaphore_mem>>) src(%arg5 : memref<64x128xf32, #tpu.memory_space<hbm>>) dst(%arg13 : memref<64x128xf32, #tpu.memory_space<vmem>>)
      %dma_start3A_119 = arith.constant 0 : i32
      %dma_start3A_120 = arith.constant 0 : i32
      %dma_start3A_121 = tpu.memref_slice %arg17[%dma_start3A_119, %dma_start3A_120] : memref<10240x128xf32, #tpu.memory_space<vmem_shared>> -> memref<10240x128xf32, #tpu.memory_space<vmem_shared>>
      tpu.enqueue_indirect_dma source(%arg13 : memref<64x128xf32, #tpu.memory_space<vmem>>) target(%dma_start3A_121 : memref<10240x128xf32, #tpu.memory_space<vmem_shared>>) offsets(%arg9 : memref<64xi32, #tpu.memory_space<vmem>>) semaphore(%arg22 : memref<!tpu.dma_semaphore, #tpu.memory_space<semaphore_mem>>) {add = true}
      %mul3A_122 = arith.constant 4 : i32
      %mul3A_123 = arith.muli %while3A_92, %mul3A_122 : i32
      %add3A_124 = arith.constant 1 : i32
      %add3A_125 = arith.addi %mul3A_123, %add3A_124 : i32
      %gt3A_126 = arith.constant 0 : i32
      %gt3A_127 = arith.cmpi sgt, %while3A_92, %gt3A_126 : i32
      %convert_element_type3A_128 = arith.extui %gt3A_127 : i1 to i32
      %cond3A_129 = arith.constant 0 : i32
      %cond3A_130 = arith.cmpi ne, %convert_element_type3A_128, %cond3A_129 : i32
      scf.if %cond3A_130 {
        tpu.wait_dma2 semaphore(%arg25 : memref<!tpu.dma_semaphore, #tpu.memory_space<semaphore_mem>>) src(%arg5 : memref<64x128xf32, #tpu.memory_space<hbm>>) dst(%arg16 : memref<64x128xf32, #tpu.memory_space<vmem>>)
      } else {
      }
      %add3A_131 = arith.constant 2 : i32
      %add3A_132 = arith.addi %add3A_125, %add3A_131 : i32
      %mul3A_133 = arith.constant 160 : i32
      %mul3A_134 = arith.muli %add3A, %mul3A_133 : i32
      %add3A_135 = arith.addi %mul3A_134, %add3A_132 : i32
      %mul3A_136 = arith.constant 64 : i32
      %mul3A_137 = arith.muli %add3A_135, %mul3A_136 : i32
      %dma_start3A_138 = tpu.memref_slice %arg4[%mul3A_137] : memref<320000xi32, #tpu.memory_space<hbm>> -> memref<64xi32, #tpu.memory_space<hbm>>
      %dma_start3A_139 = tpu.memref_slice %arg4[%mul3A_137] : memref<320000xi32, #tpu.memory_space<hbm>> -> memref<64xi32, #tpu.memory_space<hbm>>
      tpu.enqueue_dma source(%dma_start3A_139 : memref<64xi32, #tpu.memory_space<hbm>>) target(%arg12 : memref<64xi32, #tpu.memory_space<vmem>>) target_semaphore(%arg21 : memref<!tpu.dma_semaphore, #tpu.memory_space<semaphore_mem>>)
      %mul3A_140 = arith.constant 64 : i32
      %mul3A_141 = arith.muli %add3A_132, %mul3A_140 : i32
      %dma_start3A_142 = tpu.memref_slice %arg8[%mul3A_141] : memref<10240xi32, #tpu.memory_space<vmem>> -> memref<64xi32, #tpu.memory_space<vmem>>
      %dma_start3A_143 = arith.constant 0 : i32
      %dma_start3A_144 = arith.constant 0 : i32
      %dma_start3A_145 = tpu.memref_slice %arg2[%dma_start3A_143, %dma_start3A_144] : memref<10000x128xf32, #tpu.memory_space<hbm>> -> memref<10000x128xf32, #tpu.memory_space<hbm>>
      tpu.enqueue_indirect_dma source(%dma_start3A_145 : memref<10000x128xf32, #tpu.memory_space<hbm>>) target(%arg16 : memref<64x128xf32, #tpu.memory_space<vmem>>) offsets(%dma_start3A_142 : memref<64xi32, #tpu.memory_space<vmem>>) semaphore(%arg21 : memref<!tpu.dma_semaphore, #tpu.memory_space<semaphore_mem>>)
      %dma_wait3A_146 = arith.constant 0 : i32
      %dma_wait3A_147 = tpu.memref_slice %arg4[%dma_wait3A_146] : memref<320000xi32, #tpu.memory_space<hbm>> -> memref<64xi32, #tpu.memory_space<hbm>>
      %dma_wait3A_148 = arith.constant 0 : i32
      %dma_wait3A_149 = tpu.memref_slice %arg4[%dma_wait3A_148] : memref<320000xi32, #tpu.memory_space<hbm>> -> memref<64xi32, #tpu.memory_space<hbm>>
      tpu.wait_dma2 semaphore(%arg19 : memref<!tpu.dma_semaphore, #tpu.memory_space<semaphore_mem>>) src(%dma_wait3A_149 : memref<64xi32, #tpu.memory_space<hbm>>) dst(%arg10 : memref<64xi32, #tpu.memory_space<vmem>>)
      tpu.wait_dma2 semaphore(%arg19 : memref<!tpu.dma_semaphore, #tpu.memory_space<semaphore_mem>>) src(%arg5 : memref<64x128xf32, #tpu.memory_space<hbm>>) dst(%arg14 : memref<64x128xf32, #tpu.memory_space<vmem>>)
      %dma_start3A_150 = arith.constant 0 : i32
      %dma_start3A_151 = arith.constant 0 : i32
      %dma_start3A_152 = tpu.memref_slice %arg17[%dma_start3A_150, %dma_start3A_151] : memref<10240x128xf32, #tpu.memory_space<vmem_shared>> -> memref<10240x128xf32, #tpu.memory_space<vmem_shared>>
      tpu.enqueue_indirect_dma source(%arg14 : memref<64x128xf32, #tpu.memory_space<vmem>>) target(%dma_start3A_152 : memref<10240x128xf32, #tpu.memory_space<vmem_shared>>) offsets(%arg10 : memref<64xi32, #tpu.memory_space<vmem>>) semaphore(%arg23 : memref<!tpu.dma_semaphore, #tpu.memory_space<semaphore_mem>>) {add = true}
      %mul3A_153 = arith.constant 4 : i32
      %mul3A_154 = arith.muli %while3A_92, %mul3A_153 : i32
      %add3A_155 = arith.constant 2 : i32
      %add3A_156 = arith.addi %mul3A_154, %add3A_155 : i32
      %sub3A = arith.constant 1 : i32
      %sub3A_157 = arith.subi %select_n3A, %sub3A : i32
      %lt3A_158 = arith.cmpi slt, %while3A_92, %sub3A_157 : i32
      %convert_element_type3A_159 = arith.extui %lt3A_158 : i1 to i32
      %cond3A_160 = arith.constant 0 : i32
      %cond3A_161 = arith.cmpi ne, %convert_element_type3A_159, %cond3A_160 : i32
      scf.if %cond3A_161 {
        tpu.wait_dma2 semaphore(%arg22 : memref<!tpu.dma_semaphore, #tpu.memory_space<semaphore_mem>>) src(%arg5 : memref<64x128xf32, #tpu.memory_space<hbm>>) dst(%arg13 : memref<64x128xf32, #tpu.memory_space<vmem>>)
        %add3A_186 = arith.constant 2 : i32
        %add3A_187 = arith.addi %add3A_156, %add3A_186 : i32
        %mul3A_188 = arith.constant 160 : i32
        %mul3A_189 = arith.muli %add3A, %mul3A_188 : i32
        %add3A_190 = arith.addi %mul3A_189, %add3A_187 : i32
        %mul3A_191 = arith.constant 64 : i32
        %mul3A_192 = arith.muli %add3A_190, %mul3A_191 : i32
        %dma_start3A_193 = tpu.memref_slice %arg4[%mul3A_192] : memref<320000xi32, #tpu.memory_space<hbm>> -> memref<64xi32, #tpu.memory_space<hbm>>
        %dma_start3A_194 = tpu.memref_slice %arg4[%mul3A_192] : memref<320000xi32, #tpu.memory_space<hbm>> -> memref<64xi32, #tpu.memory_space<hbm>>
        tpu.enqueue_dma source(%dma_start3A_194 : memref<64xi32, #tpu.memory_space<hbm>>) target(%arg9 : memref<64xi32, #tpu.memory_space<vmem>>) target_semaphore(%arg18 : memref<!tpu.dma_semaphore, #tpu.memory_space<semaphore_mem>>)
        %mul3A_195 = arith.constant 64 : i32
        %mul3A_196 = arith.muli %add3A_187, %mul3A_195 : i32
        %dma_start3A_197 = tpu.memref_slice %arg8[%mul3A_196] : memref<10240xi32, #tpu.memory_space<vmem>> -> memref<64xi32, #tpu.memory_space<vmem>>
        %dma_start3A_198 = arith.constant 0 : i32
        %dma_start3A_199 = arith.constant 0 : i32
        %dma_start3A_200 = tpu.memref_slice %arg2[%dma_start3A_198, %dma_start3A_199] : memref<10000x128xf32, #tpu.memory_space<hbm>> -> memref<10000x128xf32, #tpu.memory_space<hbm>>
        tpu.enqueue_indirect_dma source(%dma_start3A_200 : memref<10000x128xf32, #tpu.memory_space<hbm>>) target(%arg13 : memref<64x128xf32, #tpu.memory_space<vmem>>) offsets(%dma_start3A_197 : memref<64xi32, #tpu.memory_space<vmem>>) semaphore(%arg18 : memref<!tpu.dma_semaphore, #tpu.memory_space<semaphore_mem>>)
      } else {
      }
      %dma_wait3A_162 = arith.constant 0 : i32
      %dma_wait3A_163 = tpu.memref_slice %arg4[%dma_wait3A_162] : memref<320000xi32, #tpu.memory_space<hbm>> -> memref<64xi32, #tpu.memory_space<hbm>>
      %dma_wait3A_164 = arith.constant 0 : i32
      %dma_wait3A_165 = tpu.memref_slice %arg4[%dma_wait3A_164] : memref<320000xi32, #tpu.memory_space<hbm>> -> memref<64xi32, #tpu.memory_space<hbm>>
      tpu.wait_dma2 semaphore(%arg20 : memref<!tpu.dma_semaphore, #tpu.memory_space<semaphore_mem>>) src(%dma_wait3A_165 : memref<64xi32, #tpu.memory_space<hbm>>) dst(%arg11 : memref<64xi32, #tpu.memory_space<vmem>>)
      tpu.wait_dma2 semaphore(%arg20 : memref<!tpu.dma_semaphore, #tpu.memory_space<semaphore_mem>>) src(%arg5 : memref<64x128xf32, #tpu.memory_space<hbm>>) dst(%arg15 : memref<64x128xf32, #tpu.memory_space<vmem>>)
      %dma_start3A_166 = arith.constant 0 : i32
      %dma_start3A_167 = arith.constant 0 : i32
      %dma_start3A_168 = tpu.memref_slice %arg17[%dma_start3A_166, %dma_start3A_167] : memref<10240x128xf32, #tpu.memory_space<vmem_shared>> -> memref<10240x128xf32, #tpu.memory_space<vmem_shared>>
      tpu.enqueue_indirect_dma source(%arg15 : memref<64x128xf32, #tpu.memory_space<vmem>>) target(%dma_start3A_168 : memref<10240x128xf32, #tpu.memory_space<vmem_shared>>) offsets(%arg11 : memref<64xi32, #tpu.memory_space<vmem>>) semaphore(%arg24 : memref<!tpu.dma_semaphore, #tpu.memory_space<semaphore_mem>>) {add = true}
      %mul3A_169 = arith.constant 4 : i32
      %mul3A_170 = arith.muli %while3A_92, %mul3A_169 : i32
      %add3A_171 = arith.constant 3 : i32
      %add3A_172 = arith.addi %mul3A_170, %add3A_171 : i32
      %sub3A_173 = arith.constant 1 : i32
      %sub3A_174 = arith.subi %select_n3A, %sub3A_173 : i32
      %lt3A_175 = arith.cmpi slt, %while3A_92, %sub3A_174 : i32
      %convert_element_type3A_176 = arith.extui %lt3A_175 : i1 to i32
      %cond3A_177 = arith.constant 0 : i32
      %cond3A_178 = arith.cmpi ne, %convert_element_type3A_176, %cond3A_177 : i32
      scf.if %cond3A_178 {
        tpu.wait_dma2 semaphore(%arg23 : memref<!tpu.dma_semaphore, #tpu.memory_space<semaphore_mem>>) src(%arg5 : memref<64x128xf32, #tpu.memory_space<hbm>>) dst(%arg14 : memref<64x128xf32, #tpu.memory_space<vmem>>)
        %add3A_186 = arith.constant 2 : i32
        %add3A_187 = arith.addi %add3A_172, %add3A_186 : i32
        %mul3A_188 = arith.constant 160 : i32
        %mul3A_189 = arith.muli %add3A, %mul3A_188 : i32
        %add3A_190 = arith.addi %mul3A_189, %add3A_187 : i32
        %mul3A_191 = arith.constant 64 : i32
        %mul3A_192 = arith.muli %add3A_190, %mul3A_191 : i32
        %dma_start3A_193 = tpu.memref_slice %arg4[%mul3A_192] : memref<320000xi32, #tpu.memory_space<hbm>> -> memref<64xi32, #tpu.memory_space<hbm>>
        %dma_start3A_194 = tpu.memref_slice %arg4[%mul3A_192] : memref<320000xi32, #tpu.memory_space<hbm>> -> memref<64xi32, #tpu.memory_space<hbm>>
        tpu.enqueue_dma source(%dma_start3A_194 : memref<64xi32, #tpu.memory_space<hbm>>) target(%arg10 : memref<64xi32, #tpu.memory_space<vmem>>) target_semaphore(%arg19 : memref<!tpu.dma_semaphore, #tpu.memory_space<semaphore_mem>>)
        %mul3A_195 = arith.constant 64 : i32
        %mul3A_196 = arith.muli %add3A_187, %mul3A_195 : i32
        %dma_start3A_197 = tpu.memref_slice %arg8[%mul3A_196] : memref<10240xi32, #tpu.memory_space<vmem>> -> memref<64xi32, #tpu.memory_space<vmem>>
        %dma_start3A_198 = arith.constant 0 : i32
        %dma_start3A_199 = arith.constant 0 : i32
        %dma_start3A_200 = tpu.memref_slice %arg2[%dma_start3A_198, %dma_start3A_199] : memref<10000x128xf32, #tpu.memory_space<hbm>> -> memref<10000x128xf32, #tpu.memory_space<hbm>>
        tpu.enqueue_indirect_dma source(%dma_start3A_200 : memref<10000x128xf32, #tpu.memory_space<hbm>>) target(%arg14 : memref<64x128xf32, #tpu.memory_space<vmem>>) offsets(%dma_start3A_197 : memref<64xi32, #tpu.memory_space<vmem>>) semaphore(%arg19 : memref<!tpu.dma_semaphore, #tpu.memory_space<semaphore_mem>>)
      } else {
      }
      %dma_wait3A_179 = arith.constant 0 : i32
      %dma_wait3A_180 = tpu.memref_slice %arg4[%dma_wait3A_179] : memref<320000xi32, #tpu.memory_space<hbm>> -> memref<64xi32, #tpu.memory_space<hbm>>
      %dma_wait3A_181 = arith.constant 0 : i32
      %dma_wait3A_182 = tpu.memref_slice %arg4[%dma_wait3A_181] : memref<320000xi32, #tpu.memory_space<hbm>> -> memref<64xi32, #tpu.memory_space<hbm>>
      tpu.wait_dma2 semaphore(%arg21 : memref<!tpu.dma_semaphore, #tpu.memory_space<semaphore_mem>>) src(%dma_wait3A_182 : memref<64xi32, #tpu.memory_space<hbm>>) dst(%arg12 : memref<64xi32, #tpu.memory_space<vmem>>)
      tpu.wait_dma2 semaphore(%arg21 : memref<!tpu.dma_semaphore, #tpu.memory_space<semaphore_mem>>) src(%arg5 : memref<64x128xf32, #tpu.memory_space<hbm>>) dst(%arg16 : memref<64x128xf32, #tpu.memory_space<vmem>>)
      %dma_start3A_183 = arith.constant 0 : i32
      %dma_start3A_184 = arith.constant 0 : i32
      %dma_start3A_185 = tpu.memref_slice %arg17[%dma_start3A_183, %dma_start3A_184] : memref<10240x128xf32, #tpu.memory_space<vmem_shared>> -> memref<10240x128xf32, #tpu.memory_space<vmem_shared>>
      tpu.enqueue_indirect_dma source(%arg16 : memref<64x128xf32, #tpu.memory_space<vmem>>) target(%dma_start3A_185 : memref<10240x128xf32, #tpu.memory_space<vmem_shared>>) offsets(%arg12 : memref<64xi32, #tpu.memory_space<vmem>>) semaphore(%arg25 : memref<!tpu.dma_semaphore, #tpu.memory_space<semaphore_mem>>) {add = true}
    }
    tpu.wait_dma2 semaphore(%arg22 : memref<!tpu.dma_semaphore, #tpu.memory_space<semaphore_mem>>) src(%arg5 : memref<64x128xf32, #tpu.memory_space<hbm>>) dst(%arg13 : memref<64x128xf32, #tpu.memory_space<vmem>>)
    tpu.wait_dma2 semaphore(%arg23 : memref<!tpu.dma_semaphore, #tpu.memory_space<semaphore_mem>>) src(%arg5 : memref<64x128xf32, #tpu.memory_space<hbm>>) dst(%arg14 : memref<64x128xf32, #tpu.memory_space<vmem>>)
    tpu.wait_dma2 semaphore(%arg24 : memref<!tpu.dma_semaphore, #tpu.memory_space<semaphore_mem>>) src(%arg5 : memref<64x128xf32, #tpu.memory_space<hbm>>) dst(%arg15 : memref<64x128xf32, #tpu.memory_space<vmem>>)
    tpu.wait_dma2 semaphore(%arg25 : memref<!tpu.dma_semaphore, #tpu.memory_space<semaphore_mem>>) src(%arg5 : memref<64x128xf32, #tpu.memory_space<hbm>>) dst(%arg16 : memref<64x128xf32, #tpu.memory_space<vmem>>)
    %barrier3A_81 = arith.constant 0 : index
    tpu.barrier barrier_id(%barrier3A_81)
    %eq3A_82 = arith.constant 0 : i32
    %eq3A_83 = arith.cmpi eq, %arg0, %eq3A_82 : i32
    %convert_element_type3A_84 = arith.extui %eq3A_83 : i1 to i32
    %cond3A_85 = arith.constant 0 : i32
    %cond3A_86 = arith.cmpi ne, %convert_element_type3A_84, %cond3A_85 : i32
    scf.if %cond3A_86 {
      %mul3A_92 = arith.constant 640 : i32
      %mul3A_93 = arith.muli %arg1, %mul3A_92 : i32
      %mul3A_94 = arith.constant 640 : i32
      %mul3A_95 = arith.muli %arg1, %mul3A_94 : i32
      "tpu.region"() ({
        %run_scoped3A = tpu.sem_alloc : memref<!tpu.dma_semaphore, #tpu.memory_space<semaphore_mem>>
        %dma_start3A_96 = arith.constant 0 : i32
        %dma_start3A_97 = tpu.memref_slice %arg6[%mul3A_95, %dma_start3A_96] : memref<10240x128xf32, #tpu.memory_space<hbm>> -> memref<640x128xf32, #tpu.memory_space<hbm>>
        %dma_start3A_98 = arith.constant 0 : i32
        %dma_start3A_99 = tpu.memref_slice %arg17[%mul3A_93, %dma_start3A_98] : memref<10240x128xf32, #tpu.memory_space<vmem_shared>> -> memref<640x128xf32, #tpu.memory_space<vmem_shared>>
        tpu.enqueue_dma source(%dma_start3A_99 : memref<640x128xf32, #tpu.memory_space<vmem_shared>>) target(%dma_start3A_97 : memref<640x128xf32, #tpu.memory_space<hbm>>) target_semaphore(%run_scoped3A : memref<!tpu.dma_semaphore, #tpu.memory_space<semaphore_mem>>)
        %dma_wait3A = arith.constant 0 : i32
        %dma_wait3A_100 = tpu.memref_slice %arg6[%mul3A_95, %dma_wait3A] : memref<10240x128xf32, #tpu.memory_space<hbm>> -> memref<640x128xf32, #tpu.memory_space<hbm>>
        %dma_wait3A_101 = arith.constant 0 : i32
        %dma_wait3A_102 = tpu.memref_slice %arg17[%mul3A_93, %dma_wait3A_101] : memref<10240x128xf32, #tpu.memory_space<vmem_shared>> -> memref<640x128xf32, #tpu.memory_space<vmem_shared>>
        tpu.wait_dma2 semaphore(%run_scoped3A : memref<!tpu.dma_semaphore, #tpu.memory_space<semaphore_mem>>) src(%dma_wait3A_102 : memref<640x128xf32, #tpu.memory_space<vmem_shared>>) dst(%dma_wait3A_100 : memref<640x128xf32, #tpu.memory_space<hbm>>)
        tpu.yield
      }) : () -> ()
    } else {
    }
    %eq3A_87 = arith.constant 1 : i32
    %eq3A_88 = arith.cmpi eq, %arg0, %eq3A_87 : i32
    %convert_element_type3A_89 = arith.extui %eq3A_88 : i1 to i32
    %cond3A_90 = arith.constant 0 : i32
    %cond3A_91 = arith.cmpi ne, %convert_element_type3A_89, %cond3A_90 : i32
    scf.if %cond3A_91 {
      %mul3A_92 = arith.constant 640 : i32
      %mul3A_93 = arith.muli %arg1, %mul3A_92 : i32
      %mul3A_94 = arith.constant 640 : i32
      %mul3A_95 = arith.muli %arg1, %mul3A_94 : i32
      "tpu.region"() ({
        %run_scoped3A = tpu.sem_alloc : memref<!tpu.dma_semaphore, #tpu.memory_space<semaphore_mem>>
        %dma_start3A_96 = arith.constant 0 : i32
        %dma_start3A_97 = tpu.memref_slice %arg7[%mul3A_95, %dma_start3A_96] : memref<10240x128xf32, #tpu.memory_space<hbm>> -> memref<640x128xf32, #tpu.memory_space<hbm>>
        %dma_start3A_98 = arith.constant 0 : i32
        %dma_start3A_99 = tpu.memref_slice %arg17[%mul3A_93, %dma_start3A_98] : memref<10240x128xf32, #tpu.memory_space<vmem_shared>> -> memref<640x128xf32, #tpu.memory_space<vmem_shared>>
        tpu.enqueue_dma source(%dma_start3A_99 : memref<640x128xf32, #tpu.memory_space<vmem_shared>>) target(%dma_start3A_97 : memref<640x128xf32, #tpu.memory_space<hbm>>) target_semaphore(%run_scoped3A : memref<!tpu.dma_semaphore, #tpu.memory_space<semaphore_mem>>)
        %dma_wait3A = arith.constant 0 : i32
        %dma_wait3A_100 = tpu.memref_slice %arg7[%mul3A_95, %dma_wait3A] : memref<10240x128xf32, #tpu.memory_space<hbm>> -> memref<640x128xf32, #tpu.memory_space<hbm>>
        %dma_wait3A_101 = arith.constant 0 : i32
        %dma_wait3A_102 = tpu.memref_slice %arg17[%mul3A_93, %dma_wait3A_101] : memref<10240x128xf32, #tpu.memory_space<vmem_shared>> -> memref<640x128xf32, #tpu.memory_space<vmem_shared>>
        tpu.wait_dma2 semaphore(%run_scoped3A : memref<!tpu.dma_semaphore, #tpu.memory_space<semaphore_mem>>) src(%dma_wait3A_102 : memref<640x128xf32, #tpu.memory_space<vmem_shared>>) dst(%dma_wait3A_100 : memref<640x128xf32, #tpu.memory_space<hbm>>)
        tpu.yield
      }) : () -> ()
    } else {
    }
    return
  }
}

#map = affine_map<(d0, d1) -> (0, 0)>
#map1 = affine_map<(d0, d1) -> (0)>
module attributes {stable_mosaic.version = 14 : i64} {
  func.func @_pass_kernel(%arg0: i32, %arg1: i32, %arg2: memref<10000x128xf32, #tpu.memory_space<hbm>>, %arg3: memref<320000xi32, #tpu.memory_space<hbm>>, %arg4: memref<320000xi32, #tpu.memory_space<hbm>>, %arg5: memref<64x128xf32, #tpu.memory_space<hbm>>, %arg6: memref<10240x128xf32, #tpu.memory_space<hbm>>, %arg7: memref<10240x128xf32, #tpu.memory_space<hbm>>, %arg8: memref<10240xi32, #tpu.memory_space<vmem>>, %arg9: memref<64xi32, #tpu.memory_space<vmem>>, %arg10: memref<64xi32, #tpu.memory_space<vmem>>, %arg11: memref<64xi32, #tpu.memory_space<vmem>>, %arg12: memref<64xi32, #tpu.memory_space<vmem>>, %arg13: memref<64x128xf32, #tpu.memory_space<vmem>>, %arg14: memref<64x128xf32, #tpu.memory_space<vmem>>, %arg15: memref<64x128xf32, #tpu.memory_space<vmem>>, %arg16: memref<64x128xf32, #tpu.memory_space<vmem>>, %arg17: memref<10240x128xf32, #tpu.memory_space<vmem_shared>>, %arg18: memref<!tpu.dma_semaphore, #tpu.memory_space<semaphore_mem>>, %arg19: memref<!tpu.dma_semaphore, #tpu.memory_space<semaphore_mem>>, %arg20: memref<!tpu.dma_semaphore, #tpu.memory_space<semaphore_mem>>, %arg21: memref<!tpu.dma_semaphore, #tpu.memory_space<semaphore_mem>>, %arg22: memref<!tpu.dma_semaphore, #tpu.memory_space<semaphore_mem>>, %arg23: memref<!tpu.dma_semaphore, #tpu.memory_space<semaphore_mem>>, %arg24: memref<!tpu.dma_semaphore, #tpu.memory_space<semaphore_mem>>, %arg25: memref<!tpu.dma_semaphore, #tpu.memory_space<semaphore_mem>>) attributes {dimension_semantics = [#tpu.dimension_semantics<core_parallel>, #tpu.dimension_semantics<subcore_parallel>], iteration_bounds = array<i64: 2, 16>, scalar_prefetch = 0 : i64, scratch_operands = 18 : i64, tpu.core_type = #tpu.core_type<sc_vector_subcore>, window_params = [{transform_indices = #map}, {transform_indices = #map1}, {transform_indices = #map1}, {transform_indices = #map}, {transform_indices = #map}, {transform_indices = #map}]} {
    %mul3A = arith.constant 16 : i32
    %mul3A_0 = arith.muli %arg0, %mul3A : i32
    %add3A = arith.addi %mul3A_0, %arg1 : i32
    %eq3A = arith.constant 31 : i32
    %eq3A_1 = arith.cmpi eq, %add3A, %eq3A : i32
    %jit3A = arith.constant 10 : i32
    %jit3A_2 = arith.constant 40 : i32
    %select_n3A = arith.select %eq3A_1, %jit3A, %jit3A_2 : i32
    %mul3A_3 = arith.constant 10240 : i32
    %mul3A_4 = arith.muli %add3A, %mul3A_3 : i32
    "tpu.region"() ({
      %run_scoped3A = tpu.sem_alloc : memref<!tpu.dma_semaphore, #tpu.memory_space<semaphore_mem>>
      %dma_start3A_92 = arith.constant 0 : i32
      %dma_start3A_93 = tpu.memref_slice %arg8[%dma_start3A_92] : memref<10240xi32, #tpu.memory_space<vmem>> -> memref<2560xi32, #tpu.memory_space<vmem>>
      %dma_start3A_94 = tpu.memref_slice %arg3[%mul3A_4] : memref<320000xi32, #tpu.memory_space<hbm>> -> memref<2560xi32, #tpu.memory_space<hbm>>
      %dma_start3A_95 = arith.constant 0 : i32
      %dma_start3A_96 = tpu.memref_slice %arg8[%dma_start3A_95] : memref<10240xi32, #tpu.memory_space<vmem>> -> memref<2560xi32, #tpu.memory_space<vmem>>
      %dma_start3A_97 = tpu.memref_slice %arg3[%mul3A_4] : memref<320000xi32, #tpu.memory_space<hbm>> -> memref<2560xi32, #tpu.memory_space<hbm>>
      tpu.enqueue_dma source(%dma_start3A_97 : memref<2560xi32, #tpu.memory_space<hbm>>) target(%dma_start3A_96 : memref<2560xi32, #tpu.memory_space<vmem>>) target_semaphore(%run_scoped3A : memref<!tpu.dma_semaphore, #tpu.memory_space<semaphore_mem>>)
      %dma_wait3A = arith.constant 0 : i32
      %dma_wait3A_98 = tpu.memref_slice %arg8[%dma_wait3A] : memref<10240xi32, #tpu.memory_space<vmem>> -> memref<2560xi32, #tpu.memory_space<vmem>>
      %dma_wait3A_99 = tpu.memref_slice %arg3[%mul3A_4] : memref<320000xi32, #tpu.memory_space<hbm>> -> memref<2560xi32, #tpu.memory_space<hbm>>
      %dma_wait3A_100 = arith.constant 0 : i32
      %dma_wait3A_101 = tpu.memref_slice %arg8[%dma_wait3A_100] : memref<10240xi32, #tpu.memory_space<vmem>> -> memref<2560xi32, #tpu.memory_space<vmem>>
      %dma_wait3A_102 = tpu.memref_slice %arg3[%mul3A_4] : memref<320000xi32, #tpu.memory_space<hbm>> -> memref<2560xi32, #tpu.memory_space<hbm>>
      tpu.wait_dma2 semaphore(%run_scoped3A : memref<!tpu.dma_semaphore, #tpu.memory_space<semaphore_mem>>) src(%dma_wait3A_102 : memref<2560xi32, #tpu.memory_space<hbm>>) dst(%dma_wait3A_101 : memref<2560xi32, #tpu.memory_space<vmem>>)
      tpu.yield
    }) : () -> ()
    %lt3A = arith.constant 31 : i32
    %lt3A_5 = arith.cmpi slt, %add3A, %lt3A : i32
    %convert_element_type3A = arith.extui %lt3A_5 : i1 to i32
    %cond3A = arith.constant 0 : i32
    %cond3A_6 = arith.cmpi ne, %convert_element_type3A, %cond3A : i32
    scf.if %cond3A_6 {
      %mul3A_92 = arith.constant 10240 : i32
      %mul3A_93 = arith.muli %add3A, %mul3A_92 : i32
      %add3A_94 = arith.constant 2560 : i32
      %add3A_95 = arith.addi %mul3A_93, %add3A_94 : i32
      "tpu.region"() ({
        %run_scoped3A = tpu.sem_alloc : memref<!tpu.dma_semaphore, #tpu.memory_space<semaphore_mem>>
        %dma_start3A_96 = arith.constant 2560 : i32
        %dma_start3A_97 = tpu.memref_slice %arg8[%dma_start3A_96] : memref<10240xi32, #tpu.memory_space<vmem>> -> memref<7680xi32, #tpu.memory_space<vmem>>
        %dma_start3A_98 = tpu.memref_slice %arg3[%add3A_95] : memref<320000xi32, #tpu.memory_space<hbm>> -> memref<7680xi32, #tpu.memory_space<hbm>>
        %dma_start3A_99 = arith.constant 2560 : i32
        %dma_start3A_100 = tpu.memref_slice %arg8[%dma_start3A_99] : memref<10240xi32, #tpu.memory_space<vmem>> -> memref<7680xi32, #tpu.memory_space<vmem>>
        %dma_start3A_101 = tpu.memref_slice %arg3[%add3A_95] : memref<320000xi32, #tpu.memory_space<hbm>> -> memref<7680xi32, #tpu.memory_space<hbm>>
        tpu.enqueue_dma source(%dma_start3A_101 : memref<7680xi32, #tpu.memory_space<hbm>>) target(%dma_start3A_100 : memref<7680xi32, #tpu.memory_space<vmem>>) target_semaphore(%run_scoped3A : memref<!tpu.dma_semaphore, #tpu.memory_space<semaphore_mem>>)
        %dma_wait3A = arith.constant 2560 : i32
        %dma_wait3A_102 = tpu.memref_slice %arg8[%dma_wait3A] : memref<10240xi32, #tpu.memory_space<vmem>> -> memref<7680xi32, #tpu.memory_space<vmem>>
        %dma_wait3A_103 = tpu.memref_slice %arg3[%add3A_95] : memref<320000xi32, #tpu.memory_space<hbm>> -> memref<7680xi32, #tpu.memory_space<hbm>>
        %dma_wait3A_104 = arith.constant 2560 : i32
        %dma_wait3A_105 = tpu.memref_slice %arg8[%dma_wait3A_104] : memref<10240xi32, #tpu.memory_space<vmem>> -> memref<7680xi32, #tpu.memory_space<vmem>>
        %dma_wait3A_106 = tpu.memref_slice %arg3[%add3A_95] : memref<320000xi32, #tpu.memory_space<hbm>> -> memref<7680xi32, #tpu.memory_space<hbm>>
        tpu.wait_dma2 semaphore(%run_scoped3A : memref<!tpu.dma_semaphore, #tpu.memory_space<semaphore_mem>>) src(%dma_wait3A_106 : memref<7680xi32, #tpu.memory_space<hbm>>) dst(%dma_wait3A_105 : memref<7680xi32, #tpu.memory_space<vmem>>)
        tpu.yield
      }) : () -> ()
    } else {
    }
    "tpu.region"() ({
      %run_scoped3A = tpu.sem_alloc : memref<!tpu.dma_semaphore, #tpu.memory_space<semaphore_mem>>
      tpu.enqueue_dma source(%arg5 : memref<64x128xf32, #tpu.memory_space<hbm>>) target(%arg13 : memref<64x128xf32, #tpu.memory_space<vmem>>) target_semaphore(%run_scoped3A : memref<!tpu.dma_semaphore, #tpu.memory_space<semaphore_mem>>)
      tpu.wait_dma2 semaphore(%run_scoped3A : memref<!tpu.dma_semaphore, #tpu.memory_space<semaphore_mem>>) src(%arg5 : memref<64x128xf32, #tpu.memory_space<hbm>>) dst(%arg13 : memref<64x128xf32, #tpu.memory_space<vmem>>)
      tpu.yield
    }) : () -> ()
    %mul3A_7 = arith.constant 640 : i32
    %mul3A_8 = arith.muli %arg1, %mul3A_7 : i32
    %add3A_9 = arith.constant 0 : i32
    %add3A_10 = arith.addi %mul3A_8, %add3A_9 : i32
    "tpu.region"() ({
      %run_scoped3A = tpu.sem_alloc : memref<!tpu.dma_semaphore, #tpu.memory_space<semaphore_mem>>
      %dma_start3A_92 = arith.constant 0 : i32
      %dma_start3A_93 = tpu.memref_slice %arg17[%add3A_10, %dma_start3A_92] : memref<10240x128xf32, #tpu.memory_space<vmem_shared>> -> memref<64x128xf32, #tpu.memory_space<vmem_shared>>
      %dma_start3A_94 = arith.constant 0 : i32
      %dma_start3A_95 = tpu.memref_slice %arg17[%add3A_10, %dma_start3A_94] : memref<10240x128xf32, #tpu.memory_space<vmem_shared>> -> memref<64x128xf32, #tpu.memory_space<vmem_shared>>
      tpu.enqueue_dma source(%arg13 : memref<64x128xf32, #tpu.memory_space<vmem>>) target(%dma_start3A_95 : memref<64x128xf32, #tpu.memory_space<vmem_shared>>) target_semaphore(%run_scoped3A : memref<!tpu.dma_semaphore, #tpu.memory_space<semaphore_mem>>)
      %dma_wait3A = arith.constant 0 : i32
      %dma_wait3A_96 = tpu.memref_slice %arg17[%add3A_10, %dma_wait3A] : memref<10240x128xf32, #tpu.memory_space<vmem_shared>> -> memref<64x128xf32, #tpu.memory_space<vmem_shared>>
      %dma_wait3A_97 = arith.constant 0 : i32
      %dma_wait3A_98 = tpu.memref_slice %arg17[%add3A_10, %dma_wait3A_97] : memref<10240x128xf32, #tpu.memory_space<vmem_shared>> -> memref<64x128xf32, #tpu.memory_space<vmem_shared>>
      tpu.wait_dma2 semaphore(%run_scoped3A : memref<!tpu.dma_semaphore, #tpu.memory_space<semaphore_mem>>) src(%arg13 : memref<64x128xf32, #tpu.memory_space<vmem>>) dst(%dma_wait3A_98 : memref<64x128xf32, #tpu.memory_space<vmem_shared>>)
      tpu.yield
    }) : () -> ()
    %mul3A_11 = arith.constant 640 : i32
    %mul3A_12 = arith.muli %arg1, %mul3A_11 : i32
    %add3A_13 = arith.constant 64 : i32
    %add3A_14 = arith.addi %mul3A_12, %add3A_13 : i32
    "tpu.region"() ({
      %run_scoped3A = tpu.sem_alloc : memref<!tpu.dma_semaphore, #tpu.memory_space<semaphore_mem>>
      %dma_start3A_92 = arith.constant 0 : i32
      %dma_start3A_93 = tpu.memref_slice %arg17[%add3A_14, %dma_start3A_92] : memref<10240x128xf32, #tpu.memory_space<vmem_shared>> -> memref<64x128xf32, #tpu.memory_space<vmem_shared>>
      %dma_start3A_94 = arith.constant 0 : i32
      %dma_start3A_95 = tpu.memref_slice %arg17[%add3A_14, %dma_start3A_94] : memref<10240x128xf32, #tpu.memory_space<vmem_shared>> -> memref<64x128xf32, #tpu.memory_space<vmem_shared>>
      tpu.enqueue_dma source(%arg13 : memref<64x128xf32, #tpu.memory_space<vmem>>) target(%dma_start3A_95 : memref<64x128xf32, #tpu.memory_space<vmem_shared>>) target_semaphore(%run_scoped3A : memref<!tpu.dma_semaphore, #tpu.memory_space<semaphore_mem>>)
      %dma_wait3A = arith.constant 0 : i32
      %dma_wait3A_96 = tpu.memref_slice %arg17[%add3A_14, %dma_wait3A] : memref<10240x128xf32, #tpu.memory_space<vmem_shared>> -> memref<64x128xf32, #tpu.memory_space<vmem_shared>>
      %dma_wait3A_97 = arith.constant 0 : i32
      %dma_wait3A_98 = tpu.memref_slice %arg17[%add3A_14, %dma_wait3A_97] : memref<10240x128xf32, #tpu.memory_space<vmem_shared>> -> memref<64x128xf32, #tpu.memory_space<vmem_shared>>
      tpu.wait_dma2 semaphore(%run_scoped3A : memref<!tpu.dma_semaphore, #tpu.memory_space<semaphore_mem>>) src(%arg13 : memref<64x128xf32, #tpu.memory_space<vmem>>) dst(%dma_wait3A_98 : memref<64x128xf32, #tpu.memory_space<vmem_shared>>)
      tpu.yield
    }) : () -> ()
    %mul3A_15 = arith.constant 640 : i32
    %mul3A_16 = arith.muli %arg1, %mul3A_15 : i32
    %add3A_17 = arith.constant 128 : i32
    %add3A_18 = arith.addi %mul3A_16, %add3A_17 : i32
    "tpu.region"() ({
      %run_scoped3A = tpu.sem_alloc : memref<!tpu.dma_semaphore, #tpu.memory_space<semaphore_mem>>
      %dma_start3A_92 = arith.constant 0 : i32
      %dma_start3A_93 = tpu.memref_slice %arg17[%add3A_18, %dma_start3A_92] : memref<10240x128xf32, #tpu.memory_space<vmem_shared>> -> memref<64x128xf32, #tpu.memory_space<vmem_shared>>
      %dma_start3A_94 = arith.constant 0 : i32
      %dma_start3A_95 = tpu.memref_slice %arg17[%add3A_18, %dma_start3A_94] : memref<10240x128xf32, #tpu.memory_space<vmem_shared>> -> memref<64x128xf32, #tpu.memory_space<vmem_shared>>
      tpu.enqueue_dma source(%arg13 : memref<64x128xf32, #tpu.memory_space<vmem>>) target(%dma_start3A_95 : memref<64x128xf32, #tpu.memory_space<vmem_shared>>) target_semaphore(%run_scoped3A : memref<!tpu.dma_semaphore, #tpu.memory_space<semaphore_mem>>)
      %dma_wait3A = arith.constant 0 : i32
      %dma_wait3A_96 = tpu.memref_slice %arg17[%add3A_18, %dma_wait3A] : memref<10240x128xf32, #tpu.memory_space<vmem_shared>> -> memref<64x128xf32, #tpu.memory_space<vmem_shared>>
      %dma_wait3A_97 = arith.constant 0 : i32
      %dma_wait3A_98 = tpu.memref_slice %arg17[%add3A_18, %dma_wait3A_97] : memref<10240x128xf32, #tpu.memory_space<vmem_shared>> -> memref<64x128xf32, #tpu.memory_space<vmem_shared>>
      tpu.wait_dma2 semaphore(%run_scoped3A : memref<!tpu.dma_semaphore, #tpu.memory_space<semaphore_mem>>) src(%arg13 : memref<64x128xf32, #tpu.memory_space<vmem>>) dst(%dma_wait3A_98 : memref<64x128xf32, #tpu.memory_space<vmem_shared>>)
      tpu.yield
    }) : () -> ()
    %mul3A_19 = arith.constant 640 : i32
    %mul3A_20 = arith.muli %arg1, %mul3A_19 : i32
    %add3A_21 = arith.constant 192 : i32
    %add3A_22 = arith.addi %mul3A_20, %add3A_21 : i32
    "tpu.region"() ({
      %run_scoped3A = tpu.sem_alloc : memref<!tpu.dma_semaphore, #tpu.memory_space<semaphore_mem>>
      %dma_start3A_92 = arith.constant 0 : i32
      %dma_start3A_93 = tpu.memref_slice %arg17[%add3A_22, %dma_start3A_92] : memref<10240x128xf32, #tpu.memory_space<vmem_shared>> -> memref<64x128xf32, #tpu.memory_space<vmem_shared>>
      %dma_start3A_94 = arith.constant 0 : i32
      %dma_start3A_95 = tpu.memref_slice %arg17[%add3A_22, %dma_start3A_94] : memref<10240x128xf32, #tpu.memory_space<vmem_shared>> -> memref<64x128xf32, #tpu.memory_space<vmem_shared>>
      tpu.enqueue_dma source(%arg13 : memref<64x128xf32, #tpu.memory_space<vmem>>) target(%dma_start3A_95 : memref<64x128xf32, #tpu.memory_space<vmem_shared>>) target_semaphore(%run_scoped3A : memref<!tpu.dma_semaphore, #tpu.memory_space<semaphore_mem>>)
      %dma_wait3A = arith.constant 0 : i32
      %dma_wait3A_96 = tpu.memref_slice %arg17[%add3A_22, %dma_wait3A] : memref<10240x128xf32, #tpu.memory_space<vmem_shared>> -> memref<64x128xf32, #tpu.memory_space<vmem_shared>>
      %dma_wait3A_97 = arith.constant 0 : i32
      %dma_wait3A_98 = tpu.memref_slice %arg17[%add3A_22, %dma_wait3A_97] : memref<10240x128xf32, #tpu.memory_space<vmem_shared>> -> memref<64x128xf32, #tpu.memory_space<vmem_shared>>
      tpu.wait_dma2 semaphore(%run_scoped3A : memref<!tpu.dma_semaphore, #tpu.memory_space<semaphore_mem>>) src(%arg13 : memref<64x128xf32, #tpu.memory_space<vmem>>) dst(%dma_wait3A_98 : memref<64x128xf32, #tpu.memory_space<vmem_shared>>)
      tpu.yield
    }) : () -> ()
    %mul3A_23 = arith.constant 640 : i32
    %mul3A_24 = arith.muli %arg1, %mul3A_23 : i32
    %add3A_25 = arith.constant 256 : i32
    %add3A_26 = arith.addi %mul3A_24, %add3A_25 : i32
    "tpu.region"() ({
      %run_scoped3A = tpu.sem_alloc : memref<!tpu.dma_semaphore, #tpu.memory_space<semaphore_mem>>
      %dma_start3A_92 = arith.constant 0 : i32
      %dma_start3A_93 = tpu.memref_slice %arg17[%add3A_26, %dma_start3A_92] : memref<10240x128xf32, #tpu.memory_space<vmem_shared>> -> memref<64x128xf32, #tpu.memory_space<vmem_shared>>
      %dma_start3A_94 = arith.constant 0 : i32
      %dma_start3A_95 = tpu.memref_slice %arg17[%add3A_26, %dma_start3A_94] : memref<10240x128xf32, #tpu.memory_space<vmem_shared>> -> memref<64x128xf32, #tpu.memory_space<vmem_shared>>
      tpu.enqueue_dma source(%arg13 : memref<64x128xf32, #tpu.memory_space<vmem>>) target(%dma_start3A_95 : memref<64x128xf32, #tpu.memory_space<vmem_shared>>) target_semaphore(%run_scoped3A : memref<!tpu.dma_semaphore, #tpu.memory_space<semaphore_mem>>)
      %dma_wait3A = arith.constant 0 : i32
      %dma_wait3A_96 = tpu.memref_slice %arg17[%add3A_26, %dma_wait3A] : memref<10240x128xf32, #tpu.memory_space<vmem_shared>> -> memref<64x128xf32, #tpu.memory_space<vmem_shared>>
      %dma_wait3A_97 = arith.constant 0 : i32
      %dma_wait3A_98 = tpu.memref_slice %arg17[%add3A_26, %dma_wait3A_97] : memref<10240x128xf32, #tpu.memory_space<vmem_shared>> -> memref<64x128xf32, #tpu.memory_space<vmem_shared>>
      tpu.wait_dma2 semaphore(%run_scoped3A : memref<!tpu.dma_semaphore, #tpu.memory_space<semaphore_mem>>) src(%arg13 : memref<64x128xf32, #tpu.memory_space<vmem>>) dst(%dma_wait3A_98 : memref<64x128xf32, #tpu.memory_space<vmem_shared>>)
      tpu.yield
    }) : () -> ()
    %mul3A_27 = arith.constant 640 : i32
    %mul3A_28 = arith.muli %arg1, %mul3A_27 : i32
    %add3A_29 = arith.constant 320 : i32
    %add3A_30 = arith.addi %mul3A_28, %add3A_29 : i32
    "tpu.region"() ({
      %run_scoped3A = tpu.sem_alloc : memref<!tpu.dma_semaphore, #tpu.memory_space<semaphore_mem>>
      %dma_start3A_92 = arith.constant 0 : i32
      %dma_start3A_93 = tpu.memref_slice %arg17[%add3A_30, %dma_start3A_92] : memref<10240x128xf32, #tpu.memory_space<vmem_shared>> -> memref<64x128xf32, #tpu.memory_space<vmem_shared>>
      %dma_start3A_94 = arith.constant 0 : i32
      %dma_start3A_95 = tpu.memref_slice %arg17[%add3A_30, %dma_start3A_94] : memref<10240x128xf32, #tpu.memory_space<vmem_shared>> -> memref<64x128xf32, #tpu.memory_space<vmem_shared>>
      tpu.enqueue_dma source(%arg13 : memref<64x128xf32, #tpu.memory_space<vmem>>) target(%dma_start3A_95 : memref<64x128xf32, #tpu.memory_space<vmem_shared>>) target_semaphore(%run_scoped3A : memref<!tpu.dma_semaphore, #tpu.memory_space<semaphore_mem>>)
      %dma_wait3A = arith.constant 0 : i32
      %dma_wait3A_96 = tpu.memref_slice %arg17[%add3A_30, %dma_wait3A] : memref<10240x128xf32, #tpu.memory_space<vmem_shared>> -> memref<64x128xf32, #tpu.memory_space<vmem_shared>>
      %dma_wait3A_97 = arith.constant 0 : i32
      %dma_wait3A_98 = tpu.memref_slice %arg17[%add3A_30, %dma_wait3A_97] : memref<10240x128xf32, #tpu.memory_space<vmem_shared>> -> memref<64x128xf32, #tpu.memory_space<vmem_shared>>
      tpu.wait_dma2 semaphore(%run_scoped3A : memref<!tpu.dma_semaphore, #tpu.memory_space<semaphore_mem>>) src(%arg13 : memref<64x128xf32, #tpu.memory_space<vmem>>) dst(%dma_wait3A_98 : memref<64x128xf32, #tpu.memory_space<vmem_shared>>)
      tpu.yield
    }) : () -> ()
    %mul3A_31 = arith.constant 640 : i32
    %mul3A_32 = arith.muli %arg1, %mul3A_31 : i32
    %add3A_33 = arith.constant 384 : i32
    %add3A_34 = arith.addi %mul3A_32, %add3A_33 : i32
    "tpu.region"() ({
      %run_scoped3A = tpu.sem_alloc : memref<!tpu.dma_semaphore, #tpu.memory_space<semaphore_mem>>
      %dma_start3A_92 = arith.constant 0 : i32
      %dma_start3A_93 = tpu.memref_slice %arg17[%add3A_34, %dma_start3A_92] : memref<10240x128xf32, #tpu.memory_space<vmem_shared>> -> memref<64x128xf32, #tpu.memory_space<vmem_shared>>
      %dma_start3A_94 = arith.constant 0 : i32
      %dma_start3A_95 = tpu.memref_slice %arg17[%add3A_34, %dma_start3A_94] : memref<10240x128xf32, #tpu.memory_space<vmem_shared>> -> memref<64x128xf32, #tpu.memory_space<vmem_shared>>
      tpu.enqueue_dma source(%arg13 : memref<64x128xf32, #tpu.memory_space<vmem>>) target(%dma_start3A_95 : memref<64x128xf32, #tpu.memory_space<vmem_shared>>) target_semaphore(%run_scoped3A : memref<!tpu.dma_semaphore, #tpu.memory_space<semaphore_mem>>)
      %dma_wait3A = arith.constant 0 : i32
      %dma_wait3A_96 = tpu.memref_slice %arg17[%add3A_34, %dma_wait3A] : memref<10240x128xf32, #tpu.memory_space<vmem_shared>> -> memref<64x128xf32, #tpu.memory_space<vmem_shared>>
      %dma_wait3A_97 = arith.constant 0 : i32
      %dma_wait3A_98 = tpu.memref_slice %arg17[%add3A_34, %dma_wait3A_97] : memref<10240x128xf32, #tpu.memory_space<vmem_shared>> -> memref<64x128xf32, #tpu.memory_space<vmem_shared>>
      tpu.wait_dma2 semaphore(%run_scoped3A : memref<!tpu.dma_semaphore, #tpu.memory_space<semaphore_mem>>) src(%arg13 : memref<64x128xf32, #tpu.memory_space<vmem>>) dst(%dma_wait3A_98 : memref<64x128xf32, #tpu.memory_space<vmem_shared>>)
      tpu.yield
    }) : () -> ()
    %mul3A_35 = arith.constant 640 : i32
    %mul3A_36 = arith.muli %arg1, %mul3A_35 : i32
    %add3A_37 = arith.constant 448 : i32
    %add3A_38 = arith.addi %mul3A_36, %add3A_37 : i32
    "tpu.region"() ({
      %run_scoped3A = tpu.sem_alloc : memref<!tpu.dma_semaphore, #tpu.memory_space<semaphore_mem>>
      %dma_start3A_92 = arith.constant 0 : i32
      %dma_start3A_93 = tpu.memref_slice %arg17[%add3A_38, %dma_start3A_92] : memref<10240x128xf32, #tpu.memory_space<vmem_shared>> -> memref<64x128xf32, #tpu.memory_space<vmem_shared>>
      %dma_start3A_94 = arith.constant 0 : i32
      %dma_start3A_95 = tpu.memref_slice %arg17[%add3A_38, %dma_start3A_94] : memref<10240x128xf32, #tpu.memory_space<vmem_shared>> -> memref<64x128xf32, #tpu.memory_space<vmem_shared>>
      tpu.enqueue_dma source(%arg13 : memref<64x128xf32, #tpu.memory_space<vmem>>) target(%dma_start3A_95 : memref<64x128xf32, #tpu.memory_space<vmem_shared>>) target_semaphore(%run_scoped3A : memref<!tpu.dma_semaphore, #tpu.memory_space<semaphore_mem>>)
      %dma_wait3A = arith.constant 0 : i32
      %dma_wait3A_96 = tpu.memref_slice %arg17[%add3A_38, %dma_wait3A] : memref<10240x128xf32, #tpu.memory_space<vmem_shared>> -> memref<64x128xf32, #tpu.memory_space<vmem_shared>>
      %dma_wait3A_97 = arith.constant 0 : i32
      %dma_wait3A_98 = tpu.memref_slice %arg17[%add3A_38, %dma_wait3A_97] : memref<10240x128xf32, #tpu.memory_space<vmem_shared>> -> memref<64x128xf32, #tpu.memory_space<vmem_shared>>
      tpu.wait_dma2 semaphore(%run_scoped3A : memref<!tpu.dma_semaphore, #tpu.memory_space<semaphore_mem>>) src(%arg13 : memref<64x128xf32, #tpu.memory_space<vmem>>) dst(%dma_wait3A_98 : memref<64x128xf32, #tpu.memory_space<vmem_shared>>)
      tpu.yield
    }) : () -> ()
    %mul3A_39 = arith.constant 640 : i32
    %mul3A_40 = arith.muli %arg1, %mul3A_39 : i32
    %add3A_41 = arith.constant 512 : i32
    %add3A_42 = arith.addi %mul3A_40, %add3A_41 : i32
    "tpu.region"() ({
      %run_scoped3A = tpu.sem_alloc : memref<!tpu.dma_semaphore, #tpu.memory_space<semaphore_mem>>
      %dma_start3A_92 = arith.constant 0 : i32
      %dma_start3A_93 = tpu.memref_slice %arg17[%add3A_42, %dma_start3A_92] : memref<10240x128xf32, #tpu.memory_space<vmem_shared>> -> memref<64x128xf32, #tpu.memory_space<vmem_shared>>
      %dma_start3A_94 = arith.constant 0 : i32
      %dma_start3A_95 = tpu.memref_slice %arg17[%add3A_42, %dma_start3A_94] : memref<10240x128xf32, #tpu.memory_space<vmem_shared>> -> memref<64x128xf32, #tpu.memory_space<vmem_shared>>
      tpu.enqueue_dma source(%arg13 : memref<64x128xf32, #tpu.memory_space<vmem>>) target(%dma_start3A_95 : memref<64x128xf32, #tpu.memory_space<vmem_shared>>) target_semaphore(%run_scoped3A : memref<!tpu.dma_semaphore, #tpu.memory_space<semaphore_mem>>)
      %dma_wait3A = arith.constant 0 : i32
      %dma_wait3A_96 = tpu.memref_slice %arg17[%add3A_42, %dma_wait3A] : memref<10240x128xf32, #tpu.memory_space<vmem_shared>> -> memref<64x128xf32, #tpu.memory_space<vmem_shared>>
      %dma_wait3A_97 = arith.constant 0 : i32
      %dma_wait3A_98 = tpu.memref_slice %arg17[%add3A_42, %dma_wait3A_97] : memref<10240x128xf32, #tpu.memory_space<vmem_shared>> -> memref<64x128xf32, #tpu.memory_space<vmem_shared>>
      tpu.wait_dma2 semaphore(%run_scoped3A : memref<!tpu.dma_semaphore, #tpu.memory_space<semaphore_mem>>) src(%arg13 : memref<64x128xf32, #tpu.memory_space<vmem>>) dst(%dma_wait3A_98 : memref<64x128xf32, #tpu.memory_space<vmem_shared>>)
      tpu.yield
    }) : () -> ()
    %mul3A_43 = arith.constant 640 : i32
    %mul3A_44 = arith.muli %arg1, %mul3A_43 : i32
    %add3A_45 = arith.constant 576 : i32
    %add3A_46 = arith.addi %mul3A_44, %add3A_45 : i32
    "tpu.region"() ({
      %run_scoped3A = tpu.sem_alloc : memref<!tpu.dma_semaphore, #tpu.memory_space<semaphore_mem>>
      %dma_start3A_92 = arith.constant 0 : i32
      %dma_start3A_93 = tpu.memref_slice %arg17[%add3A_46, %dma_start3A_92] : memref<10240x128xf32, #tpu.memory_space<vmem_shared>> -> memref<64x128xf32, #tpu.memory_space<vmem_shared>>
      %dma_start3A_94 = arith.constant 0 : i32
      %dma_start3A_95 = tpu.memref_slice %arg17[%add3A_46, %dma_start3A_94] : memref<10240x128xf32, #tpu.memory_space<vmem_shared>> -> memref<64x128xf32, #tpu.memory_space<vmem_shared>>
      tpu.enqueue_dma source(%arg13 : memref<64x128xf32, #tpu.memory_space<vmem>>) target(%dma_start3A_95 : memref<64x128xf32, #tpu.memory_space<vmem_shared>>) target_semaphore(%run_scoped3A : memref<!tpu.dma_semaphore, #tpu.memory_space<semaphore_mem>>)
      %dma_wait3A = arith.constant 0 : i32
      %dma_wait3A_96 = tpu.memref_slice %arg17[%add3A_46, %dma_wait3A] : memref<10240x128xf32, #tpu.memory_space<vmem_shared>> -> memref<64x128xf32, #tpu.memory_space<vmem_shared>>
      %dma_wait3A_97 = arith.constant 0 : i32
      %dma_wait3A_98 = tpu.memref_slice %arg17[%add3A_46, %dma_wait3A_97] : memref<10240x128xf32, #tpu.memory_space<vmem_shared>> -> memref<64x128xf32, #tpu.memory_space<vmem_shared>>
      tpu.wait_dma2 semaphore(%run_scoped3A : memref<!tpu.dma_semaphore, #tpu.memory_space<semaphore_mem>>) src(%arg13 : memref<64x128xf32, #tpu.memory_space<vmem>>) dst(%dma_wait3A_98 : memref<64x128xf32, #tpu.memory_space<vmem_shared>>)
      tpu.yield
    }) : () -> ()
    %barrier3A = arith.constant 0 : index
    tpu.barrier barrier_id(%barrier3A)
    %mul3A_47 = arith.constant 160 : i32
    %mul3A_48 = arith.muli %add3A, %mul3A_47 : i32
    %add3A_49 = arith.constant 0 : i32
    %add3A_50 = arith.addi %mul3A_48, %add3A_49 : i32
    %mul3A_51 = arith.constant 64 : i32
    %mul3A_52 = arith.muli %add3A_50, %mul3A_51 : i32
    %dma_start3A = tpu.memref_slice %arg4[%mul3A_52] : memref<320000xi32, #tpu.memory_space<hbm>> -> memref<64xi32, #tpu.memory_space<hbm>>
    %dma_start3A_53 = tpu.memref_slice %arg4[%mul3A_52] : memref<320000xi32, #tpu.memory_space<hbm>> -> memref<64xi32, #tpu.memory_space<hbm>>
    tpu.enqueue_dma source(%dma_start3A_53 : memref<64xi32, #tpu.memory_space<hbm>>) target(%arg9 : memref<64xi32, #tpu.memory_space<vmem>>) target_semaphore(%arg18 : memref<!tpu.dma_semaphore, #tpu.memory_space<semaphore_mem>>)
    %dma_start3A_54 = arith.constant 0 : i32
    %dma_start3A_55 = tpu.memref_slice %arg8[%dma_start3A_54] : memref<10240xi32, #tpu.memory_space<vmem>> -> memref<64xi32, #tpu.memory_space<vmem>>
    %dma_start3A_56 = arith.constant 0 : i32
    %dma_start3A_57 = arith.constant 0 : i32
    %dma_start3A_58 = tpu.memref_slice %arg2[%dma_start3A_56, %dma_start3A_57] : memref<10000x128xf32, #tpu.memory_space<hbm>> -> memref<10000x128xf32, #tpu.memory_space<hbm>>
    tpu.enqueue_indirect_dma source(%dma_start3A_58 : memref<10000x128xf32, #tpu.memory_space<hbm>>) target(%arg13 : memref<64x128xf32, #tpu.memory_space<vmem>>) offsets(%dma_start3A_55 : memref<64xi32, #tpu.memory_space<vmem>>) semaphore(%arg18 : memref<!tpu.dma_semaphore, #tpu.memory_space<semaphore_mem>>)
    %mul3A_59 = arith.constant 160 : i32
    %mul3A_60 = arith.muli %add3A, %mul3A_59 : i32
    %add3A_61 = arith.constant 1 : i32
    %add3A_62 = arith.addi %mul3A_60, %add3A_61 : i32
    %mul3A_63 = arith.constant 64 : i32
    %mul3A_64 = arith.muli %add3A_62, %mul3A_63 : i32
    %dma_start3A_65 = tpu.memref_slice %arg4[%mul3A_64] : memref<320000xi32, #tpu.memory_space<hbm>> -> memref<64xi32, #tpu.memory_space<hbm>>
    %dma_start3A_66 = tpu.memref_slice %arg4[%mul3A_64] : memref<320000xi32, #tpu.memory_space<hbm>> -> memref<64xi32, #tpu.memory_space<hbm>>
    tpu.enqueue_dma source(%dma_start3A_66 : memref<64xi32, #tpu.memory_space<hbm>>) target(%arg10 : memref<64xi32, #tpu.memory_space<vmem>>) target_semaphore(%arg19 : memref<!tpu.dma_semaphore, #tpu.memory_space<semaphore_mem>>)
    %dma_start3A_67 = arith.constant 64 : i32
    %dma_start3A_68 = tpu.memref_slice %arg8[%dma_start3A_67] : memref<10240xi32, #tpu.memory_space<vmem>> -> memref<64xi32, #tpu.memory_space<vmem>>
    %dma_start3A_69 = arith.constant 0 : i32
    %dma_start3A_70 = arith.constant 0 : i32
    %dma_start3A_71 = tpu.memref_slice %arg2[%dma_start3A_69, %dma_start3A_70] : memref<10000x128xf32, #tpu.memory_space<hbm>> -> memref<10000x128xf32, #tpu.memory_space<hbm>>
    tpu.enqueue_indirect_dma source(%dma_start3A_71 : memref<10000x128xf32, #tpu.memory_space<hbm>>) target(%arg14 : memref<64x128xf32, #tpu.memory_space<vmem>>) offsets(%dma_start3A_68 : memref<64xi32, #tpu.memory_space<vmem>>) semaphore(%arg19 : memref<!tpu.dma_semaphore, #tpu.memory_space<semaphore_mem>>)
    %while3A = arith.constant 0 : i32
    %while3A_72 = arith.constant 0 : i32
    %while3A_73 = arith.subi %select_n3A, %while3A_72 : i32
    %while3A_74 = arith.addi %while3A_72, %while3A_73 : i32
    %while3A_75 = arith.constant 1 : i32
    %while3A_76 = arith.divsi %while3A_73, %while3A_75 : i32
    %while3A_77 = arith.muli %while3A_76, %while3A_75 : i32
    %while3A_78 = arith.addi %while3A_72, %while3A_77 : i32
    %while3A_79 = arith.constant 1 : i32
    scf.for %while3A_92 = %while3A_72 to %while3A_78 step %while3A_79  : i32 {
      %mul3A_93 = arith.constant 4 : i32
      %mul3A_94 = arith.muli %while3A_92, %mul3A_93 : i32
      %add3A_95 = arith.constant 0 : i32
      %add3A_96 = arith.addi %mul3A_94, %add3A_95 : i32
      %gt3A = arith.constant 0 : i32
      %gt3A_97 = arith.cmpi sgt, %while3A_92, %gt3A : i32
      %convert_element_type3A_98 = arith.extui %gt3A_97 : i1 to i32
      %cond3A_99 = arith.constant 0 : i32
      %cond3A_100 = arith.cmpi ne, %convert_element_type3A_98, %cond3A_99 : i32
      scf.if %cond3A_100 {
        tpu.wait_dma2 semaphore(%arg24 : memref<!tpu.dma_semaphore, #tpu.memory_space<semaphore_mem>>) src(%arg5 : memref<64x128xf32, #tpu.memory_space<hbm>>) dst(%arg15 : memref<64x128xf32, #tpu.memory_space<vmem>>)
      } else {
      }
      %add3A_101 = arith.constant 2 : i32
      %add3A_102 = arith.addi %add3A_96, %add3A_101 : i32
      %mul3A_103 = arith.constant 160 : i32
      %mul3A_104 = arith.muli %add3A, %mul3A_103 : i32
      %add3A_105 = arith.addi %mul3A_104, %add3A_102 : i32
      %mul3A_106 = arith.constant 64 : i32
      %mul3A_107 = arith.muli %add3A_105, %mul3A_106 : i32
      %dma_start3A_108 = tpu.memref_slice %arg4[%mul3A_107] : memref<320000xi32, #tpu.memory_space<hbm>> -> memref<64xi32, #tpu.memory_space<hbm>>
      %dma_start3A_109 = tpu.memref_slice %arg4[%mul3A_107] : memref<320000xi32, #tpu.memory_space<hbm>> -> memref<64xi32, #tpu.memory_space<hbm>>
      tpu.enqueue_dma source(%dma_start3A_109 : memref<64xi32, #tpu.memory_space<hbm>>) target(%arg11 : memref<64xi32, #tpu.memory_space<vmem>>) target_semaphore(%arg20 : memref<!tpu.dma_semaphore, #tpu.memory_space<semaphore_mem>>)
      %mul3A_110 = arith.constant 64 : i32
      %mul3A_111 = arith.muli %add3A_102, %mul3A_110 : i32
      %dma_start3A_112 = tpu.memref_slice %arg8[%mul3A_111] : memref<10240xi32, #tpu.memory_space<vmem>> -> memref<64xi32, #tpu.memory_space<vmem>>
      %dma_start3A_113 = arith.constant 0 : i32
      %dma_start3A_114 = arith.constant 0 : i32
      %dma_start3A_115 = tpu.memref_slice %arg2[%dma_start3A_113, %dma_start3A_114] : memref<10000x128xf32, #tpu.memory_space<hbm>> -> memref<10000x128xf32, #tpu.memory_space<hbm>>
      tpu.enqueue_indirect_dma source(%dma_start3A_115 : memref<10000x128xf32, #tpu.memory_space<hbm>>) target(%arg15 : memref<64x128xf32, #tpu.memory_space<vmem>>) offsets(%dma_start3A_112 : memref<64xi32, #tpu.memory_space<vmem>>) semaphore(%arg20 : memref<!tpu.dma_semaphore, #tpu.memory_space<semaphore_mem>>)
      %dma_wait3A = arith.constant 0 : i32
      %dma_wait3A_116 = tpu.memref_slice %arg4[%dma_wait3A] : memref<320000xi32, #tpu.memory_space<hbm>> -> memref<64xi32, #tpu.memory_space<hbm>>
      %dma_wait3A_117 = arith.constant 0 : i32
      %dma_wait3A_118 = tpu.memref_slice %arg4[%dma_wait3A_117] : memref<320000xi32, #tpu.memory_space<hbm>> -> memref<64xi32, #tpu.memory_space<hbm>>
      tpu.wait_dma2 semaphore(%arg18 : memref<!tpu.dma_semaphore, #tpu.memory_space<semaphore_mem>>) src(%dma_wait3A_118 : memref<64xi32, #tpu.memory_space<hbm>>) dst(%arg9 : memref<64xi32, #tpu.memory_space<vmem>>)
      tpu.wait_dma2 semaphore(%arg18 : memref<!tpu.dma_semaphore, #tpu.memory_space<semaphore_mem>>) src(%arg5 : memref<64x128xf32, #tpu.memory_space<hbm>>) dst(%arg13 : memref<64x128xf32, #tpu.memory_space<vmem>>)
      %dma_start3A_119 = arith.constant 0 : i32
      %dma_start3A_120 = arith.constant 0 : i32
      %dma_start3A_121 = tpu.memref_slice %arg17[%dma_start3A_119, %dma_start3A_120] : memref<10240x128xf32, #tpu.memory_space<vmem_shared>> -> memref<10240x128xf32, #tpu.memory_space<vmem_shared>>
      tpu.enqueue_indirect_dma source(%arg13 : memref<64x128xf32, #tpu.memory_space<vmem>>) target(%dma_start3A_121 : memref<10240x128xf32, #tpu.memory_space<vmem_shared>>) offsets(%arg9 : memref<64xi32, #tpu.memory_space<vmem>>) semaphore(%arg22 : memref<!tpu.dma_semaphore, #tpu.memory_space<semaphore_mem>>) {add = true}
      %mul3A_122 = arith.constant 4 : i32
      %mul3A_123 = arith.muli %while3A_92, %mul3A_122 : i32
      %add3A_124 = arith.constant 1 : i32
      %add3A_125 = arith.addi %mul3A_123, %add3A_124 : i32
      %gt3A_126 = arith.constant 0 : i32
      %gt3A_127 = arith.cmpi sgt, %while3A_92, %gt3A_126 : i32
      %convert_element_type3A_128 = arith.extui %gt3A_127 : i1 to i32
      %cond3A_129 = arith.constant 0 : i32
      %cond3A_130 = arith.cmpi ne, %convert_element_type3A_128, %cond3A_129 : i32
      scf.if %cond3A_130 {
        tpu.wait_dma2 semaphore(%arg25 : memref<!tpu.dma_semaphore, #tpu.memory_space<semaphore_mem>>) src(%arg5 : memref<64x128xf32, #tpu.memory_space<hbm>>) dst(%arg16 : memref<64x128xf32, #tpu.memory_space<vmem>>)
      } else {
      }
      %add3A_131 = arith.constant 2 : i32
      %add3A_132 = arith.addi %add3A_125, %add3A_131 : i32
      %mul3A_133 = arith.constant 160 : i32
      %mul3A_134 = arith.muli %add3A, %mul3A_133 : i32
      %add3A_135 = arith.addi %mul3A_134, %add3A_132 : i32
      %mul3A_136 = arith.constant 64 : i32
      %mul3A_137 = arith.muli %add3A_135, %mul3A_136 : i32
      %dma_start3A_138 = tpu.memref_slice %arg4[%mul3A_137] : memref<320000xi32, #tpu.memory_space<hbm>> -> memref<64xi32, #tpu.memory_space<hbm>>
      %dma_start3A_139 = tpu.memref_slice %arg4[%mul3A_137] : memref<320000xi32, #tpu.memory_space<hbm>> -> memref<64xi32, #tpu.memory_space<hbm>>
      tpu.enqueue_dma source(%dma_start3A_139 : memref<64xi32, #tpu.memory_space<hbm>>) target(%arg12 : memref<64xi32, #tpu.memory_space<vmem>>) target_semaphore(%arg21 : memref<!tpu.dma_semaphore, #tpu.memory_space<semaphore_mem>>)
      %mul3A_140 = arith.constant 64 : i32
      %mul3A_141 = arith.muli %add3A_132, %mul3A_140 : i32
      %dma_start3A_142 = tpu.memref_slice %arg8[%mul3A_141] : memref<10240xi32, #tpu.memory_space<vmem>> -> memref<64xi32, #tpu.memory_space<vmem>>
      %dma_start3A_143 = arith.constant 0 : i32
      %dma_start3A_144 = arith.constant 0 : i32
      %dma_start3A_145 = tpu.memref_slice %arg2[%dma_start3A_143, %dma_start3A_144] : memref<10000x128xf32, #tpu.memory_space<hbm>> -> memref<10000x128xf32, #tpu.memory_space<hbm>>
      tpu.enqueue_indirect_dma source(%dma_start3A_145 : memref<10000x128xf32, #tpu.memory_space<hbm>>) target(%arg16 : memref<64x128xf32, #tpu.memory_space<vmem>>) offsets(%dma_start3A_142 : memref<64xi32, #tpu.memory_space<vmem>>) semaphore(%arg21 : memref<!tpu.dma_semaphore, #tpu.memory_space<semaphore_mem>>)
      %dma_wait3A_146 = arith.constant 0 : i32
      %dma_wait3A_147 = tpu.memref_slice %arg4[%dma_wait3A_146] : memref<320000xi32, #tpu.memory_space<hbm>> -> memref<64xi32, #tpu.memory_space<hbm>>
      %dma_wait3A_148 = arith.constant 0 : i32
      %dma_wait3A_149 = tpu.memref_slice %arg4[%dma_wait3A_148] : memref<320000xi32, #tpu.memory_space<hbm>> -> memref<64xi32, #tpu.memory_space<hbm>>
      tpu.wait_dma2 semaphore(%arg19 : memref<!tpu.dma_semaphore, #tpu.memory_space<semaphore_mem>>) src(%dma_wait3A_149 : memref<64xi32, #tpu.memory_space<hbm>>) dst(%arg10 : memref<64xi32, #tpu.memory_space<vmem>>)
      tpu.wait_dma2 semaphore(%arg19 : memref<!tpu.dma_semaphore, #tpu.memory_space<semaphore_mem>>) src(%arg5 : memref<64x128xf32, #tpu.memory_space<hbm>>) dst(%arg14 : memref<64x128xf32, #tpu.memory_space<vmem>>)
      %dma_start3A_150 = arith.constant 0 : i32
      %dma_start3A_151 = arith.constant 0 : i32
      %dma_start3A_152 = tpu.memref_slice %arg17[%dma_start3A_150, %dma_start3A_151] : memref<10240x128xf32, #tpu.memory_space<vmem_shared>> -> memref<10240x128xf32, #tpu.memory_space<vmem_shared>>
      tpu.enqueue_indirect_dma source(%arg14 : memref<64x128xf32, #tpu.memory_space<vmem>>) target(%dma_start3A_152 : memref<10240x128xf32, #tpu.memory_space<vmem_shared>>) offsets(%arg10 : memref<64xi32, #tpu.memory_space<vmem>>) semaphore(%arg23 : memref<!tpu.dma_semaphore, #tpu.memory_space<semaphore_mem>>) {add = true}
      %mul3A_153 = arith.constant 4 : i32
      %mul3A_154 = arith.muli %while3A_92, %mul3A_153 : i32
      %add3A_155 = arith.constant 2 : i32
      %add3A_156 = arith.addi %mul3A_154, %add3A_155 : i32
      %sub3A = arith.constant 1 : i32
      %sub3A_157 = arith.subi %select_n3A, %sub3A : i32
      %lt3A_158 = arith.cmpi slt, %while3A_92, %sub3A_157 : i32
      %convert_element_type3A_159 = arith.extui %lt3A_158 : i1 to i32
      %cond3A_160 = arith.constant 0 : i32
      %cond3A_161 = arith.cmpi ne, %convert_element_type3A_159, %cond3A_160 : i32
      scf.if %cond3A_161 {
        tpu.wait_dma2 semaphore(%arg22 : memref<!tpu.dma_semaphore, #tpu.memory_space<semaphore_mem>>) src(%arg5 : memref<64x128xf32, #tpu.memory_space<hbm>>) dst(%arg13 : memref<64x128xf32, #tpu.memory_space<vmem>>)
        %add3A_186 = arith.constant 2 : i32
        %add3A_187 = arith.addi %add3A_156, %add3A_186 : i32
        %mul3A_188 = arith.constant 160 : i32
        %mul3A_189 = arith.muli %add3A, %mul3A_188 : i32
        %add3A_190 = arith.addi %mul3A_189, %add3A_187 : i32
        %mul3A_191 = arith.constant 64 : i32
        %mul3A_192 = arith.muli %add3A_190, %mul3A_191 : i32
        %dma_start3A_193 = tpu.memref_slice %arg4[%mul3A_192] : memref<320000xi32, #tpu.memory_space<hbm>> -> memref<64xi32, #tpu.memory_space<hbm>>
        %dma_start3A_194 = tpu.memref_slice %arg4[%mul3A_192] : memref<320000xi32, #tpu.memory_space<hbm>> -> memref<64xi32, #tpu.memory_space<hbm>>
        tpu.enqueue_dma source(%dma_start3A_194 : memref<64xi32, #tpu.memory_space<hbm>>) target(%arg9 : memref<64xi32, #tpu.memory_space<vmem>>) target_semaphore(%arg18 : memref<!tpu.dma_semaphore, #tpu.memory_space<semaphore_mem>>)
        %mul3A_195 = arith.constant 64 : i32
        %mul3A_196 = arith.muli %add3A_187, %mul3A_195 : i32
        %dma_start3A_197 = tpu.memref_slice %arg8[%mul3A_196] : memref<10240xi32, #tpu.memory_space<vmem>> -> memref<64xi32, #tpu.memory_space<vmem>>
        %dma_start3A_198 = arith.constant 0 : i32
        %dma_start3A_199 = arith.constant 0 : i32
        %dma_start3A_200 = tpu.memref_slice %arg2[%dma_start3A_198, %dma_start3A_199] : memref<10000x128xf32, #tpu.memory_space<hbm>> -> memref<10000x128xf32, #tpu.memory_space<hbm>>
        tpu.enqueue_indirect_dma source(%dma_start3A_200 : memref<10000x128xf32, #tpu.memory_space<hbm>>) target(%arg13 : memref<64x128xf32, #tpu.memory_space<vmem>>) offsets(%dma_start3A_197 : memref<64xi32, #tpu.memory_space<vmem>>) semaphore(%arg18 : memref<!tpu.dma_semaphore, #tpu.memory_space<semaphore_mem>>)
      } else {
      }
      %dma_wait3A_162 = arith.constant 0 : i32
      %dma_wait3A_163 = tpu.memref_slice %arg4[%dma_wait3A_162] : memref<320000xi32, #tpu.memory_space<hbm>> -> memref<64xi32, #tpu.memory_space<hbm>>
      %dma_wait3A_164 = arith.constant 0 : i32
      %dma_wait3A_165 = tpu.memref_slice %arg4[%dma_wait3A_164] : memref<320000xi32, #tpu.memory_space<hbm>> -> memref<64xi32, #tpu.memory_space<hbm>>
      tpu.wait_dma2 semaphore(%arg20 : memref<!tpu.dma_semaphore, #tpu.memory_space<semaphore_mem>>) src(%dma_wait3A_165 : memref<64xi32, #tpu.memory_space<hbm>>) dst(%arg11 : memref<64xi32, #tpu.memory_space<vmem>>)
      tpu.wait_dma2 semaphore(%arg20 : memref<!tpu.dma_semaphore, #tpu.memory_space<semaphore_mem>>) src(%arg5 : memref<64x128xf32, #tpu.memory_space<hbm>>) dst(%arg15 : memref<64x128xf32, #tpu.memory_space<vmem>>)
      %dma_start3A_166 = arith.constant 0 : i32
      %dma_start3A_167 = arith.constant 0 : i32
      %dma_start3A_168 = tpu.memref_slice %arg17[%dma_start3A_166, %dma_start3A_167] : memref<10240x128xf32, #tpu.memory_space<vmem_shared>> -> memref<10240x128xf32, #tpu.memory_space<vmem_shared>>
      tpu.enqueue_indirect_dma source(%arg15 : memref<64x128xf32, #tpu.memory_space<vmem>>) target(%dma_start3A_168 : memref<10240x128xf32, #tpu.memory_space<vmem_shared>>) offsets(%arg11 : memref<64xi32, #tpu.memory_space<vmem>>) semaphore(%arg24 : memref<!tpu.dma_semaphore, #tpu.memory_space<semaphore_mem>>) {add = true}
      %mul3A_169 = arith.constant 4 : i32
      %mul3A_170 = arith.muli %while3A_92, %mul3A_169 : i32
      %add3A_171 = arith.constant 3 : i32
      %add3A_172 = arith.addi %mul3A_170, %add3A_171 : i32
      %sub3A_173 = arith.constant 1 : i32
      %sub3A_174 = arith.subi %select_n3A, %sub3A_173 : i32
      %lt3A_175 = arith.cmpi slt, %while3A_92, %sub3A_174 : i32
      %convert_element_type3A_176 = arith.extui %lt3A_175 : i1 to i32
      %cond3A_177 = arith.constant 0 : i32
      %cond3A_178 = arith.cmpi ne, %convert_element_type3A_176, %cond3A_177 : i32
      scf.if %cond3A_178 {
        tpu.wait_dma2 semaphore(%arg23 : memref<!tpu.dma_semaphore, #tpu.memory_space<semaphore_mem>>) src(%arg5 : memref<64x128xf32, #tpu.memory_space<hbm>>) dst(%arg14 : memref<64x128xf32, #tpu.memory_space<vmem>>)
        %add3A_186 = arith.constant 2 : i32
        %add3A_187 = arith.addi %add3A_172, %add3A_186 : i32
        %mul3A_188 = arith.constant 160 : i32
        %mul3A_189 = arith.muli %add3A, %mul3A_188 : i32
        %add3A_190 = arith.addi %mul3A_189, %add3A_187 : i32
        %mul3A_191 = arith.constant 64 : i32
        %mul3A_192 = arith.muli %add3A_190, %mul3A_191 : i32
        %dma_start3A_193 = tpu.memref_slice %arg4[%mul3A_192] : memref<320000xi32, #tpu.memory_space<hbm>> -> memref<64xi32, #tpu.memory_space<hbm>>
        %dma_start3A_194 = tpu.memref_slice %arg4[%mul3A_192] : memref<320000xi32, #tpu.memory_space<hbm>> -> memref<64xi32, #tpu.memory_space<hbm>>
        tpu.enqueue_dma source(%dma_start3A_194 : memref<64xi32, #tpu.memory_space<hbm>>) target(%arg10 : memref<64xi32, #tpu.memory_space<vmem>>) target_semaphore(%arg19 : memref<!tpu.dma_semaphore, #tpu.memory_space<semaphore_mem>>)
        %mul3A_195 = arith.constant 64 : i32
        %mul3A_196 = arith.muli %add3A_187, %mul3A_195 : i32
        %dma_start3A_197 = tpu.memref_slice %arg8[%mul3A_196] : memref<10240xi32, #tpu.memory_space<vmem>> -> memref<64xi32, #tpu.memory_space<vmem>>
        %dma_start3A_198 = arith.constant 0 : i32
        %dma_start3A_199 = arith.constant 0 : i32
        %dma_start3A_200 = tpu.memref_slice %arg2[%dma_start3A_198, %dma_start3A_199] : memref<10000x128xf32, #tpu.memory_space<hbm>> -> memref<10000x128xf32, #tpu.memory_space<hbm>>
        tpu.enqueue_indirect_dma source(%dma_start3A_200 : memref<10000x128xf32, #tpu.memory_space<hbm>>) target(%arg14 : memref<64x128xf32, #tpu.memory_space<vmem>>) offsets(%dma_start3A_197 : memref<64xi32, #tpu.memory_space<vmem>>) semaphore(%arg19 : memref<!tpu.dma_semaphore, #tpu.memory_space<semaphore_mem>>)
      } else {
      }
      %dma_wait3A_179 = arith.constant 0 : i32
      %dma_wait3A_180 = tpu.memref_slice %arg4[%dma_wait3A_179] : memref<320000xi32, #tpu.memory_space<hbm>> -> memref<64xi32, #tpu.memory_space<hbm>>
      %dma_wait3A_181 = arith.constant 0 : i32
      %dma_wait3A_182 = tpu.memref_slice %arg4[%dma_wait3A_181] : memref<320000xi32, #tpu.memory_space<hbm>> -> memref<64xi32, #tpu.memory_space<hbm>>
      tpu.wait_dma2 semaphore(%arg21 : memref<!tpu.dma_semaphore, #tpu.memory_space<semaphore_mem>>) src(%dma_wait3A_182 : memref<64xi32, #tpu.memory_space<hbm>>) dst(%arg12 : memref<64xi32, #tpu.memory_space<vmem>>)
      tpu.wait_dma2 semaphore(%arg21 : memref<!tpu.dma_semaphore, #tpu.memory_space<semaphore_mem>>) src(%arg5 : memref<64x128xf32, #tpu.memory_space<hbm>>) dst(%arg16 : memref<64x128xf32, #tpu.memory_space<vmem>>)
      %dma_start3A_183 = arith.constant 0 : i32
      %dma_start3A_184 = arith.constant 0 : i32
      %dma_start3A_185 = tpu.memref_slice %arg17[%dma_start3A_183, %dma_start3A_184] : memref<10240x128xf32, #tpu.memory_space<vmem_shared>> -> memref<10240x128xf32, #tpu.memory_space<vmem_shared>>
      tpu.enqueue_indirect_dma source(%arg16 : memref<64x128xf32, #tpu.memory_space<vmem>>) target(%dma_start3A_185 : memref<10240x128xf32, #tpu.memory_space<vmem_shared>>) offsets(%arg12 : memref<64xi32, #tpu.memory_space<vmem>>) semaphore(%arg25 : memref<!tpu.dma_semaphore, #tpu.memory_space<semaphore_mem>>) {add = true}
    }
    %while3A_80 = arith.constant 1 : i32
    scf.for %while3A_92 = %while3A_78 to %while3A_74 step %while3A_80  : i32 {
      %mul3A_93 = arith.constant 4 : i32
      %mul3A_94 = arith.muli %while3A_92, %mul3A_93 : i32
      %add3A_95 = arith.constant 0 : i32
      %add3A_96 = arith.addi %mul3A_94, %add3A_95 : i32
      %gt3A = arith.constant 0 : i32
      %gt3A_97 = arith.cmpi sgt, %while3A_92, %gt3A : i32
      %convert_element_type3A_98 = arith.extui %gt3A_97 : i1 to i32
      %cond3A_99 = arith.constant 0 : i32
      %cond3A_100 = arith.cmpi ne, %convert_element_type3A_98, %cond3A_99 : i32
      scf.if %cond3A_100 {
        tpu.wait_dma2 semaphore(%arg24 : memref<!tpu.dma_semaphore, #tpu.memory_space<semaphore_mem>>) src(%arg5 : memref<64x128xf32, #tpu.memory_space<hbm>>) dst(%arg15 : memref<64x128xf32, #tpu.memory_space<vmem>>)
      } else {
      }
      %add3A_101 = arith.constant 2 : i32
      %add3A_102 = arith.addi %add3A_96, %add3A_101 : i32
      %mul3A_103 = arith.constant 160 : i32
      %mul3A_104 = arith.muli %add3A, %mul3A_103 : i32
      %add3A_105 = arith.addi %mul3A_104, %add3A_102 : i32
      %mul3A_106 = arith.constant 64 : i32
      %mul3A_107 = arith.muli %add3A_105, %mul3A_106 : i32
      %dma_start3A_108 = tpu.memref_slice %arg4[%mul3A_107] : memref<320000xi32, #tpu.memory_space<hbm>> -> memref<64xi32, #tpu.memory_space<hbm>>
      %dma_start3A_109 = tpu.memref_slice %arg4[%mul3A_107] : memref<320000xi32, #tpu.memory_space<hbm>> -> memref<64xi32, #tpu.memory_space<hbm>>
      tpu.enqueue_dma source(%dma_start3A_109 : memref<64xi32, #tpu.memory_space<hbm>>) target(%arg11 : memref<64xi32, #tpu.memory_space<vmem>>) target_semaphore(%arg20 : memref<!tpu.dma_semaphore, #tpu.memory_space<semaphore_mem>>)
      %mul3A_110 = arith.constant 64 : i32
      %mul3A_111 = arith.muli %add3A_102, %mul3A_110 : i32
      %dma_start3A_112 = tpu.memref_slice %arg8[%mul3A_111] : memref<10240xi32, #tpu.memory_space<vmem>> -> memref<64xi32, #tpu.memory_space<vmem>>
      %dma_start3A_113 = arith.constant 0 : i32
      %dma_start3A_114 = arith.constant 0 : i32
      %dma_start3A_115 = tpu.memref_slice %arg2[%dma_start3A_113, %dma_start3A_114] : memref<10000x128xf32, #tpu.memory_space<hbm>> -> memref<10000x128xf32, #tpu.memory_space<hbm>>
      tpu.enqueue_indirect_dma source(%dma_start3A_115 : memref<10000x128xf32, #tpu.memory_space<hbm>>) target(%arg15 : memref<64x128xf32, #tpu.memory_space<vmem>>) offsets(%dma_start3A_112 : memref<64xi32, #tpu.memory_space<vmem>>) semaphore(%arg20 : memref<!tpu.dma_semaphore, #tpu.memory_space<semaphore_mem>>)
      %dma_wait3A = arith.constant 0 : i32
      %dma_wait3A_116 = tpu.memref_slice %arg4[%dma_wait3A] : memref<320000xi32, #tpu.memory_space<hbm>> -> memref<64xi32, #tpu.memory_space<hbm>>
      %dma_wait3A_117 = arith.constant 0 : i32
      %dma_wait3A_118 = tpu.memref_slice %arg4[%dma_wait3A_117] : memref<320000xi32, #tpu.memory_space<hbm>> -> memref<64xi32, #tpu.memory_space<hbm>>
      tpu.wait_dma2 semaphore(%arg18 : memref<!tpu.dma_semaphore, #tpu.memory_space<semaphore_mem>>) src(%dma_wait3A_118 : memref<64xi32, #tpu.memory_space<hbm>>) dst(%arg9 : memref<64xi32, #tpu.memory_space<vmem>>)
      tpu.wait_dma2 semaphore(%arg18 : memref<!tpu.dma_semaphore, #tpu.memory_space<semaphore_mem>>) src(%arg5 : memref<64x128xf32, #tpu.memory_space<hbm>>) dst(%arg13 : memref<64x128xf32, #tpu.memory_space<vmem>>)
      %dma_start3A_119 = arith.constant 0 : i32
      %dma_start3A_120 = arith.constant 0 : i32
      %dma_start3A_121 = tpu.memref_slice %arg17[%dma_start3A_119, %dma_start3A_120] : memref<10240x128xf32, #tpu.memory_space<vmem_shared>> -> memref<10240x128xf32, #tpu.memory_space<vmem_shared>>
      tpu.enqueue_indirect_dma source(%arg13 : memref<64x128xf32, #tpu.memory_space<vmem>>) target(%dma_start3A_121 : memref<10240x128xf32, #tpu.memory_space<vmem_shared>>) offsets(%arg9 : memref<64xi32, #tpu.memory_space<vmem>>) semaphore(%arg22 : memref<!tpu.dma_semaphore, #tpu.memory_space<semaphore_mem>>) {add = true}
      %mul3A_122 = arith.constant 4 : i32
      %mul3A_123 = arith.muli %while3A_92, %mul3A_122 : i32
      %add3A_124 = arith.constant 1 : i32
      %add3A_125 = arith.addi %mul3A_123, %add3A_124 : i32
      %gt3A_126 = arith.constant 0 : i32
      %gt3A_127 = arith.cmpi sgt, %while3A_92, %gt3A_126 : i32
      %convert_element_type3A_128 = arith.extui %gt3A_127 : i1 to i32
      %cond3A_129 = arith.constant 0 : i32
      %cond3A_130 = arith.cmpi ne, %convert_element_type3A_128, %cond3A_129 : i32
      scf.if %cond3A_130 {
        tpu.wait_dma2 semaphore(%arg25 : memref<!tpu.dma_semaphore, #tpu.memory_space<semaphore_mem>>) src(%arg5 : memref<64x128xf32, #tpu.memory_space<hbm>>) dst(%arg16 : memref<64x128xf32, #tpu.memory_space<vmem>>)
      } else {
      }
      %add3A_131 = arith.constant 2 : i32
      %add3A_132 = arith.addi %add3A_125, %add3A_131 : i32
      %mul3A_133 = arith.constant 160 : i32
      %mul3A_134 = arith.muli %add3A, %mul3A_133 : i32
      %add3A_135 = arith.addi %mul3A_134, %add3A_132 : i32
      %mul3A_136 = arith.constant 64 : i32
      %mul3A_137 = arith.muli %add3A_135, %mul3A_136 : i32
      %dma_start3A_138 = tpu.memref_slice %arg4[%mul3A_137] : memref<320000xi32, #tpu.memory_space<hbm>> -> memref<64xi32, #tpu.memory_space<hbm>>
      %dma_start3A_139 = tpu.memref_slice %arg4[%mul3A_137] : memref<320000xi32, #tpu.memory_space<hbm>> -> memref<64xi32, #tpu.memory_space<hbm>>
      tpu.enqueue_dma source(%dma_start3A_139 : memref<64xi32, #tpu.memory_space<hbm>>) target(%arg12 : memref<64xi32, #tpu.memory_space<vmem>>) target_semaphore(%arg21 : memref<!tpu.dma_semaphore, #tpu.memory_space<semaphore_mem>>)
      %mul3A_140 = arith.constant 64 : i32
      %mul3A_141 = arith.muli %add3A_132, %mul3A_140 : i32
      %dma_start3A_142 = tpu.memref_slice %arg8[%mul3A_141] : memref<10240xi32, #tpu.memory_space<vmem>> -> memref<64xi32, #tpu.memory_space<vmem>>
      %dma_start3A_143 = arith.constant 0 : i32
      %dma_start3A_144 = arith.constant 0 : i32
      %dma_start3A_145 = tpu.memref_slice %arg2[%dma_start3A_143, %dma_start3A_144] : memref<10000x128xf32, #tpu.memory_space<hbm>> -> memref<10000x128xf32, #tpu.memory_space<hbm>>
      tpu.enqueue_indirect_dma source(%dma_start3A_145 : memref<10000x128xf32, #tpu.memory_space<hbm>>) target(%arg16 : memref<64x128xf32, #tpu.memory_space<vmem>>) offsets(%dma_start3A_142 : memref<64xi32, #tpu.memory_space<vmem>>) semaphore(%arg21 : memref<!tpu.dma_semaphore, #tpu.memory_space<semaphore_mem>>)
      %dma_wait3A_146 = arith.constant 0 : i32
      %dma_wait3A_147 = tpu.memref_slice %arg4[%dma_wait3A_146] : memref<320000xi32, #tpu.memory_space<hbm>> -> memref<64xi32, #tpu.memory_space<hbm>>
      %dma_wait3A_148 = arith.constant 0 : i32
      %dma_wait3A_149 = tpu.memref_slice %arg4[%dma_wait3A_148] : memref<320000xi32, #tpu.memory_space<hbm>> -> memref<64xi32, #tpu.memory_space<hbm>>
      tpu.wait_dma2 semaphore(%arg19 : memref<!tpu.dma_semaphore, #tpu.memory_space<semaphore_mem>>) src(%dma_wait3A_149 : memref<64xi32, #tpu.memory_space<hbm>>) dst(%arg10 : memref<64xi32, #tpu.memory_space<vmem>>)
      tpu.wait_dma2 semaphore(%arg19 : memref<!tpu.dma_semaphore, #tpu.memory_space<semaphore_mem>>) src(%arg5 : memref<64x128xf32, #tpu.memory_space<hbm>>) dst(%arg14 : memref<64x128xf32, #tpu.memory_space<vmem>>)
      %dma_start3A_150 = arith.constant 0 : i32
      %dma_start3A_151 = arith.constant 0 : i32
      %dma_start3A_152 = tpu.memref_slice %arg17[%dma_start3A_150, %dma_start3A_151] : memref<10240x128xf32, #tpu.memory_space<vmem_shared>> -> memref<10240x128xf32, #tpu.memory_space<vmem_shared>>
      tpu.enqueue_indirect_dma source(%arg14 : memref<64x128xf32, #tpu.memory_space<vmem>>) target(%dma_start3A_152 : memref<10240x128xf32, #tpu.memory_space<vmem_shared>>) offsets(%arg10 : memref<64xi32, #tpu.memory_space<vmem>>) semaphore(%arg23 : memref<!tpu.dma_semaphore, #tpu.memory_space<semaphore_mem>>) {add = true}
      %mul3A_153 = arith.constant 4 : i32
      %mul3A_154 = arith.muli %while3A_92, %mul3A_153 : i32
      %add3A_155 = arith.constant 2 : i32
      %add3A_156 = arith.addi %mul3A_154, %add3A_155 : i32
      %sub3A = arith.constant 1 : i32
      %sub3A_157 = arith.subi %select_n3A, %sub3A : i32
      %lt3A_158 = arith.cmpi slt, %while3A_92, %sub3A_157 : i32
      %convert_element_type3A_159 = arith.extui %lt3A_158 : i1 to i32
      %cond3A_160 = arith.constant 0 : i32
      %cond3A_161 = arith.cmpi ne, %convert_element_type3A_159, %cond3A_160 : i32
      scf.if %cond3A_161 {
        tpu.wait_dma2 semaphore(%arg22 : memref<!tpu.dma_semaphore, #tpu.memory_space<semaphore_mem>>) src(%arg5 : memref<64x128xf32, #tpu.memory_space<hbm>>) dst(%arg13 : memref<64x128xf32, #tpu.memory_space<vmem>>)
        %add3A_186 = arith.constant 2 : i32
        %add3A_187 = arith.addi %add3A_156, %add3A_186 : i32
        %mul3A_188 = arith.constant 160 : i32
        %mul3A_189 = arith.muli %add3A, %mul3A_188 : i32
        %add3A_190 = arith.addi %mul3A_189, %add3A_187 : i32
        %mul3A_191 = arith.constant 64 : i32
        %mul3A_192 = arith.muli %add3A_190, %mul3A_191 : i32
        %dma_start3A_193 = tpu.memref_slice %arg4[%mul3A_192] : memref<320000xi32, #tpu.memory_space<hbm>> -> memref<64xi32, #tpu.memory_space<hbm>>
        %dma_start3A_194 = tpu.memref_slice %arg4[%mul3A_192] : memref<320000xi32, #tpu.memory_space<hbm>> -> memref<64xi32, #tpu.memory_space<hbm>>
        tpu.enqueue_dma source(%dma_start3A_194 : memref<64xi32, #tpu.memory_space<hbm>>) target(%arg9 : memref<64xi32, #tpu.memory_space<vmem>>) target_semaphore(%arg18 : memref<!tpu.dma_semaphore, #tpu.memory_space<semaphore_mem>>)
        %mul3A_195 = arith.constant 64 : i32
        %mul3A_196 = arith.muli %add3A_187, %mul3A_195 : i32
        %dma_start3A_197 = tpu.memref_slice %arg8[%mul3A_196] : memref<10240xi32, #tpu.memory_space<vmem>> -> memref<64xi32, #tpu.memory_space<vmem>>
        %dma_start3A_198 = arith.constant 0 : i32
        %dma_start3A_199 = arith.constant 0 : i32
        %dma_start3A_200 = tpu.memref_slice %arg2[%dma_start3A_198, %dma_start3A_199] : memref<10000x128xf32, #tpu.memory_space<hbm>> -> memref<10000x128xf32, #tpu.memory_space<hbm>>
        tpu.enqueue_indirect_dma source(%dma_start3A_200 : memref<10000x128xf32, #tpu.memory_space<hbm>>) target(%arg13 : memref<64x128xf32, #tpu.memory_space<vmem>>) offsets(%dma_start3A_197 : memref<64xi32, #tpu.memory_space<vmem>>) semaphore(%arg18 : memref<!tpu.dma_semaphore, #tpu.memory_space<semaphore_mem>>)
      } else {
      }
      %dma_wait3A_162 = arith.constant 0 : i32
      %dma_wait3A_163 = tpu.memref_slice %arg4[%dma_wait3A_162] : memref<320000xi32, #tpu.memory_space<hbm>> -> memref<64xi32, #tpu.memory_space<hbm>>
      %dma_wait3A_164 = arith.constant 0 : i32
      %dma_wait3A_165 = tpu.memref_slice %arg4[%dma_wait3A_164] : memref<320000xi32, #tpu.memory_space<hbm>> -> memref<64xi32, #tpu.memory_space<hbm>>
      tpu.wait_dma2 semaphore(%arg20 : memref<!tpu.dma_semaphore, #tpu.memory_space<semaphore_mem>>) src(%dma_wait3A_165 : memref<64xi32, #tpu.memory_space<hbm>>) dst(%arg11 : memref<64xi32, #tpu.memory_space<vmem>>)
      tpu.wait_dma2 semaphore(%arg20 : memref<!tpu.dma_semaphore, #tpu.memory_space<semaphore_mem>>) src(%arg5 : memref<64x128xf32, #tpu.memory_space<hbm>>) dst(%arg15 : memref<64x128xf32, #tpu.memory_space<vmem>>)
      %dma_start3A_166 = arith.constant 0 : i32
      %dma_start3A_167 = arith.constant 0 : i32
      %dma_start3A_168 = tpu.memref_slice %arg17[%dma_start3A_166, %dma_start3A_167] : memref<10240x128xf32, #tpu.memory_space<vmem_shared>> -> memref<10240x128xf32, #tpu.memory_space<vmem_shared>>
      tpu.enqueue_indirect_dma source(%arg15 : memref<64x128xf32, #tpu.memory_space<vmem>>) target(%dma_start3A_168 : memref<10240x128xf32, #tpu.memory_space<vmem_shared>>) offsets(%arg11 : memref<64xi32, #tpu.memory_space<vmem>>) semaphore(%arg24 : memref<!tpu.dma_semaphore, #tpu.memory_space<semaphore_mem>>) {add = true}
      %mul3A_169 = arith.constant 4 : i32
      %mul3A_170 = arith.muli %while3A_92, %mul3A_169 : i32
      %add3A_171 = arith.constant 3 : i32
      %add3A_172 = arith.addi %mul3A_170, %add3A_171 : i32
      %sub3A_173 = arith.constant 1 : i32
      %sub3A_174 = arith.subi %select_n3A, %sub3A_173 : i32
      %lt3A_175 = arith.cmpi slt, %while3A_92, %sub3A_174 : i32
      %convert_element_type3A_176 = arith.extui %lt3A_175 : i1 to i32
      %cond3A_177 = arith.constant 0 : i32
      %cond3A_178 = arith.cmpi ne, %convert_element_type3A_176, %cond3A_177 : i32
      scf.if %cond3A_178 {
        tpu.wait_dma2 semaphore(%arg23 : memref<!tpu.dma_semaphore, #tpu.memory_space<semaphore_mem>>) src(%arg5 : memref<64x128xf32, #tpu.memory_space<hbm>>) dst(%arg14 : memref<64x128xf32, #tpu.memory_space<vmem>>)
        %add3A_186 = arith.constant 2 : i32
        %add3A_187 = arith.addi %add3A_172, %add3A_186 : i32
        %mul3A_188 = arith.constant 160 : i32
        %mul3A_189 = arith.muli %add3A, %mul3A_188 : i32
        %add3A_190 = arith.addi %mul3A_189, %add3A_187 : i32
        %mul3A_191 = arith.constant 64 : i32
        %mul3A_192 = arith.muli %add3A_190, %mul3A_191 : i32
        %dma_start3A_193 = tpu.memref_slice %arg4[%mul3A_192] : memref<320000xi32, #tpu.memory_space<hbm>> -> memref<64xi32, #tpu.memory_space<hbm>>
        %dma_start3A_194 = tpu.memref_slice %arg4[%mul3A_192] : memref<320000xi32, #tpu.memory_space<hbm>> -> memref<64xi32, #tpu.memory_space<hbm>>
        tpu.enqueue_dma source(%dma_start3A_194 : memref<64xi32, #tpu.memory_space<hbm>>) target(%arg10 : memref<64xi32, #tpu.memory_space<vmem>>) target_semaphore(%arg19 : memref<!tpu.dma_semaphore, #tpu.memory_space<semaphore_mem>>)
        %mul3A_195 = arith.constant 64 : i32
        %mul3A_196 = arith.muli %add3A_187, %mul3A_195 : i32
        %dma_start3A_197 = tpu.memref_slice %arg8[%mul3A_196] : memref<10240xi32, #tpu.memory_space<vmem>> -> memref<64xi32, #tpu.memory_space<vmem>>
        %dma_start3A_198 = arith.constant 0 : i32
        %dma_start3A_199 = arith.constant 0 : i32
        %dma_start3A_200 = tpu.memref_slice %arg2[%dma_start3A_198, %dma_start3A_199] : memref<10000x128xf32, #tpu.memory_space<hbm>> -> memref<10000x128xf32, #tpu.memory_space<hbm>>
        tpu.enqueue_indirect_dma source(%dma_start3A_200 : memref<10000x128xf32, #tpu.memory_space<hbm>>) target(%arg14 : memref<64x128xf32, #tpu.memory_space<vmem>>) offsets(%dma_start3A_197 : memref<64xi32, #tpu.memory_space<vmem>>) semaphore(%arg19 : memref<!tpu.dma_semaphore, #tpu.memory_space<semaphore_mem>>)
      } else {
      }
      %dma_wait3A_179 = arith.constant 0 : i32
      %dma_wait3A_180 = tpu.memref_slice %arg4[%dma_wait3A_179] : memref<320000xi32, #tpu.memory_space<hbm>> -> memref<64xi32, #tpu.memory_space<hbm>>
      %dma_wait3A_181 = arith.constant 0 : i32
      %dma_wait3A_182 = tpu.memref_slice %arg4[%dma_wait3A_181] : memref<320000xi32, #tpu.memory_space<hbm>> -> memref<64xi32, #tpu.memory_space<hbm>>
      tpu.wait_dma2 semaphore(%arg21 : memref<!tpu.dma_semaphore, #tpu.memory_space<semaphore_mem>>) src(%dma_wait3A_182 : memref<64xi32, #tpu.memory_space<hbm>>) dst(%arg12 : memref<64xi32, #tpu.memory_space<vmem>>)
      tpu.wait_dma2 semaphore(%arg21 : memref<!tpu.dma_semaphore, #tpu.memory_space<semaphore_mem>>) src(%arg5 : memref<64x128xf32, #tpu.memory_space<hbm>>) dst(%arg16 : memref<64x128xf32, #tpu.memory_space<vmem>>)
      %dma_start3A_183 = arith.constant 0 : i32
      %dma_start3A_184 = arith.constant 0 : i32
      %dma_start3A_185 = tpu.memref_slice %arg17[%dma_start3A_183, %dma_start3A_184] : memref<10240x128xf32, #tpu.memory_space<vmem_shared>> -> memref<10240x128xf32, #tpu.memory_space<vmem_shared>>
      tpu.enqueue_indirect_dma source(%arg16 : memref<64x128xf32, #tpu.memory_space<vmem>>) target(%dma_start3A_185 : memref<10240x128xf32, #tpu.memory_space<vmem_shared>>) offsets(%arg12 : memref<64xi32, #tpu.memory_space<vmem>>) semaphore(%arg25 : memref<!tpu.dma_semaphore, #tpu.memory_space<semaphore_mem>>) {add = true}
    }
    tpu.wait_dma2 semaphore(%arg22 : memref<!tpu.dma_semaphore, #tpu.memory_space<semaphore_mem>>) src(%arg5 : memref<64x128xf32, #tpu.memory_space<hbm>>) dst(%arg13 : memref<64x128xf32, #tpu.memory_space<vmem>>)
    tpu.wait_dma2 semaphore(%arg23 : memref<!tpu.dma_semaphore, #tpu.memory_space<semaphore_mem>>) src(%arg5 : memref<64x128xf32, #tpu.memory_space<hbm>>) dst(%arg14 : memref<64x128xf32, #tpu.memory_space<vmem>>)
    tpu.wait_dma2 semaphore(%arg24 : memref<!tpu.dma_semaphore, #tpu.memory_space<semaphore_mem>>) src(%arg5 : memref<64x128xf32, #tpu.memory_space<hbm>>) dst(%arg15 : memref<64x128xf32, #tpu.memory_space<vmem>>)
    tpu.wait_dma2 semaphore(%arg25 : memref<!tpu.dma_semaphore, #tpu.memory_space<semaphore_mem>>) src(%arg5 : memref<64x128xf32, #tpu.memory_space<hbm>>) dst(%arg16 : memref<64x128xf32, #tpu.memory_space<vmem>>)
    %barrier3A_81 = arith.constant 0 : index
    tpu.barrier barrier_id(%barrier3A_81)
    %eq3A_82 = arith.constant 0 : i32
    %eq3A_83 = arith.cmpi eq, %arg0, %eq3A_82 : i32
    %convert_element_type3A_84 = arith.extui %eq3A_83 : i1 to i32
    %cond3A_85 = arith.constant 0 : i32
    %cond3A_86 = arith.cmpi ne, %convert_element_type3A_84, %cond3A_85 : i32
    scf.if %cond3A_86 {
      %mul3A_92 = arith.constant 640 : i32
      %mul3A_93 = arith.muli %arg1, %mul3A_92 : i32
      %mul3A_94 = arith.constant 640 : i32
      %mul3A_95 = arith.muli %arg1, %mul3A_94 : i32
      "tpu.region"() ({
        %run_scoped3A = tpu.sem_alloc : memref<!tpu.dma_semaphore, #tpu.memory_space<semaphore_mem>>
        %dma_start3A_96 = arith.constant 0 : i32
        %dma_start3A_97 = tpu.memref_slice %arg6[%mul3A_95, %dma_start3A_96] : memref<10240x128xf32, #tpu.memory_space<hbm>> -> memref<640x128xf32, #tpu.memory_space<hbm>>
        %dma_start3A_98 = arith.constant 0 : i32
        %dma_start3A_99 = tpu.memref_slice %arg17[%mul3A_93, %dma_start3A_98] : memref<10240x128xf32, #tpu.memory_space<vmem_shared>> -> memref<640x128xf32, #tpu.memory_space<vmem_shared>>
        tpu.enqueue_dma source(%dma_start3A_99 : memref<640x128xf32, #tpu.memory_space<vmem_shared>>) target(%dma_start3A_97 : memref<640x128xf32, #tpu.memory_space<hbm>>) target_semaphore(%run_scoped3A : memref<!tpu.dma_semaphore, #tpu.memory_space<semaphore_mem>>)
        %dma_wait3A = arith.constant 0 : i32
        %dma_wait3A_100 = tpu.memref_slice %arg6[%mul3A_95, %dma_wait3A] : memref<10240x128xf32, #tpu.memory_space<hbm>> -> memref<640x128xf32, #tpu.memory_space<hbm>>
        %dma_wait3A_101 = arith.constant 0 : i32
        %dma_wait3A_102 = tpu.memref_slice %arg17[%mul3A_93, %dma_wait3A_101] : memref<10240x128xf32, #tpu.memory_space<vmem_shared>> -> memref<640x128xf32, #tpu.memory_space<vmem_shared>>
        tpu.wait_dma2 semaphore(%run_scoped3A : memref<!tpu.dma_semaphore, #tpu.memory_space<semaphore_mem>>) src(%dma_wait3A_102 : memref<640x128xf32, #tpu.memory_space<vmem_shared>>) dst(%dma_wait3A_100 : memref<640x128xf32, #tpu.memory_space<hbm>>)
        tpu.yield
      }) : () -> ()
    } else {
    }
    %eq3A_87 = arith.constant 1 : i32
    %eq3A_88 = arith.cmpi eq, %arg0, %eq3A_87 : i32
    %convert_element_type3A_89 = arith.extui %eq3A_88 : i1 to i32
    %cond3A_90 = arith.constant 0 : i32
    %cond3A_91 = arith.cmpi ne, %convert_element_type3A_89, %cond3A_90 : i32
    scf.if %cond3A_91 {
      %mul3A_92 = arith.constant 640 : i32
      %mul3A_93 = arith.muli %arg1, %mul3A_92 : i32
      %mul3A_94 = arith.constant 640 : i32
      %mul3A_95 = arith.muli %arg1, %mul3A_94 : i32
      "tpu.region"() ({
        %run_scoped3A = tpu.sem_alloc : memref<!tpu.dma_semaphore, #tpu.memory_space<semaphore_mem>>
        %dma_start3A_96 = arith.constant 0 : i32
        %dma_start3A_97 = tpu.memref_slice %arg7[%mul3A_95, %dma_start3A_96] : memref<10240x128xf32, #tpu.memory_space<hbm>> -> memref<640x128xf32, #tpu.memory_space<hbm>>
        %dma_start3A_98 = arith.constant 0 : i32
        %dma_start3A_99 = tpu.memref_slice %arg17[%mul3A_93, %dma_start3A_98] : memref<10240x128xf32, #tpu.memory_space<vmem_shared>> -> memref<640x128xf32, #tpu.memory_space<vmem_shared>>
        tpu.enqueue_dma source(%dma_start3A_99 : memref<640x128xf32, #tpu.memory_space<vmem_shared>>) target(%dma_start3A_97 : memref<640x128xf32, #tpu.memory_space<hbm>>) target_semaphore(%run_scoped3A : memref<!tpu.dma_semaphore, #tpu.memory_space<semaphore_mem>>)
        %dma_wait3A = arith.constant 0 : i32
        %dma_wait3A_100 = tpu.memref_slice %arg7[%mul3A_95, %dma_wait3A] : memref<10240x128xf32, #tpu.memory_space<hbm>> -> memref<640x128xf32, #tpu.memory_space<hbm>>
        %dma_wait3A_101 = arith.constant 0 : i32
        %dma_wait3A_102 = tpu.memref_slice %arg17[%mul3A_93, %dma_wait3A_101] : memref<10240x128xf32, #tpu.memory_space<vmem_shared>> -> memref<640x128xf32, #tpu.memory_space<vmem_shared>>
        tpu.wait_dma2 semaphore(%run_scoped3A : memref<!tpu.dma_semaphore, #tpu.memory_space<semaphore_mem>>) src(%dma_wait3A_102 : memref<640x128xf32, #tpu.memory_space<vmem_shared>>) dst(%dma_wait3A_100 : memref<640x128xf32, #tpu.memory_space<hbm>>)
        tpu.yield
      }) : () -> ()
    } else {
    }
    return
  }
}

module attributes {stable_mosaic.version = 14 : i64} {
  func.func @_tc1_body(%arg0: i32, %arg1: memref<1000x128xf32, #tpu.memory_space<vmem>>, %arg2: memref<128x128xf32, #tpu.memory_space<vmem>>, %arg3: memref<1000x1xf32, #tpu.memory_space<vmem>>, %arg4: memref<1000x128xf32, #tpu.memory_space<vmem>>) attributes {dimension_semantics = [#tpu.dimension_semantics<arbitrary>], iteration_bounds = array<i64: 10>, scalar_prefetch = 0 : i64, scratch_operands = 0 : i64, tpu.core_type = #tpu.core_type<tc>, window_params = [{transform_indices = @transform_0, window_bounds = array<i64: 1000, 128>}, {pipeline_mode = #tpu.pipeline_mode<synchronous>, transform_indices = @transform_1, window_bounds = array<i64: 128, 128>}, {transform_indices = @transform_2, window_bounds = array<i64: 1000, 1>}, {transform_indices = @transform_3, window_bounds = array<i64: 1000, 128>}]} {
    %get3A = arith.constant 0 : index
    %get3A_0 = arith.constant 0 : index
    %get3A_1 = vector.load %arg1[%get3A, %get3A_0] : memref<1000x128xf32, #tpu.memory_space<vmem>>, vector<1000x128xf32>
    %get3A_2 = arith.constant 0 : index
    %get3A_3 = arith.constant 0 : index
    %get3A_4 = vector.load %arg2[%get3A_2, %get3A_3] : memref<128x128xf32, #tpu.memory_space<vmem>>, vector<128x128xf32>
    %dot_general3A = arith.constant dense<0.000000e+00> : vector<1000x128xf32>
    %dot_general3A_5 = tpu.matmul %get3A_1, %get3A_4, %dot_general3A {dimension_numbers = #tpu.dot_dimension_numbers<[1], [0], [0], [1], [0, 0, 1, 1], [], []>, transpose_lhs_hint = false} : vector<1000x128xf32>, vector<128x128xf32>, vector<1000x128xf32> -> vector<1000x128xf32>
    %get3A_6 = arith.constant 0 : index
    %get3A_7 = arith.constant 0 : index
    %get3A_8 = vector.load %arg3[%get3A_6, %get3A_7] : memref<1000x1xf32, #tpu.memory_space<vmem>>, vector<1000x1xf32>
    %mul3A = vector.broadcast %get3A_8 : vector<1000x1xf32> to vector<1000x128xf32>
    %mul3A_9 = arith.mulf %dot_general3A_5, %mul3A : vector<1000x128xf32>
    %swap3A = arith.constant 0 : index
    %swap3A_10 = arith.constant 0 : index
    %swap3A_11 = vector.load %arg4[%swap3A, %swap3A_10] : memref<1000x128xf32, #tpu.memory_space<vmem>>, vector<1000x128xf32>
    tpu.vector_store %arg4[%swap3A, %swap3A_10], %mul3A_9 {strides = array<i32>} : memref<1000x128xf32, #tpu.memory_space<vmem>>, vector<1000x128xf32>,
    return
  }
  func.func @transform_0(%arg0: i32) -> (i32, i32) {
    %c0_i32 = arith.constant 0 : i32
    %c0_i32_0 = arith.constant 0 : i32
    return %arg0, %c0_i32 : i32, i32
  }
  func.func @transform_1(%arg0: i32) -> (i32, i32) {
    %c0_i32 = arith.constant 0 : i32
    %c0_i32_0 = arith.constant 0 : i32
    %c0_i32_1 = arith.constant 0 : i32
    return %c0_i32, %c0_i32_0 : i32, i32
  }
  func.func @transform_2(%arg0: i32) -> (i32, i32) {
    %c0_i32 = arith.constant 0 : i32
    %c0_i32_0 = arith.constant 0 : i32
    return %arg0, %c0_i32 : i32, i32
  }
  func.func @transform_3(%arg0: i32) -> (i32, i32) {
    %c0_i32 = arith.constant 0 : i32
    %c0_i32_0 = arith.constant 0 : i32
    return %arg0, %c0_i32 : i32, i32
  }
}

module attributes {stable_mosaic.version = 14 : i64} {
  func.func @_tc3_body(%arg0: i32, %arg1: memref<1000x128xf32, #tpu.memory_space<vmem>>, %arg2: memref<1000x128xf32, #tpu.memory_space<vmem>>, %arg3: memref<1000x1xf32, #tpu.memory_space<vmem>>, %arg4: memref<1x64xf32, #tpu.memory_space<vmem>>, %arg5: memref<1x64xf32, #tpu.memory_space<vmem>>, %arg6: memref<1000x64xf32, #tpu.memory_space<vmem>>, %arg7: memref<1000x64xf32, #tpu.memory_space<vmem>>) attributes {dimension_semantics = [#tpu.dimension_semantics<arbitrary>], iteration_bounds = array<i64: 10>, scalar_prefetch = 0 : i64, scratch_operands = 0 : i64, tpu.core_type = #tpu.core_type<tc>, window_params = [{transform_indices = @transform_0, window_bounds = array<i64: 1000, 128>}, {transform_indices = @transform_1, window_bounds = array<i64: 1000, 128>}, {transform_indices = @transform_2, window_bounds = array<i64: 1000, 1>}, {pipeline_mode = #tpu.pipeline_mode<synchronous>, transform_indices = @transform_3, window_bounds = array<i64: 1, 64>}, {pipeline_mode = #tpu.pipeline_mode<synchronous>, transform_indices = @transform_4, window_bounds = array<i64: 1, 64>}, {transform_indices = @transform_5, window_bounds = array<i64: 1000, 64>}, {transform_indices = @transform_6, window_bounds = array<i64: 1000, 64>}]} {
    %get3A = arith.constant 0 : index
    %get3A_0 = arith.constant 0 : index
    %get3A_1 = vector.load %arg3[%get3A, %get3A_0] : memref<1000x1xf32, #tpu.memory_space<vmem>>, vector<1000x1xf32>
    %get3A_2 = arith.constant 0 : index
    %get3A_3 = arith.constant 0 : index
    %get3A_4 = vector.load %arg1[%get3A_2, %get3A_3] : memref<1000x128xf32, #tpu.memory_space<vmem>>, vector<1000x128xf32>
    %get3A_5 = arith.constant 0 : index
    %get3A_6 = arith.constant 0 : index
    %get3A_7 = vector.load %arg2[%get3A_5, %get3A_6] : memref<1000x128xf32, #tpu.memory_space<vmem>>, vector<1000x128xf32>
    %add3A = arith.addf %get3A_4, %get3A_7 : vector<1000x128xf32>
    %slice3A = vector.extract_strided_slice %add3A {offsets = [0, 0], sizes = [1000, 64], strides = [1, 1]} : vector<1000x128xf32> to vector<1000x64xf32>
    %mul3A = vector.broadcast %get3A_1 : vector<1000x1xf32> to vector<1000x64xf32>
    %mul3A_8 = arith.mulf %slice3A, %mul3A : vector<1000x64xf32>
    %get3A_9 = arith.constant 0 : index
    %get3A_10 = arith.constant 0 : index
    %get3A_11 = vector.load %arg4[%get3A_9, %get3A_10] : memref<1x64xf32, #tpu.memory_space<vmem>>, vector<1x64xf32>
    %add3A_12 = vector.broadcast %get3A_11 : vector<1x64xf32> to vector<1000x64xf32>
    %add3A_13 = arith.addf %mul3A_8, %add3A_12 : vector<1000x64xf32>
    %swap3A = arith.constant 0 : index
    %swap3A_14 = arith.constant 0 : index
    %swap3A_15 = vector.load %arg6[%swap3A, %swap3A_14] : memref<1000x64xf32, #tpu.memory_space<vmem>>, vector<1000x64xf32>
    tpu.vector_store %arg6[%swap3A, %swap3A_14], %add3A_13 {strides = array<i32>} : memref<1000x64xf32, #tpu.memory_space<vmem>>, vector<1000x64xf32>,
    %slice3A_16 = vector.extract_strided_slice %add3A {offsets = [0, 64], sizes = [1000, 64], strides = [1, 1]} : vector<1000x128xf32> to vector<1000x64xf32>
    %mul3A_17 = vector.broadcast %get3A_1 : vector<1000x1xf32> to vector<1000x64xf32>
    %mul3A_18 = arith.mulf %slice3A_16, %mul3A_17 : vector<1000x64xf32>
    %get3A_19 = arith.constant 0 : index
    %get3A_20 = arith.constant 0 : index
    %get3A_21 = vector.load %arg5[%get3A_19, %get3A_20] : memref<1x64xf32, #tpu.memory_space<vmem>>, vector<1x64xf32>
    %add3A_22 = vector.broadcast %get3A_21 : vector<1x64xf32> to vector<1000x64xf32>
    %add3A_23 = arith.addf %mul3A_18, %add3A_22 : vector<1000x64xf32>
    %swap3A_24 = arith.constant 0 : index
    %swap3A_25 = arith.constant 0 : index
    %swap3A_26 = vector.load %arg7[%swap3A_24, %swap3A_25] : memref<1000x64xf32, #tpu.memory_space<vmem>>, vector<1000x64xf32>
    tpu.vector_store %arg7[%swap3A_24, %swap3A_25], %add3A_23 {strides = array<i32>} : memref<1000x64xf32, #tpu.memory_space<vmem>>, vector<1000x64xf32>,
    return
  }
  func.func @transform_0(%arg0: i32) -> (i32, i32) {
    %c0_i32 = arith.constant 0 : i32
    %c0_i32_0 = arith.constant 0 : i32
    return %arg0, %c0_i32 : i32, i32
  }
  func.func @transform_1(%arg0: i32) -> (i32, i32) {
    %c0_i32 = arith.constant 0 : i32
    %c0_i32_0 = arith.constant 0 : i32
    return %arg0, %c0_i32 : i32, i32
  }
  func.func @transform_2(%arg0: i32) -> (i32, i32) {
    %c0_i32 = arith.constant 0 : i32
    %c0_i32_0 = arith.constant 0 : i32
    return %arg0, %c0_i32 : i32, i32
  }
  func.func @transform_3(%arg0: i32) -> (i32, i32) {
    %c0_i32 = arith.constant 0 : i32
    %c0_i32_0 = arith.constant 0 : i32
    %c0_i32_1 = arith.constant 0 : i32
    return %c0_i32, %c0_i32_0 : i32, i32
  }
  func.func @transform_4(%arg0: i32) -> (i32, i32) {
    %c0_i32 = arith.constant 0 : i32
    %c0_i32_0 = arith.constant 0 : i32
    %c0_i32_1 = arith.constant 0 : i32
    return %c0_i32, %c0_i32_0 : i32, i32
  }
  func.func @transform_5(%arg0: i32) -> (i32, i32) {
    %c0_i32 = arith.constant 0 : i32
    %c0_i32_0 = arith.constant 0 : i32
    return %arg0, %c0_i32 : i32, i32
  }
  func.func @transform_6(%arg0: i32) -> (i32, i32) {
    %c0_i32 = arith.constant 0 : i32
    %c0_i32_0 = arith.constant 0 : i32
    return %arg0, %c0_i32 : i32, i32
  }
}

module attributes {stable_mosaic.version = 14 : i64} {
  func.func @_tc2_body(%arg0: i32, %arg1: memref<1000x128xf32, #tpu.memory_space<vmem>>, %arg2: memref<1000x128xf32, #tpu.memory_space<vmem>>, %arg3: memref<1000x1xf32, #tpu.memory_space<vmem>>, %arg4: memref<1x128xf32, #tpu.memory_space<vmem>>, %arg5: memref<128x64xf32, #tpu.memory_space<vmem>>, %arg6: memref<128x64xf32, #tpu.memory_space<vmem>>, %arg7: memref<1000x128xf32, #tpu.memory_space<vmem>>) attributes {dimension_semantics = [#tpu.dimension_semantics<arbitrary>], iteration_bounds = array<i64: 10>, scalar_prefetch = 0 : i64, scratch_operands = 0 : i64, tpu.core_type = #tpu.core_type<tc>, window_params = [{transform_indices = @transform_0, window_bounds = array<i64: 1000, 128>}, {transform_indices = @transform_1, window_bounds = array<i64: 1000, 128>}, {transform_indices = @transform_2, window_bounds = array<i64: 1000, 1>}, {pipeline_mode = #tpu.pipeline_mode<synchronous>, transform_indices = @transform_3, window_bounds = array<i64: 1, 128>}, {pipeline_mode = #tpu.pipeline_mode<synchronous>, transform_indices = @transform_4, window_bounds = array<i64: 128, 64>}, {pipeline_mode = #tpu.pipeline_mode<synchronous>, transform_indices = @transform_5, window_bounds = array<i64: 128, 64>}, {transform_indices = @transform_6, window_bounds = array<i64: 1000, 128>}]} {
    %get3A = arith.constant 0 : index
    %get3A_0 = arith.constant 0 : index
    %get3A_1 = vector.load %arg3[%get3A, %get3A_0] : memref<1000x1xf32, #tpu.memory_space<vmem>>, vector<1000x1xf32>
    %get3A_2 = arith.constant 0 : index
    %get3A_3 = arith.constant 0 : index
    %get3A_4 = vector.load %arg1[%get3A_2, %get3A_3] : memref<1000x128xf32, #tpu.memory_space<vmem>>, vector<1000x128xf32>
    %get3A_5 = arith.constant 0 : index
    %get3A_6 = arith.constant 0 : index
    %get3A_7 = vector.load %arg2[%get3A_5, %get3A_6] : memref<1000x128xf32, #tpu.memory_space<vmem>>, vector<1000x128xf32>
    %add3A = arith.addf %get3A_4, %get3A_7 : vector<1000x128xf32>
    %mul3A = vector.broadcast %get3A_1 : vector<1000x1xf32> to vector<1000x128xf32>
    %mul3A_8 = arith.mulf %add3A, %mul3A : vector<1000x128xf32>
    %get3A_9 = arith.constant 0 : index
    %get3A_10 = arith.constant 0 : index
    %get3A_11 = vector.load %arg4[%get3A_9, %get3A_10] : memref<1x128xf32, #tpu.memory_space<vmem>>, vector<1x128xf32>
    %add3A_12 = vector.broadcast %get3A_11 : vector<1x128xf32> to vector<1000x128xf32>
    %add3A_13 = arith.addf %mul3A_8, %add3A_12 : vector<1000x128xf32>
    %max3A = arith.constant 0.000000e+00 : f32
    %max3A_14 = vector.broadcast %max3A : f32 to vector<1000x128xf32>
    %max3A_15 = arith.maximumf %add3A_13, %max3A_14 : vector<1000x128xf32>
    %get3A_16 = arith.constant 0 : index
    %get3A_17 = arith.constant 0 : index
    %get3A_18 = vector.load %arg5[%get3A_16, %get3A_17] : memref<128x64xf32, #tpu.memory_space<vmem>>, vector<128x64xf32>
    %dot_general3A = arith.constant dense<0.000000e+00> : vector<1000x64xf32>
    %dot_general3A_19 = tpu.matmul %max3A_15, %get3A_18, %dot_general3A {dimension_numbers = #tpu.dot_dimension_numbers<[1], [0], [0], [1], [0, 0, 1, 1], [], []>, transpose_lhs_hint = false} : vector<1000x128xf32>, vector<128x64xf32>, vector<1000x64xf32> -> vector<1000x64xf32>
    %mul3A_20 = vector.broadcast %get3A_1 : vector<1000x1xf32> to vector<1000x64xf32>
    %mul3A_21 = arith.mulf %dot_general3A_19, %mul3A_20 : vector<1000x64xf32>
    %get3A_22 = arith.constant 0 : index
    %get3A_23 = arith.constant 0 : index
    %get3A_24 = vector.load %arg6[%get3A_22, %get3A_23] : memref<128x64xf32, #tpu.memory_space<vmem>>, vector<128x64xf32>
    %dot_general3A_25 = arith.constant dense<0.000000e+00> : vector<1000x64xf32>
    %dot_general3A_26 = tpu.matmul %max3A_15, %get3A_24, %dot_general3A_25 {dimension_numbers = #tpu.dot_dimension_numbers<[1], [0], [0], [1], [0, 0, 1, 1], [], []>, transpose_lhs_hint = false} : vector<1000x128xf32>, vector<128x64xf32>, vector<1000x64xf32> -> vector<1000x64xf32>
    %mul3A_27 = vector.broadcast %get3A_1 : vector<1000x1xf32> to vector<1000x64xf32>
    %mul3A_28 = arith.mulf %dot_general3A_26, %mul3A_27 : vector<1000x64xf32>
    %concatenate3A = tpu.concatenate %mul3A_21, %mul3A_28 in 1 : vector<1000x64xf32>, vector<1000x64xf32> -> vector<1000x128xf32>
    %swap3A = arith.constant 0 : index
    %swap3A_29 = arith.constant 0 : index
    %swap3A_30 = vector.load %arg7[%swap3A, %swap3A_29] : memref<1000x128xf32, #tpu.memory_space<vmem>>, vector<1000x128xf32>
    tpu.vector_store %arg7[%swap3A, %swap3A_29], %concatenate3A {strides = array<i32>} : memref<1000x128xf32, #tpu.memory_space<vmem>>, vector<1000x128xf32>,
    return
  }
  func.func @transform_0(%arg0: i32) -> (i32, i32) {
    %c0_i32 = arith.constant 0 : i32
    %c0_i32_0 = arith.constant 0 : i32
    return %arg0, %c0_i32 : i32, i32
  }
  func.func @transform_1(%arg0: i32) -> (i32, i32) {
    %c0_i32 = arith.constant 0 : i32
    %c0_i32_0 = arith.constant 0 : i32
    return %arg0, %c0_i32 : i32, i32
  }
  func.func @transform_2(%arg0: i32) -> (i32, i32) {
    %c0_i32 = arith.constant 0 : i32
    %c0_i32_0 = arith.constant 0 : i32
    return %arg0, %c0_i32 : i32, i32
  }
  func.func @transform_3(%arg0: i32) -> (i32, i32) {
    %c0_i32 = arith.constant 0 : i32
    %c0_i32_0 = arith.constant 0 : i32
    %c0_i32_1 = arith.constant 0 : i32
    return %c0_i32, %c0_i32_0 : i32, i32
  }
  func.func @transform_4(%arg0: i32) -> (i32, i32) {
    %c0_i32 = arith.constant 0 : i32
    %c0_i32_0 = arith.constant 0 : i32
    %c0_i32_1 = arith.constant 0 : i32
    return %c0_i32, %c0_i32_0 : i32, i32
  }
  func.func @transform_5(%arg0: i32) -> (i32, i32) {
    %c0_i32 = arith.constant 0 : i32
    %c0_i32_0 = arith.constant 0 : i32
    %c0_i32_1 = arith.constant 0 : i32
    return %c0_i32, %c0_i32_0 : i32, i32
  }
  func.func @transform_6(%arg0: i32) -> (i32, i32) {
    %c0_i32 = arith.constant 0 : i32
    %c0_i32_0 = arith.constant 0 : i32
    return %arg0, %c0_i32 : i32, i32
  }
}

</mosaic_0001>

<sc_bundles>
// kernel: kernel.11.cloned.1.call-start
scs
__scs_entry_jumppad:
0x0: {  	(pc) =	sbr.rel $0x88, $3  }
0x1: {  	(tag) =	ssettag $0x0;
	lr =	simm.s32 $0x1  }
0x2: {  	[smem:$0x3F99] =	sst lr;
	_ =	strace $0xD0000000  }
0x3: {  	_ = 	snop  }
0x4: {  	_ = 	snop  }
0x5: {  	_ = 	snop  }
0x6: {  	_ = 	snop  }
0x7: {  	_ = 	snop  }
__scs_overlays_trampoline_lowered:
0x8: {  	[smem:$0x3FA8] =	sst s0  }
0x9: {  	[smem:$0x3FA9] =	sst s1  }
0xa: {  	[smem:$0x3FAA] =	sst s2  }
0xb: {  	[smem:$0x3FAB] =	sst s3  }
0xc: {  	[smem:$0x3FAC] =	sst s4  }
0xd: {  	[smem:$0x3FAD] =	sst s5  }
0xe: {  	[smem:$0x3FAE] =	sst s6  }
0xf: {  	[smem:$0x3FAF] =	sst s7  }
0x10: {  	[smem:$0x3FB0] =	sst s8  }
0x11: {  	[smem:$0x3FB1] =	sst s9;
	s0 =	simm.s32 @!p0 $0x0  }
0x12: {  	s1 =	sld [smem:$0x3F97];
	s0 =	simm.s32 @p0 $0x1  }
0x13: {  	[smem:$0x3FB2] =	sst s0;
	s0 =	simm.s32 @!p1 $0x0  }
0x14: {  	s2 =	sld [smem:$0x3F96];
	s0 =	simm.s32 @p1 $0x1  }
0x15: {  	[smem:$0x3FB3] =	sst s0;
	s0 =	simm.s32 @!p2 $0x0  }
0x16: {  	s3 =	sld [smem:$0x3FDB];
	s0 =	simm.s32 @p2 $0x1  }
0x17: {  	s4 =	simm.s32 $0x1BF5;
	[smem:$0x3FB5] =	sst s0  }
0x18: {  	s0 =	sld [smem:$0x3F98];
	_ =	swait.ge [sflag:s4], $0x0  }
0x19: {  	s7 =	sld [smem:$0x3F99]  }
0x1a: {  	s8 =	sadd.s32 $0xFFFFE003, lr  }
0x1b: {  	s9 =	sadd.s32 $0xFFFFFEF7, lr;
	s5 =	simm.s32 $0xFFFFFFFF;
	p2 =	slt.u32 s8, $0xFFFFF086  }
0x1c: {  	p1 =	slt.u32 s9, $0xF7A;
	s5 =	simm.s32 @!p2 $0x0  }
0x1d: {  	s5 =	simm.s32 @p1 $0x1;
	p0 =	seq.s32 s7, s2  }
0x1e: {  	s7 =	smul.u32 @!p0 $0xF7A, s2;
	p2 =	seq.s32 @!p0 s5, $0x0  }
0x1f: {  	s9 =	smul.u32 $0xF7A, s1;
	s8 =	simm.s32 @!p0 $0x1BF5;
	p2 =	por !p2, p0  }
0x20: {  	[sflag:s8] =	ssyncset.s32 @!p0 $0xFFFFF086;
	s6 =	sadd.s32 @!p0 s3, s7;
	s7 =	simm.s32 @!p0 $0x108  }
0x21: {  	s3 =	sadd.s32 s3, s9;
	s6 =	sadd.s32 @!p0 $0x88, s6;
	s7 =	simm.s32 @p2 $0x1082  }
0x22: {  	[simem:s7], [sflag:s8] =	dma.local @!p0 [hbm:s6], $0xF7A  }
0x23: {  	s9 =	sor.u32 $0xD0000000, s2;
	s6 =	simm.s32 $0x108;
	_ =	swait.ge @!p0 [sflag:s8], $0x0  }
0x24: {  	s3 =	sadd.s32 $0x88, s3;
	s6 =	simm.s32 @!p1 $0x1082;
	[sflag:s4] =	ssyncset.s32 $0xFFFFF086  }
0x25: {  	[simem:s6], [sflag:s4] =	dma.local [hbm:s3], $0xF7A  }
0x26: {  	[smem:$0x3F99] =	sst s1;
	(tag) =	ssettag s2;
	_ =	strace s9  }
0x27: {  	s1 =	sld [smem:$0x3FA9]  }
0x28: {  	s2 =	sld [smem:$0x3FAA]  }
0x29: {  	s4 =	sld [smem:$0x3FAC]  }
0x2a: {  	p0 =	seq.s32 s5, $0x0;
	s5 =	sld [smem:$0x3FAD]  }
0x2b: {  	s6 =	sld [smem:$0x3FAE]  }
0x2c: {  	s7 =	sld [smem:$0x3FAF]  }
0x2d: {  	s3 =	simm.s32 $0x108;
	s8 =	sld [smem:$0x3FB0]  }
0x2e: {  	s3 =	simm.s32 @!p0 $0x1082;
	s9 =	sld [smem:$0x3FB1]  }
0x2f: {  	lr =	sadd.s32 s0, s3;
	s0 =	sld [smem:$0x3FA8]  }
0x30: {  	s3 =	sld [smem:$0x3FAB]  }
0x31: {  	[smem:$0x3FB4] =	sst s10  }
0x32: {  	s10 =	sld [smem:$0x3FB2];
	_ =	sdelay $0x3  }
0x33: {  	p0 =	seq.s32 s10, $0x1;
	s10 =	sld [smem:$0x3FB4];
	_ =	sdelay $0x3  }
0x34: {  	[smem:$0x3FB4] =	sst s10  }
0x35: {  	s10 =	sld [smem:$0x3FB3];
	_ =	sdelay $0x3  }
0x36: {  	p1 =	seq.s32 s10, $0x1;
	s10 =	sld [smem:$0x3FB4];
	_ =	sdelay $0x3  }
0x37: {  	[smem:$0x3FB4] =	sst s10  }
0x38: {  	s10 =	sld [smem:$0x3FB5]  }
0x39: {  	_ = 	snop;
	(pc) =	sbr.ind lr, $3  }
0x3a: {  	_ = 	snop  }
0x3b: {  	_ = 	snop  }
0x3c: {  	p2 =	seq.s32 s10, $0x1;
	s10 =	sld [smem:$0x3FB4]  }
0x3d: {  	_ =	shalt  }
0x3e: {  	_ =	shalt  }
0x3f: {  	_ =	shalt  }
0x40: {  	_ =	shalt  }
0x41: {  	_ =	shalt  }
0x42: {  	_ =	shalt  }
0x43: {  	_ =	shalt  }
0x44: {  	_ =	shalt  }
0x45: {  	_ =	shalt  }
0x46: {  	_ =	shalt  }
0x47: {  	_ =	shalt  }
0x48: {  	_ =	shalt  }
0x49: {  	_ =	shalt  }
0x4a: {  	_ =	shalt  }
0x4b: {  	_ =	shalt  }
0x4c: {  	_ =	shalt  }
0x4d: {  	_ =	shalt  }
0x4e: {  	_ =	shalt  }
0x4f: {  	_ =	shalt  }
0x50: {  	_ =	shalt  }
0x51: {  	_ =	shalt  }
0x52: {  	_ =	shalt  }
0x53: {  	_ =	shalt  }
0x54: {  	_ =	shalt  }
0x55: {  	_ =	shalt  }
0x56: {  	_ =	shalt  }
0x57: {  	_ =	shalt  }
0x58: {  	_ =	shalt  }
0x59: {  	_ =	shalt  }
0x5a: {  	_ =	shalt  }
0x5b: {  	_ =	shalt  }
0x5c: {  	_ =	shalt  }
0x5d: {  	_ =	shalt  }
0x5e: {  	_ =	shalt  }
0x5f: {  	_ =	shalt  }
0x60: {  	_ =	shalt  }
0x61: {  	_ =	shalt  }
0x62: {  	_ =	shalt  }
0x63: {  	_ =	shalt  }
0x64: {  	_ =	shalt  }
0x65: {  	_ =	shalt  }
0x66: {  	_ =	shalt  }
0x67: {  	_ =	shalt  }
0x68: {  	_ =	shalt  }
0x69: {  	_ =	shalt  }
0x6a: {  	_ =	shalt  }
0x6b: {  	_ =	shalt  }
0x6c: {  	_ =	shalt  }
0x6d: {  	_ =	shalt  }
0x6e: {  	_ =	shalt  }
0x6f: {  	_ =	shalt  }
0x70: {  	_ =	shalt  }
0x71: {  	_ =	shalt  }
0x72: {  	_ =	shalt  }
0x73: {  	_ =	shalt  }
0x74: {  	_ =	shalt  }
0x75: {  	_ =	shalt  }
0x76: {  	_ =	shalt  }
0x77: {  	_ =	shalt  }
0x78: {  	_ =	shalt  }
0x79: {  	_ =	shalt  }
0x7a: {  	_ =	shalt  }
0x7b: {  	_ =	shalt  }
0x7c: {  	_ =	shalt  }
0x7d: {  	_ =	shalt  }
0x7e: {  	_ =	shalt  }
0x7f: {  	_ =	shalt  }
0x80: {  	_ =	shalt  }
0x81: {  	_ =	shalt  }
0x82: {  	_ =	shalt  }
0x83: {  	_ =	shalt  }
0x84: {  	_ =	shalt  }
0x85: {  	_ =	shalt  }
0x86: {  	_ =	shalt  }
0x87: {  	_ =	shalt  }
.Lfunc_end0:
.L_simem_size_0:
called_computation.1_lowered:
.L_overlay_start_0:
0x88: {  	s2 =	sld [smem:$0x3FD9]  }
0x89: {  	s3 =	sld [smem:$0x3FFE];
	_ =	sdelay $0x1  }
0x8a: {  	s1 =	srdreg.scid  }
0x8b: {  	s0 =	sand.u32 $0x1, s1  }
0x8c: {  	s14 =	sshll.u32 s0, $0xA;
	s2 =	sadd.s32 s3, s2  }
0x8d: {  	s2 =	sadd.s32 s2, s14  }
0x8e: {  	[smem:$0x3FC0] =	sst s2  }
0x8f: {  	_ = 	snop  }
0x90: {  	s2 =	sld [smem:$0x3FD0];
	_ =	sdelay $0x2  }
0x91: {  	s15 =	simm.s32 $0xA;
	s4 =	simm.s32 $0x10  }
0x92: {  	[smem:s4], [sflag:s15] =	dma.local [hbm:s2], $0x1  }
0x93: {  	_ =	swait.eq [sflag:s15], $0x1  }
0x94: {  	[sflag:s15] =	ssyncset.done $0x0  }
0x95: {  	s16 =	sld [smem:$0x10];
	[sflag:s15] =	ssyncadd.s32 $0xFFFFFFFF  }
0x96: {  	s17 =	sld [smem:$0x11];
	(tm) =	ssettm $0x1  }
0x97: {  	s18 =	sld [smem:$0x3FFB];
	_ =	sdelay $0x3  }
0x98: {  	_ =	strace s18  }
0x99: {  	s4 =	sld [smem:$0x3FFC];
	_ =	sdelay $0x3  }
0x9a: {  	_ =	strace s4  }
0x9b: {  	s4 =	sld [smem:$0x3FFD];
	_ =	sdelay $0x3  }
0x9c: {  	_ =	strace s4  }
0x9d: {  	_ =	strace $0x8FFFFFFF  }
0x9e: {  	s19 =	sld [smem:$0x3FDB];
	_ =	sdelay $0x1  }
0x9f: {  	s5 =	simm.s32 $_scs_section_size  }
0xa0: {  	s6 =	simm.s32 $_size__tile_overlayer_lowered;
	s7 =	simm.s32 $_tile_overlayer_lowered  }
0xa1: {  	s22 =	simm.s32 $0x1BFF;
	s21 =	sshll.u32 s7, $0x1;
	s4 =	sadd.s32 s5, s19  }
0xa2: {  	s8 =	simm.s32 $0x0;
	s20 =	sshll.u32 s6, $0x1;
	s6 =	sadd.s32 s21, s4  }
0xa3: {  	[timem:s8], [sflag:s22] =	dma.local [hbm:s6], s20  }
0xa4: {  	_ =	swait.ge [sflag:s22], s20  }
0xa5: {  	s5 =	ssub.s32 $0x0, s20;
	[sflag:s22] =	ssyncset.done $0x0  }
0xa6: {  	[sflag:s22] =	ssyncadd.s32 s5;
	_ =	sdelay $0x1  }
0xa7: {  	s23 =	simm.s32 $0x1B8B  }
0xa8: {  	_ =	swait.ge [sflag:s23], $0x1  }
0xa9: {  	[sflag:s23] =	ssyncset.done $0x0  }
0xaa: {  	s25 =	simm.s32 $0x1B8E;
	s24 =	sld [smem:$0x3FFE];
	[sflag:s23] =	ssyncadd.s32 $0xFFFFFFFF  }
0xab: {  	s26 =	simm.s32 $execute0_lowered;
	[smem:$0x3FD2] =	sst s25  }
0xac: {  	s6 =	sshll.u32 s26, $0x1;
	_ =	strace $0x80000049;
	[dreg:$0x1] =	wrdreg $0xFFFFFFFF  }
0xad: {  	s28 =	simm.s32 $_size_execute0_lowered;
	s4 =	sadd.s32 s4, s6;
	[dreg:$0x0] =	wrdreg $0x0  }
0xae: {  	s6 =	sshll.u32 s28, $0x1;
	[dreg:$0x2] =	wrdreg s4  }
0xaf: {  	[dreg:$0x3] =	wrdreg s6  }
0xb0: {  	[dreg:$0x4] =	wrdreg $0xC0  }
0xb1: {  	_ =	task [dreg:s8], $0x5FFFF  }
0xb2: {  	[dreg:$0x1] =	wrdreg $0xFFFFFFFF  }
0xb3: {  	[dreg:$0x0] =	wrdreg $0x60  }
0xb4: {  	[dreg:$0x2] =	wrdreg s24  }
0xb5: {  	[dreg:$0x3] =	wrdreg s16  }
0xb6: {  	[dreg:$0x4] =	wrdreg s17  }
0xb7: {  	[dreg:$0x5] =	wrdreg $0xAA000  }
0xb8: {  	[dreg:$0x6] =	wrdreg $0x9  }
0xb9: {  	_ =	task.clear_ibuf [dreg:s8], $0x7FFFF;
	_ =	strace $0x90000049  }
0xba: {  	s29 =	simm.s32 $0x9;
	_ =	strace $0x8000004B  }
0xbb: {  	_ =	swait.ge [sflag:s29], $0x1  }
0xbc: {  	[sflag:s29] =	ssyncadd.s32 $0xFFFFFFFF  }
0xbd: {  	_ =	strace $0x9000004B  }
0xbe: {  	_ =	sfence  }
0xbf: {  	s30 =	sld [smem:$0x0];
	_ =	sdelay $0x2  }
0xc0: {  	s31 =	sshll.u32 s1, $0xD;
	s1 =	sshrl.u32 s1, $0x2  }
0xc1: {  	s3 =	sand.u32 $0x4000, s31;
	s1 =	sadd.s32 s1, s30  }
0xc2: {  	s0 =	sor.u32 s3, s0;
	s1 =	sshll.u32 s1, $0x11  }
0xc3: {  	s0 =	sor.u32 s1, s0  }
0xc4: {  	s0 =	sadd.s32 $0x8F2B, s0  }
0xc5: {  	[sflag:s0] =	ssyncadd.remote.s32 $0x1  }
0xc6: {  	_ =	sfence.sel $0xFFFF  }
0xc7: {  	[dreg:$0x0] =	wrdreg $0xFFFFFFFF;
	(pc) =	sbr.abs _section_cstart, $3  }
0xc8: {  	[dreg:$0x1] =	wrdreg $0xFFFFFFFF  }
0xc9: {  	_ =	task.clear_ibuf [dreg:s8], $0x2FFFF;
	_ =	strace $0x9FFFFFFF  }
0xca: {  	(tm) =	ssettm $0x7FFFFFFF  }
0xcb: {  	_ =	shalt  }
tec
execute0_lowered:
.L_overlay_start_1:
0x0: {  	(tag) =	ssettag $0x1  }
0x1: {  	s0 =	rddreg [dreg:$0x0]  }
0x2: {  	s1 =	rddreg [dreg:$0x1];
	s2 =	srdreg.scid  }
0x3: {  	s3 =	rddreg [dreg:$0x3];
	s13 =	stileid.u32  }
0x4: {  	s4 =	simm.s32 $0x0;
	s28 =	simm.s32 $0x2800;
	s29 =	simm.s32 $0x40  }
0x5: {  	s30 =	simm.s32 $0x2880;
	s31 =	simm.s32 $0x4A00;
	s2 =	sand.u32 $0x1, s2  }
0x6: {  	[smem:$0x7FF] =	sst s4;
	s10 =	smul.u32 $0x50000, s13;
	s11 =	sadd.s32 $0x3200, s0  }
0x7: {  	s15 =	smul.u32 $0xA0, s13;
	s5 =	sshll.u32 s2, $0x4;
	s7 =	ssub.s32 $0x2, s2  }
0x8: {  	_ =	strace $0x8000004A;
	p1 =	seq.s32 s2, $0x1;
	s2 =	smul.u32 $0xA00, s2  }
0x9: {  	s6 =	sor.u32 s13, s5;
	s9 =	sshrl.u32 s7, $0x1;
	s19 =	sshrl.u32 s10, $0x2  }
0xa: {  	s5 =	sadd.s32 $0xD000, s0;
	s9 =	ssub.s32 s7, s9;
	s7 =	sadd.s32 s19, s3  }
0xb: {  	s10 =	simm.s32 $0xA;
	s8 =	smul.u32 $0x2800, s6;
	s20 =	sadd.s32 $0x2000, s7  }
0xc: {  	p0 =	seq.s32 s6, $0x1F;
	s21 =	sadd.s32 $0x4000, s7;
	[dreg:$0xb] =	wrdreg s20  }
0xd: {  	s6 =	smul.u32 $0x500, s6;
	s22 =	sadd.s32 $0x6000, s7;
	[dreg:$0xc] =	wrdreg s21  }
0xe: {  	s2 =	sadd.s32 s15, s2;
	s23 =	sadd.s32 $0x8000, s7;
	[dreg:$0xd] =	wrdreg s22  }
0xf: {  	s19 =	smul.u32 $0x2800, s13;
	s24 =	sadd.s32 $0xA000, s7;
	[dreg:$0xe] =	wrdreg s23  }
0x10: {  	s13 =	simm.s32 $0x0;
	s25 =	sadd.s32 $0xC000, s7;
	[dreg:$0xf] =	wrdreg s24  }
0x11: {  	s10 =	simm.s32 @!p0 $0x28;
	s12 =	sadd.s32 $0xE000, s7;
	[dreg:$0x10] =	wrdreg s25  }
0x12: {  	s14 =	sadd.s32 $0x10000, s7;
	s16 =	sadd.s32 $0x12000, s7;
	[dreg:$0x11] =	wrdreg s12  }
0x13: {  	s8 =	sshrl.u32 s8, $0x3;
	s26 =	sadd.s32 $0xFFFFFFFF, s10;
	[dreg:$0x12] =	wrdreg s14  }
0x14: {  	[dreg:$0x13] =	wrdreg s16;
	s18 =	sadd.s32 s6, s11;
	s20 =	smax.u32 s9, $0x1  }
0x15: {  	s21 =	sshll.u32 s2, $0x3;
	s22 =	sshll.u32 s10, $0xA;
	[dreg:$0x5] =	wrdreg s26  }
0x16: {  	s24 =	simm.s32 $0x2900;
	s2 =	simm.s32 $0x2980;
	[dreg:$0x16] =	wrdreg s20  }
0x17: {  	s9 =	simm.s32 $0x4;
	s10 =	simm.s32 $0x5;
	[dreg:$0x6] =	wrdreg s22  }
0x18: {  	s12 =	simm.s32 $0x7;
	s1 =	sadd.s32 s1, s8;
	[dreg:$0x7] =	wrdreg s24  }
0x19: {  	s6 =	simm.s32 $0x8;
	[dreg:$0x9] =	wrdreg s1;
	s1 =	sadd.s32 $0x140, s1  }
0x1a: {  	s17 =	sadd.s32 s11, s8;
	[dreg:$0xa] =	wrdreg s1;
	s1 =	simm.s32 $0x5C200  }
0x1b: {  	s26 =	simm.s32 $0x6A00;
	[dreg:$0x14] =	wrdreg s17;
	s1 =	simm.s32 @!p1 $0x34200  }
0x1c: {  	[dreg:$0x8] =	wrdreg s26;
	s0 =	sadd.s32 s1, s0;
	s1 =	sadd.s32 $0x8, s18  }
0x1d: {  	s8 =	simm.s32 $0x2;
	s26 =	simm.s32 $0x2A00;
	[dreg:$0x15] =	wrdreg s1  }
0x1e: {  	s0 =	sadd.s32 s0, s19;
	s1 =	sadd.s32 s21, s11;
	s11 =	simm.s32 $0x6  }
0x1f: {  	[dreg:$0x17] =	wrdreg s0;
	s23 =	sadd.s32 $0x18, s1;
	s25 =	sadd.s32 $0x10, s1  }
0x20: {  	s14 =	sadd.s32 $0x20, s1;
	s0 =	simm.s32 $0x1;
	[dreg:$0x18] =	wrdreg s23  }
0x21: {  	s1 =	simm.s32 $0x8A00;
	[dreg:$0x19] =	wrdreg s25;
	s25 =	simm.s32 $0x9  }
.LBB2_1:
0x22: {  	s15 =	rddreg [dreg:$0x9]  }
0x23: {  	[tilespmem:s4], [sflag:$0x9] =	stream.linear.gather [hbm4b:s15+s4], $0xA00, $0x38;
	[tilespmem:$0x1EA00] =	vst v63  }
0x24: {  	_ =	swait.ge [sflag:s25], $0xA00  }
0x25: {  	s17 =	simm.s32 @!p0 $0x0;
	[sflag:s25] =	ssyncset.done $0x0  }
0x26: {  	s18 =	simm.s32 @!p0 $0xA00;
	s15 =	rddreg [dreg:$0xa];
	[sflag:s25] =	ssyncadd.s32 $0xFFFFF600  }
0x27: {  	[tilespmem:s18], [sflag:$0x9] =	stream.linear.gather @!p0 [hbm4b:s15+s17], $0x1E00, $0x38;
	[tilespmem:$0x1EA00] =	vst v63  }
0x28: {  	s17 =	simm.s32 @!p0 $0x9  }
0x29: {  	_ =	swait.ge @!p0 [sflag:s17], $0x1E00  }
0x2a: {  	[sflag:s17] =	ssyncset.done @!p0 $0x0  }
0x2b: {  	[sflag:s17] =	ssyncadd.s32 @!p0 $0xFFFFE200  }
0x2c: {  	s22 =	rddreg [dreg:$0x2]  }
0x2d: {  	[tilespmem:s26], [sflag:$0x9] =	stream.linear.gather [hbm4b:s22+s4], $0x2000, $0x38;
	[tilespmem:$0x1EA00] =	vst v63  }
0x2e: {  	_ =	swait.ge [sflag:s25], $0x2000  }
0x2f: {  	[sflag:s25] =	ssyncset.done $0x0  }
0x30: {  	[sflag:s25] =	ssyncadd.s32 $0xFFFFE000  }
0x31: {  	[spmem:s7] =	stream.linear.scatter [tilespmem:s26], [sflag:$0x9], $0x2000, $0x38;
	[tilespmem:$0x1EA00] =	vst v63  }
0x32: {  	_ =	swait.ge [sflag:s25], $0x2000  }
0x33: {  	[sflag:s25] =	ssyncset.done $0x0  }
0x34: {  	s23 =	rddreg [dreg:$0xb];
	[sflag:s25] =	ssyncadd.s32 $0xFFFFE000  }
0x35: {  	[spmem:s23] =	stream.linear.scatter [tilespmem:s26], [sflag:$0x9], $0x2000, $0x38;
	[tilespmem:$0x1EA00] =	vst v63  }
0x36: {  	_ =	swait.ge [sflag:s25], $0x2000  }
0x37: {  	[sflag:s25] =	ssyncset.done $0x0  }
0x38: {  	s24 =	rddreg [dreg:$0xc];
	[sflag:s25] =	ssyncadd.s32 $0xFFFFE000  }
0x39: {  	[spmem:s24] =	stream.linear.scatter [tilespmem:s26], [sflag:$0x9], $0x2000, $0x38;
	[tilespmem:$0x1EA00] =	vst v63  }
0x3a: {  	_ =	swait.ge [sflag:s25], $0x2000  }
0x3b: {  	[sflag:s25] =	ssyncset.done $0x0  }
0x3c: {  	s16 =	rddreg [dreg:$0xd];
	[sflag:s25] =	ssyncadd.s32 $0xFFFFE000  }
0x3d: {  	[spmem:s16] =	stream.linear.scatter [tilespmem:s26], [sflag:$0x9], $0x2000, $0x38;
	[tilespmem:$0x1EA00] =	vst v63  }
0x3e: {  	_ =	swait.ge [sflag:s25], $0x2000  }
0x3f: {  	[sflag:s25] =	ssyncset.done $0x0  }
0x40: {  	s17 =	rddreg [dreg:$0xe];
	[sflag:s25] =	ssyncadd.s32 $0xFFFFE000  }
0x41: {  	[spmem:s17] =	stream.linear.scatter [tilespmem:s26], [sflag:$0x9], $0x2000, $0x38;
	[tilespmem:$0x1EA00] =	vst v63  }
0x42: {  	_ =	swait.ge [sflag:s25], $0x2000  }
0x43: {  	[sflag:s25] =	ssyncset.done $0x0  }
0x44: {  	s18 =	rddreg [dreg:$0xf];
	[sflag:s25] =	ssyncadd.s32 $0xFFFFE000  }
0x45: {  	[spmem:s18] =	stream.linear.scatter [tilespmem:s26], [sflag:$0x9], $0x2000, $0x38;
	[tilespmem:$0x1EA00] =	vst v63  }
0x46: {  	_ =	swait.ge [sflag:s25], $0x2000  }
0x47: {  	[sflag:s25] =	ssyncset.done $0x0  }
0x48: {  	s19 =	rddreg [dreg:$0x10];
	[sflag:s25] =	ssyncadd.s32 $0xFFFFE000  }
0x49: {  	[spmem:s19] =	stream.linear.scatter [tilespmem:s26], [sflag:$0x9], $0x2000, $0x38;
	[tilespmem:$0x1EA00] =	vst v63  }
0x4a: {  	_ =	swait.ge [sflag:s25], $0x2000  }
0x4b: {  	[sflag:s25] =	ssyncset.done $0x0  }
0x4c: {  	s20 =	rddreg [dreg:$0x11];
	[sflag:s25] =	ssyncadd.s32 $0xFFFFE000  }
0x4d: {  	[spmem:s20] =	stream.linear.scatter [tilespmem:s26], [sflag:$0x9], $0x2000, $0x38;
	[tilespmem:$0x1EA00] =	vst v63  }
0x4e: {  	_ =	swait.ge [sflag:s25], $0x2000  }
0x4f: {  	[sflag:s25] =	ssyncset.done $0x0  }
0x50: {  	s21 =	rddreg [dreg:$0x12];
	[sflag:s25] =	ssyncadd.s32 $0xFFFFE000  }
0x51: {  	[spmem:s21] =	stream.linear.scatter [tilespmem:s26], [sflag:$0x9], $0x2000, $0x38;
	[tilespmem:$0x1EA00] =	vst v63  }
0x52: {  	_ =	swait.ge [sflag:s25], $0x2000  }
0x53: {  	[sflag:s25] =	ssyncset.done $0x0  }
0x54: {  	s22 =	rddreg [dreg:$0x13];
	[sflag:s25] =	ssyncadd.s32 $0xFFFFE000  }
0x55: {  	[spmem:s22] =	stream.linear.scatter [tilespmem:s26], [sflag:$0x9], $0x2000, $0x38;
	[tilespmem:$0x1EA00] =	vst v63  }
0x56: {  	_ =	swait.ge [sflag:s25], $0x2000  }
0x57: {  	[sflag:s25] =	ssyncset.done $0x0  }
0x58: {  	[sflag:s25] =	ssyncadd.s32 $0xFFFFE000  }
0x59: {  	[bflag:$0x0] =	sbarrier.arrive $0xFFFF  }
0x5a: {  	s23 =	rddreg [dreg:$0x14]  }
0x5b: {  	[tilespmem:s28], [sflag:$0x1] =	stream.linear.gather [hbm4b:s23+s4], $0x40, $0x38;
	[tilespmem:$0x1EA00] =	vst v63  }
0x5c: {  	s24 =	rddreg [dreg:$0x15]  }
0x5d: {  	[tilespmem:s26], [sflag:$0x1] =	stream.indirect.gather [hbm4b:s5+s29], $0x80, s4, s29, $0xb8;
	[tilespmem:$0x1EA00] =	vst v63  }
0x5e: {  	s17 =	simm.s32 $0x0;
	s22 =	rddreg [dreg:$0x18]  }
0x5f: {  	[tilespmem:s30], [sflag:$0x2] =	stream.linear.gather [hbm4b:s24+s4], $0x40, $0x38;
	[tilespmem:$0x1EA00] =	vst v63  }
0x60: {  	s18 =	simm.s32 $0x0;
	s23 =	rddreg [dreg:$0x19];
	s24 =	smov.u32 s14  }
0x61: {  	[tilespmem:s31], [sflag:$0x2] =	stream.indirect.gather [hbm4b:s5+s29], $0x80, s29, s29, $0xb8;
	[tilespmem:$0x1EA00] =	vst v63  }
.LBB2_2:
0x62: {  	p1 =	seq.s32 s17, $0x0  }
0x63: {  	s19 =	simm.s32 @!p1 $0x7  }
0x64: {  	_ =	swait.ge @!p1 [sflag:s19], $0x2000  }
0x65: {  	[sflag:s19] =	ssyncset.done @!p1 $0x0  }
0x66: {  	s15 =	sshra.s32 s17, $0x2;
	s20 =	rddreg [dreg:$0x7];
	[sflag:s19] =	ssyncadd.s32 @!p1 $0xFFFFE000  }
0x67: {  	[tilespmem:s20], [sflag:$0x3] =	stream.linear.gather [hbm4b:s23+s4], $0x40, $0x38;
	[tilespmem:$0x1EA00] =	vst v63  }
0x68: {  	s21 =	sadd.s32 $0x80, s15;
	s20 =	rddreg [dreg:$0x8]  }
0x69: {  	[tilespmem:s20], [sflag:$0x3] =	stream.indirect.gather [hbm4b:s5+s29], $0x80, s21, s29, $0xb8;
	[tilespmem:$0x1EA00] =	vst v63  }
0x6a: {  	_ =	swait.ge [sflag:s0], $0x40  }
0x6b: {  	[sflag:s0] =	ssyncset.done $0x0  }
0x6c: {  	[sflag:s0] =	ssyncadd.s32 $0xFFFFFFC0  }
0x6d: {  	_ =	swait.ge [sflag:s0], $0x2000  }
0x6e: {  	[sflag:s0] =	ssyncset.done $0x0  }
0x6f: {  	s19 =	simm.s32 @!p1 $0x8;
	[sflag:s0] =	ssyncadd.s32 $0xFFFFE000  }
0x70: {  	[spmem:s3] =	stream.indirect.scatter.add.f32 [tilespmem:s26], [sflag:$0x5], $0x80, s28, s29, $0xb8;
	[tilespmem:$0x1EA00] =	vst v63  }
0x71: {  	_ =	swait.ge @!p1 [sflag:s19], $0x2000  }
0x72: {  	[sflag:s19] =	ssyncset.done @!p1 $0x0  }
0x73: {  	[sflag:s19] =	ssyncadd.s32 @!p1 $0xFFFFE000  }
0x74: {  	[tilespmem:s2], [sflag:$0x4] =	stream.linear.gather [hbm4b:s22+s4], $0x40, $0x38;
	[tilespmem:$0x1EA00] =	vst v63  }
0x75: {  	s16 =	sadd.s32 $0xC0, s15  }
0x76: {  	[tilespmem:s1], [sflag:$0x4] =	stream.indirect.gather [hbm4b:s5+s29], $0x80, s16, s29, $0xb8;
	[tilespmem:$0x1EA00] =	vst v63  }
0x77: {  	_ =	swait.ge [sflag:s8], $0x40  }
0x78: {  	[sflag:s8] =	ssyncset.done $0x0  }
0x79: {  	[sflag:s8] =	ssyncadd.s32 $0xFFFFFFC0  }
0x7a: {  	_ =	swait.ge [sflag:s8], $0x2000  }
0x7b: {  	[sflag:s8] =	ssyncset.done $0x0;
	s20 =	rddreg [dreg:$0x5]  }
0x7c: {  	[sflag:s8] =	ssyncadd.s32 $0xFFFFE000;
	p1 =	sge.u32 s18, s20  }
0x7d: {  	[spmem:s3] =	stream.indirect.scatter.add.f32 [tilespmem:s31], [sflag:$0x6], $0x80, s30, s29, $0xb8;
	[tilespmem:$0x1EA00] =	vst v63  }
0x7e: {  	s19 =	simm.s32 @p1 $0x3  }
0x7f: {  	_ =	swait.ge @p1 [sflag:s19], $0x40  }
0x80: {  	[sflag:s19] =	ssyncset.done @p1 $0x0  }
0x81: {  	[sflag:s19] =	ssyncadd.s32 @p1 $0xFFFFFFC0  }
0x82: {  	_ =	swait.ge @p1 [sflag:s19], $0x2000  }
0x83: {  	s20 =	simm.s32 @p1 $0x2900;
	[sflag:s19] =	ssyncset.done @p1 $0x0  }
0x84: {  	s21 =	simm.s32 @p1 $0x6A00;
	[sflag:s19] =	ssyncadd.s32 @p1 $0xFFFFE000;
	s19 =	simm.s32 @p1 $0x40  }
0x85: {  	[spmem:s3] =	stream.indirect.scatter.add.f32 @p1 [tilespmem:s21], [sflag:$0x7], $0x80, s20, s19, $0xb8;
	[tilespmem:$0x1EA00] =	vst v63  }
0x86: {  	s19 =	simm.s32 @!p1 $0x5  }
0x87: {  	_ =	swait.ge @!p1 [sflag:s19], $0x2000  }
0x88: {  	[sflag:s19] =	ssyncset.done @!p1 $0x0  }
0x89: {  	s20 =	simm.s32 @!p1 $0x2800;
	[sflag:s19] =	ssyncadd.s32 @!p1 $0xFFFFE000;
	s19 =	simm.s32 @!p1 $0x0  }
0x8a: {  	[tilespmem:s20], [sflag:$0x1] =	stream.linear.gather @!p1 [hbm4b:s24+s19], $0x40, $0x38;
	[tilespmem:$0x1EA00] =	vst v63  }
0x8b: {  	s20 =	sshra.s32 @!p1 s17, $0x2  }
0x8c: {  	s16 =	simm.s32 @!p1 $0x40;
	s15 =	simm.s32 @!p1 $0x2A00;
	s21 =	sadd.s32 @!p1 $0x100, s20  }
0x8d: {  	[tilespmem:s15], [sflag:$0x1] =	stream.indirect.gather @!p1 [hbm4b:s5+s16], $0x80, s21, s16, $0xb8;
	[tilespmem:$0x1EA00] =	vst v63  }
0x8e: {  	s15 =	simm.s32 @!p1 $0x3  }
0x8f: {  	_ =	swait.ge @!p1 [sflag:s15], $0x40  }
0x90: {  	[sflag:s15] =	ssyncset.done @!p1 $0x0  }
0x91: {  	[sflag:s15] =	ssyncadd.s32 @!p1 $0xFFFFFFC0  }
0x92: {  	_ =	swait.ge @!p1 [sflag:s15], $0x2000  }
0x93: {  	[sflag:s15] =	ssyncset.done @!p1 $0x0  }
0x94: {  	s21 =	simm.s32 @!p1 $0x6A00;
	[sflag:s15] =	ssyncadd.s32 @!p1 $0xFFFFE000;
	s15 =	simm.s32 @!p1 $0x2900  }
0x95: {  	[spmem:s3] =	stream.indirect.scatter.add.f32 @!p1 [tilespmem:s21], [sflag:$0x7], $0x80, s15, s16, $0xb8;
	[tilespmem:$0x1EA00] =	vst v63  }
0x96: {  	s15 =	simm.s32 @!p1 $0x6  }
0x97: {  	_ =	swait.ge @!p1 [sflag:s15], $0x2000  }
0x98: {  	[sflag:s15] =	ssyncset.done @!p1 $0x0  }
0x99: {  	s21 =	simm.s32 @!p1 $0x2880;
	[sflag:s15] =	ssyncadd.s32 @!p1 $0xFFFFE000;
	s15 =	sadd.s32 @!p1 $0x10, s22  }
0x9a: {  	[tilespmem:s21], [sflag:$0x2] =	stream.linear.gather @!p1 [hbm4b:s15+s19], $0x40, $0x38;
	[tilespmem:$0x1EA00] =	vst v63  }
0x9b: {  	s15 =	sadd.s32 @!p1 $0x140, s20;
	s19 =	simm.s32 @!p1 $0x4A00  }
0x9c: {  	[tilespmem:s19], [sflag:$0x2] =	stream.indirect.gather @!p1 [hbm4b:s5+s16], $0x80, s15, s16, $0xb8;
	[tilespmem:$0x1EA00] =	vst v63  }
0x9d: {  	_ =	swait.ge [sflag:s9], $0x40  }
0x9e: {  	[sflag:s9] =	ssyncset.done $0x0  }
0x9f: {  	[sflag:s9] =	ssyncadd.s32 $0xFFFFFFC0  }
0xa0: {  	_ =	swait.ge [sflag:s9], $0x2000  }
0xa1: {  	s17 =	sadd.s32 $0x400, s17;
	s21 =	rddreg [dreg:$0x6]  }
0xa2: {  	p1 =	sne.s32 s21, s17  }
.Ltmp0:
0xa3: {  	_ = 	snop;
	(pc) =	sbr.rel @p1 .LBB2_2-.Ltmp0, $4  }
0xa4: {  	_ = 	snop  }
0xa5: {  	s23 =	sadd.s32 $0x20, s23;
	s18 =	sadd.s32 $0x1, s18;
	[sflag:s9] =	ssyncset.done $0x0  }
0xa6: {  	s24 =	sadd.s32 $0x20, s24;
	s22 =	sadd.s32 $0x20, s22;
	[sflag:s9] =	ssyncadd.s32 $0xFFFFE000  }
0xa7: {  	[spmem:s3] =	stream.indirect.scatter.add.f32 [tilespmem:s1], [sflag:$0x8], $0x80, s2, s29, $0xb8;
	[tilespmem:$0x1EA00] =	vst v63  }
0xa8: {  	_ =	swait.ge [sflag:s10], $0x2000  }
0xa9: {  	[sflag:s10] =	ssyncset.done $0x0  }
0xaa: {  	[sflag:s10] =	ssyncadd.s32 $0xFFFFE000  }
0xab: {  	_ =	swait.ge [sflag:s11], $0x2000  }
0xac: {  	[sflag:s11] =	ssyncset.done $0x0  }
0xad: {  	[sflag:s11] =	ssyncadd.s32 $0xFFFFE000  }
0xae: {  	_ =	swait.ge [sflag:s12], $0x2000  }
0xaf: {  	[sflag:s12] =	ssyncset.done $0x0  }
0xb0: {  	[sflag:s12] =	ssyncadd.s32 $0xFFFFE000  }
0xb1: {  	_ =	swait.ge [sflag:s6], $0x2000  }
0xb2: {  	[sflag:s6] =	ssyncset.done $0x0  }
0xb3: {  	s15 =	stileid.u32;
	[sflag:s6] =	ssyncadd.s32 $0xFFFFE000  }
0xb4: {  	s15 =	sshll.u32 s15, $0x6;
	[bflag:$0x0] =	sbarrier.arrive $0xFFFF  }
0xb5: {  	s16 =	sshrl.u32 s7, $0x3;
	s15 =	sor.u32 $0x1C09, s15;
	s17 =	rddreg [dreg:$0x17]  }
0xb6: {  	[hbm:s17], [sflag:s15] =	dma.local [spmem:s16], $0x2800  }
0xb7: {  	_ =	swait.ge [sflag:s25], $0x2800  }
0xb8: {  	s13 =	sadd.s32 $0x1, s13;
	s24 =	rddreg [dreg:$0x16]  }
0xb9: {  	p1 =	sne.s32 s13, s24  }
.Ltmp1:
0xba: {  	_ = 	snop;
	(pc) =	sbr.rel @p1 .LBB2_1-.Ltmp1, $3  }
0xbb: {  	_ =	sdelay $0x1  }
0xbc: {  	[sflag:s25] =	ssyncset.done $0x0  }
0xbd: {  	[sflag:s25] =	ssyncadd.s32 $0xFFFFD800  }
0xbe: {  	_ =	sfence.sel $0x180000  }
0xbf: {  	[bflag:$0x0] =	sbarrier.arrive $0xFFFF  }
0xc0: {  	_ =	strace $0x9000004A  }
0xc1: {  	s0 =	stileid.u32;
	[bflag:$0x2] =	sbarrier.arrive $0xFFFF  }
0xc2: {  	p0 =	sne.s32 s0, $0x0;
	s0 =	rddreg [dreg:$0x4]  }
0xc3: {  	s0 =	sadd.s32 @!p0 $0x100000, s0  }
0xc4: {  	[sflag:s0] =	ssyncadd.tile.s32 @!p0 $0x1;
	_ =	shalt  }
.Lfunc_end2:
_tile_overlayer_lowered:
.L_overlay_start_2:
0xc5: {  	(tag) =	ssettag $0x2  }
0xc6: {  	s0 =	rddreg [dreg:$0x0];
	s2 =	stileid.u32  }
0xc7: {  	s1 =	rddreg [dreg:$0x1];
	p0 =	sne.s32 s2, $0x0  }
0xc8: {  	s3 =	rddreg [dreg:$0x2];
	[bflag:$0x3] =	sbarrier.arrive $0xFFFF;
	s2 =	simm.s32 @!p0 $0x1C09  }
0xc9: {  	[timem:s3], [sflag:s2] =	dma.local @!p0 [hbm:s0], s1  }
0xca: {  	s0 =	simm.s32 @!p0 $0x9  }
0xcb: {  	_ =	swait.ge @!p0 [sflag:s0], s1  }
0xcc: {  	s1 =	ssub.s32 @!p0 $0x0, s1;
	[sflag:s0] =	ssyncset.done @!p0 $0x0  }
0xcd: {  	[sflag:s0] =	ssyncadd.s32 @!p0 s1  }
0xce: {  	[bflag:$0x3] =	sbarrier.arrive $0xFFFF  }
0xcf: {  	_ =	shalt  }

// kernel: kernel.14.cloned.1.call-start
scs
__scs_entry_jumppad:
0x0: {  	(pc) =	sbr.rel $0x88, $3  }
0x1: {  	(tag) =	ssettag $0x0;
	lr =	simm.s32 $0x1  }
0x2: {  	[smem:$0x3F99] =	sst lr;
	_ =	strace $0xD0000000  }
0x3: {  	_ = 	snop  }
0x4: {  	_ = 	snop  }
0x5: {  	_ = 	snop  }
0x6: {  	_ = 	snop  }
0x7: {  	_ = 	snop  }
__scs_overlays_trampoline_lowered:
0x8: {  	[smem:$0x3FA8] =	sst s0  }
0x9: {  	[smem:$0x3FA9] =	sst s1  }
0xa: {  	[smem:$0x3FAA] =	sst s2  }
0xb: {  	[smem:$0x3FAB] =	sst s3  }
0xc: {  	[smem:$0x3FAC] =	sst s4  }
0xd: {  	[smem:$0x3FAD] =	sst s5  }
0xe: {  	[smem:$0x3FAE] =	sst s6  }
0xf: {  	[smem:$0x3FAF] =	sst s7  }
0x10: {  	[smem:$0x3FB0] =	sst s8  }
0x11: {  	[smem:$0x3FB1] =	sst s9;
	s0 =	simm.s32 @!p0 $0x0  }
0x12: {  	s1 =	sld [smem:$0x3F97];
	s0 =	simm.s32 @p0 $0x1  }
0x13: {  	[smem:$0x3FB2] =	sst s0;
	s0 =	simm.s32 @!p1 $0x0  }
0x14: {  	s2 =	sld [smem:$0x3F96];
	s0 =	simm.s32 @p1 $0x1  }
0x15: {  	[smem:$0x3FB3] =	sst s0;
	s0 =	simm.s32 @!p2 $0x0  }
0x16: {  	s3 =	sld [smem:$0x3FDB];
	s0 =	simm.s32 @p2 $0x1  }
0x17: {  	s4 =	simm.s32 $0x1BF5;
	[smem:$0x3FB5] =	sst s0  }
0x18: {  	s0 =	sld [smem:$0x3F98];
	_ =	swait.ge [sflag:s4], $0x0  }
0x19: {  	s7 =	sld [smem:$0x3F99]  }
0x1a: {  	s8 =	sadd.s32 $0xFFFFE003, lr  }
0x1b: {  	s9 =	sadd.s32 $0xFFFFFEF7, lr;
	s5 =	simm.s32 $0xFFFFFFFF;
	p2 =	slt.u32 s8, $0xFFFFF086  }
0x1c: {  	p1 =	slt.u32 s9, $0xF7A;
	s5 =	simm.s32 @!p2 $0x0  }
0x1d: {  	s5 =	simm.s32 @p1 $0x1;
	p0 =	seq.s32 s7, s2  }
0x1e: {  	s7 =	smul.u32 @!p0 $0xF7A, s2;
	p2 =	seq.s32 @!p0 s5, $0x0  }
0x1f: {  	s9 =	smul.u32 $0xF7A, s1;
	s8 =	simm.s32 @!p0 $0x1BF5;
	p2 =	por !p2, p0  }
0x20: {  	[sflag:s8] =	ssyncset.s32 @!p0 $0xFFFFF086;
	s6 =	sadd.s32 @!p0 s3, s7;
	s7 =	simm.s32 @!p0 $0x108  }
0x21: {  	s3 =	sadd.s32 s3, s9;
	s6 =	sadd.s32 @!p0 $0x88, s6;
	s7 =	simm.s32 @p2 $0x1082  }
0x22: {  	[simem:s7], [sflag:s8] =	dma.local @!p0 [hbm:s6], $0xF7A  }
0x23: {  	s9 =	sor.u32 $0xD0000000, s2;
	s6 =	simm.s32 $0x108;
	_ =	swait.ge @!p0 [sflag:s8], $0x0  }
0x24: {  	s3 =	sadd.s32 $0x88, s3;
	s6 =	simm.s32 @!p1 $0x1082;
	[sflag:s4] =	ssyncset.s32 $0xFFFFF086  }
0x25: {  	[simem:s6], [sflag:s4] =	dma.local [hbm:s3], $0xF7A  }
0x26: {  	[smem:$0x3F99] =	sst s1;
	(tag) =	ssettag s2;
	_ =	strace s9  }
0x27: {  	s1 =	sld [smem:$0x3FA9]  }
0x28: {  	s2 =	sld [smem:$0x3FAA]  }
0x29: {  	s4 =	sld [smem:$0x3FAC]  }
0x2a: {  	p0 =	seq.s32 s5, $0x0;
	s5 =	sld [smem:$0x3FAD]  }
0x2b: {  	s6 =	sld [smem:$0x3FAE]  }
0x2c: {  	s7 =	sld [smem:$0x3FAF]  }
0x2d: {  	s3 =	simm.s32 $0x108;
	s8 =	sld [smem:$0x3FB0]  }
0x2e: {  	s3 =	simm.s32 @!p0 $0x1082;
	s9 =	sld [smem:$0x3FB1]  }
0x2f: {  	lr =	sadd.s32 s0, s3;
	s0 =	sld [smem:$0x3FA8]  }
0x30: {  	s3 =	sld [smem:$0x3FAB]  }
0x31: {  	[smem:$0x3FB4] =	sst s10  }
0x32: {  	s10 =	sld [smem:$0x3FB2];
	_ =	sdelay $0x3  }
0x33: {  	p0 =	seq.s32 s10, $0x1;
	s10 =	sld [smem:$0x3FB4];
	_ =	sdelay $0x3  }
0x34: {  	[smem:$0x3FB4] =	sst s10  }
0x35: {  	s10 =	sld [smem:$0x3FB3];
	_ =	sdelay $0x3  }
0x36: {  	p1 =	seq.s32 s10, $0x1;
	s10 =	sld [smem:$0x3FB4];
	_ =	sdelay $0x3  }
0x37: {  	[smem:$0x3FB4] =	sst s10  }
0x38: {  	s10 =	sld [smem:$0x3FB5]  }
0x39: {  	_ = 	snop;
	(pc) =	sbr.ind lr, $3  }
0x3a: {  	_ = 	snop  }
0x3b: {  	_ = 	snop  }
0x3c: {  	p2 =	seq.s32 s10, $0x1;
	s10 =	sld [smem:$0x3FB4]  }
0x3d: {  	_ =	shalt  }
0x3e: {  	_ =	shalt  }
0x3f: {  	_ =	shalt  }
0x40: {  	_ =	shalt  }
0x41: {  	_ =	shalt  }
0x42: {  	_ =	shalt  }
0x43: {  	_ =	shalt  }
0x44: {  	_ =	shalt  }
0x45: {  	_ =	shalt  }
0x46: {  	_ =	shalt  }
0x47: {  	_ =	shalt  }
0x48: {  	_ =	shalt  }
0x49: {  	_ =	shalt  }
0x4a: {  	_ =	shalt  }
0x4b: {  	_ =	shalt  }
0x4c: {  	_ =	shalt  }
0x4d: {  	_ =	shalt  }
0x4e: {  	_ =	shalt  }
0x4f: {  	_ =	shalt  }
0x50: {  	_ =	shalt  }
0x51: {  	_ =	shalt  }
0x52: {  	_ =	shalt  }
0x53: {  	_ =	shalt  }
0x54: {  	_ =	shalt  }
0x55: {  	_ =	shalt  }
0x56: {  	_ =	shalt  }
0x57: {  	_ =	shalt  }
0x58: {  	_ =	shalt  }
0x59: {  	_ =	shalt  }
0x5a: {  	_ =	shalt  }
0x5b: {  	_ =	shalt  }
0x5c: {  	_ =	shalt  }
0x5d: {  	_ =	shalt  }
0x5e: {  	_ =	shalt  }
0x5f: {  	_ =	shalt  }
0x60: {  	_ =	shalt  }
0x61: {  	_ =	shalt  }
0x62: {  	_ =	shalt  }
0x63: {  	_ =	shalt  }
0x64: {  	_ =	shalt  }
0x65: {  	_ =	shalt  }
0x66: {  	_ =	shalt  }
0x67: {  	_ =	shalt  }
0x68: {  	_ =	shalt  }
0x69: {  	_ =	shalt  }
0x6a: {  	_ =	shalt  }
0x6b: {  	_ =	shalt  }
0x6c: {  	_ =	shalt  }
0x6d: {  	_ =	shalt  }
0x6e: {  	_ =	shalt  }
0x6f: {  	_ =	shalt  }
0x70: {  	_ =	shalt  }
0x71: {  	_ =	shalt  }
0x72: {  	_ =	shalt  }
0x73: {  	_ =	shalt  }
0x74: {  	_ =	shalt  }
0x75: {  	_ =	shalt  }
0x76: {  	_ =	shalt  }
0x77: {  	_ =	shalt  }
0x78: {  	_ =	shalt  }
0x79: {  	_ =	shalt  }
0x7a: {  	_ =	shalt  }
0x7b: {  	_ =	shalt  }
0x7c: {  	_ =	shalt  }
0x7d: {  	_ =	shalt  }
0x7e: {  	_ =	shalt  }
0x7f: {  	_ =	shalt  }
0x80: {  	_ =	shalt  }
0x81: {  	_ =	shalt  }
0x82: {  	_ =	shalt  }
0x83: {  	_ =	shalt  }
0x84: {  	_ =	shalt  }
0x85: {  	_ =	shalt  }
0x86: {  	_ =	shalt  }
0x87: {  	_ =	shalt  }
.Lfunc_end0:
.L_simem_size_0:
called_computation.2_lowered:
.L_overlay_start_0:
0x88: {  	s2 =	sld [smem:$0x3FD9]  }
0x89: {  	s3 =	sld [smem:$0x3FFE];
	_ =	sdelay $0x1  }
0x8a: {  	s1 =	srdreg.scid  }
0x8b: {  	s0 =	sand.u32 $0x1, s1  }
0x8c: {  	s14 =	sshll.u32 s0, $0xA;
	s2 =	sadd.s32 s3, s2  }
0x8d: {  	s2 =	sadd.s32 s2, s14  }
0x8e: {  	[smem:$0x3FC0] =	sst s2  }
0x8f: {  	_ = 	snop  }
0x90: {  	s2 =	sld [smem:$0x3FD0];
	_ =	sdelay $0x2  }
0x91: {  	s15 =	simm.s32 $0xA;
	s4 =	simm.s32 $0x10  }
0x92: {  	[smem:s4], [sflag:s15] =	dma.local [hbm:s2], $0x1  }
0x93: {  	_ =	swait.eq [sflag:s15], $0x1  }
0x94: {  	[sflag:s15] =	ssyncset.done $0x0  }
0x95: {  	s16 =	sld [smem:$0x10];
	[sflag:s15] =	ssyncadd.s32 $0xFFFFFFFF  }
0x96: {  	s17 =	sld [smem:$0x11];
	(tm) =	ssettm $0x1  }
0x97: {  	s18 =	sld [smem:$0x3FFB];
	_ =	sdelay $0x3  }
0x98: {  	_ =	strace s18  }
0x99: {  	s4 =	sld [smem:$0x3FFC];
	_ =	sdelay $0x3  }
0x9a: {  	_ =	strace s4  }
0x9b: {  	s4 =	sld [smem:$0x3FFD];
	_ =	sdelay $0x3  }
0x9c: {  	_ =	strace s4  }
0x9d: {  	_ =	strace $0x8FFFFFFF  }
0x9e: {  	s19 =	sld [smem:$0x3FDB];
	_ =	sdelay $0x1  }
0x9f: {  	s5 =	simm.s32 $_scs_section_size  }
0xa0: {  	s6 =	simm.s32 $_size__tile_overlayer_lowered;
	s7 =	simm.s32 $_tile_overlayer_lowered  }
0xa1: {  	s22 =	simm.s32 $0x1BFF;
	s21 =	sshll.u32 s7, $0x1;
	s4 =	sadd.s32 s5, s19  }
0xa2: {  	s8 =	simm.s32 $0x0;
	s20 =	sshll.u32 s6, $0x1;
	s6 =	sadd.s32 s21, s4  }
0xa3: {  	[timem:s8], [sflag:s22] =	dma.local [hbm:s6], s20  }
0xa4: {  	_ =	swait.ge [sflag:s22], s20  }
0xa5: {  	s5 =	ssub.s32 $0x0, s20;
	[sflag:s22] =	ssyncset.done $0x0  }
0xa6: {  	[sflag:s22] =	ssyncadd.s32 s5;
	_ =	sdelay $0x1  }
0xa7: {  	s23 =	simm.s32 $0x1B8B  }
0xa8: {  	_ =	swait.ge [sflag:s23], $0x1  }
0xa9: {  	[sflag:s23] =	ssyncset.done $0x0  }
0xaa: {  	s25 =	simm.s32 $0x1B8E;
	s24 =	sld [smem:$0x3FFE];
	[sflag:s23] =	ssyncadd.s32 $0xFFFFFFFF  }
0xab: {  	s26 =	simm.s32 $execute0_lowered;
	[smem:$0x3FD2] =	sst s25  }
0xac: {  	s6 =	sshll.u32 s26, $0x1;
	_ =	strace $0x8000004C;
	[dreg:$0x1] =	wrdreg $0xFFFFFFFF  }
0xad: {  	s28 =	simm.s32 $_size_execute0_lowered;
	s4 =	sadd.s32 s4, s6;
	[dreg:$0x0] =	wrdreg $0x0  }
0xae: {  	s6 =	sshll.u32 s28, $0x1;
	[dreg:$0x2] =	wrdreg s4  }
0xaf: {  	[dreg:$0x3] =	wrdreg s6  }
0xb0: {  	[dreg:$0x4] =	wrdreg $0xC0  }
0xb1: {  	_ =	task [dreg:s8], $0x5FFFF  }
0xb2: {  	[dreg:$0x1] =	wrdreg $0xFFFFFFFF  }
0xb3: {  	[dreg:$0x0] =	wrdreg $0x60  }
0xb4: {  	[dreg:$0x2] =	wrdreg s24  }
0xb5: {  	[dreg:$0x3] =	wrdreg s16  }
0xb6: {  	[dreg:$0x4] =	wrdreg s17  }
0xb7: {  	[dreg:$0x5] =	wrdreg $0xAA000  }
0xb8: {  	[dreg:$0x6] =	wrdreg $0x9  }
0xb9: {  	_ =	task.clear_ibuf [dreg:s8], $0x7FFFF;
	_ =	strace $0x9000004C  }
0xba: {  	s29 =	simm.s32 $0x9;
	_ =	strace $0x8000004E  }
0xbb: {  	_ =	swait.ge [sflag:s29], $0x1  }
0xbc: {  	[sflag:s29] =	ssyncadd.s32 $0xFFFFFFFF  }
0xbd: {  	_ =	strace $0x9000004E  }
0xbe: {  	_ =	sfence  }
0xbf: {  	s30 =	sld [smem:$0x0];
	_ =	sdelay $0x2  }
0xc0: {  	s31 =	sshll.u32 s1, $0xD;
	s1 =	sshrl.u32 s1, $0x2  }
0xc1: {  	s3 =	sand.u32 $0x4000, s31;
	s1 =	sadd.s32 s1, s30  }
0xc2: {  	s0 =	sor.u32 s3, s0;
	s1 =	sshll.u32 s1, $0x11  }
0xc3: {  	s0 =	sor.u32 s1, s0  }
0xc4: {  	s0 =	sadd.s32 $0x8F2B, s0  }
0xc5: {  	[sflag:s0] =	ssyncadd.remote.s32 $0x1  }
0xc6: {  	_ =	sfence.sel $0xFFFF  }
0xc7: {  	[dreg:$0x0] =	wrdreg $0xFFFFFFFF;
	(pc) =	sbr.abs _section_cstart, $3  }
0xc8: {  	[dreg:$0x1] =	wrdreg $0xFFFFFFFF  }
0xc9: {  	_ =	task.clear_ibuf [dreg:s8], $0x2FFFF;
	_ =	strace $0x9FFFFFFF  }
0xca: {  	(tm) =	ssettm $0x7FFFFFFF  }
0xcb: {  	_ =	shalt  }
tec
execute0_lowered:
.L_overlay_start_1:
0x0: {  	(tag) =	ssettag $0x1  }
0x1: {  	s0 =	rddreg [dreg:$0x0]  }
0x2: {  	s1 =	rddreg [dreg:$0x1];
	s2 =	srdreg.scid  }
0x3: {  	s3 =	rddreg [dreg:$0x3];
	s13 =	stileid.u32  }
0x4: {  	s4 =	simm.s32 $0x0;
	s28 =	simm.s32 $0x2800;
	s29 =	simm.s32 $0x40  }
0x5: {  	s30 =	simm.s32 $0x2880;
	s31 =	simm.s32 $0x4A00;
	s2 =	sand.u32 $0x1, s2  }
0x6: {  	[smem:$0x7FF] =	sst s4;
	s10 =	smul.u32 $0x50000, s13;
	s11 =	sadd.s32 $0x3200, s0  }
0x7: {  	s15 =	smul.u32 $0xA0, s13;
	s5 =	sshll.u32 s2, $0x4;
	s7 =	ssub.s32 $0x2, s2  }
0x8: {  	_ =	strace $0x8000004D;
	p1 =	seq.s32 s2, $0x1;
	s2 =	smul.u32 $0xA00, s2  }
0x9: {  	s6 =	sor.u32 s13, s5;
	s9 =	sshrl.u32 s7, $0x1;
	s19 =	sshrl.u32 s10, $0x2  }
0xa: {  	s5 =	sadd.s32 $0xD000, s0;
	s9 =	ssub.s32 s7, s9;
	s7 =	sadd.s32 s19, s3  }
0xb: {  	s10 =	simm.s32 $0xA;
	s8 =	smul.u32 $0x2800, s6;
	s20 =	sadd.s32 $0x2000, s7  }
0xc: {  	p0 =	seq.s32 s6, $0x1F;
	s21 =	sadd.s32 $0x4000, s7;
	[dreg:$0xb] =	wrdreg s20  }
0xd: {  	s6 =	smul.u32 $0x500, s6;
	s22 =	sadd.s32 $0x6000, s7;
	[dreg:$0xc] =	wrdreg s21  }
0xe: {  	s2 =	sadd.s32 s15, s2;
	s23 =	sadd.s32 $0x8000, s7;
	[dreg:$0xd] =	wrdreg s22  }
0xf: {  	s19 =	smul.u32 $0x2800, s13;
	s24 =	sadd.s32 $0xA000, s7;
	[dreg:$0xe] =	wrdreg s23  }
0x10: {  	s13 =	simm.s32 $0x0;
	s25 =	sadd.s32 $0xC000, s7;
	[dreg:$0xf] =	wrdreg s24  }
0x11: {  	s10 =	simm.s32 @!p0 $0x28;
	s12 =	sadd.s32 $0xE000, s7;
	[dreg:$0x10] =	wrdreg s25  }
0x12: {  	s14 =	sadd.s32 $0x10000, s7;
	s16 =	sadd.s32 $0x12000, s7;
	[dreg:$0x11] =	wrdreg s12  }
0x13: {  	s8 =	sshrl.u32 s8, $0x3;
	s26 =	sadd.s32 $0xFFFFFFFF, s10;
	[dreg:$0x12] =	wrdreg s14  }
0x14: {  	[dreg:$0x13] =	wrdreg s16;
	s18 =	sadd.s32 s6, s11;
	s20 =	smax.u32 s9, $0x1  }
0x15: {  	s21 =	sshll.u32 s2, $0x3;
	s22 =	sshll.u32 s10, $0xA;
	[dreg:$0x5] =	wrdreg s26  }
0x16: {  	s24 =	simm.s32 $0x2900;
	s2 =	simm.s32 $0x2980;
	[dreg:$0x16] =	wrdreg s20  }
0x17: {  	s9 =	simm.s32 $0x4;
	s10 =	simm.s32 $0x5;
	[dreg:$0x6] =	wrdreg s22  }
0x18: {  	s12 =	simm.s32 $0x7;
	s1 =	sadd.s32 s1, s8;
	[dreg:$0x7] =	wrdreg s24  }
0x19: {  	s6 =	simm.s32 $0x8;
	[dreg:$0x9] =	wrdreg s1;
	s1 =	sadd.s32 $0x140, s1  }
0x1a: {  	s17 =	sadd.s32 s11, s8;
	[dreg:$0xa] =	wrdreg s1;
	s1 =	simm.s32 $0x5C200  }
0x1b: {  	s26 =	simm.s32 $0x6A00;
	[dreg:$0x14] =	wrdreg s17;
	s1 =	simm.s32 @!p1 $0x34200  }
0x1c: {  	[dreg:$0x8] =	wrdreg s26;
	s0 =	sadd.s32 s1, s0;
	s1 =	sadd.s32 $0x8, s18  }
0x1d: {  	s8 =	simm.s32 $0x2;
	s26 =	simm.s32 $0x2A00;
	[dreg:$0x15] =	wrdreg s1  }
0x1e: {  	s0 =	sadd.s32 s0, s19;
	s1 =	sadd.s32 s21, s11;
	s11 =	simm.s32 $0x6  }
0x1f: {  	[dreg:$0x17] =	wrdreg s0;
	s23 =	sadd.s32 $0x18, s1;
	s25 =	sadd.s32 $0x10, s1  }
0x20: {  	s14 =	sadd.s32 $0x20, s1;
	s0 =	simm.s32 $0x1;
	[dreg:$0x18] =	wrdreg s23  }
0x21: {  	s1 =	simm.s32 $0x8A00;
	[dreg:$0x19] =	wrdreg s25;
	s25 =	simm.s32 $0x9  }
.LBB2_1:
0x22: {  	s15 =	rddreg [dreg:$0x9]  }
0x23: {  	[tilespmem:s4], [sflag:$0x9] =	stream.linear.gather [hbm4b:s15+s4], $0xA00, $0x38;
	[tilespmem:$0x1EA00] =	vst v63  }
0x24: {  	_ =	swait.ge [sflag:s25], $0xA00  }
0x25: {  	s17 =	simm.s32 @!p0 $0x0;
	[sflag:s25] =	ssyncset.done $0x0  }
0x26: {  	s18 =	simm.s32 @!p0 $0xA00;
	s15 =	rddreg [dreg:$0xa];
	[sflag:s25] =	ssyncadd.s32 $0xFFFFF600  }
0x27: {  	[tilespmem:s18], [sflag:$0x9] =	stream.linear.gather @!p0 [hbm4b:s15+s17], $0x1E00, $0x38;
	[tilespmem:$0x1EA00] =	vst v63  }
0x28: {  	s17 =	simm.s32 @!p0 $0x9  }
0x29: {  	_ =	swait.ge @!p0 [sflag:s17], $0x1E00  }
0x2a: {  	[sflag:s17] =	ssyncset.done @!p0 $0x0  }
0x2b: {  	[sflag:s17] =	ssyncadd.s32 @!p0 $0xFFFFE200  }
0x2c: {  	s22 =	rddreg [dreg:$0x2]  }
0x2d: {  	[tilespmem:s26], [sflag:$0x9] =	stream.linear.gather [hbm4b:s22+s4], $0x2000, $0x38;
	[tilespmem:$0x1EA00] =	vst v63  }
0x2e: {  	_ =	swait.ge [sflag:s25], $0x2000  }
0x2f: {  	[sflag:s25] =	ssyncset.done $0x0  }
0x30: {  	[sflag:s25] =	ssyncadd.s32 $0xFFFFE000  }
0x31: {  	[spmem:s7] =	stream.linear.scatter [tilespmem:s26], [sflag:$0x9], $0x2000, $0x38;
	[tilespmem:$0x1EA00] =	vst v63  }
0x32: {  	_ =	swait.ge [sflag:s25], $0x2000  }
0x33: {  	[sflag:s25] =	ssyncset.done $0x0  }
0x34: {  	s23 =	rddreg [dreg:$0xb];
	[sflag:s25] =	ssyncadd.s32 $0xFFFFE000  }
0x35: {  	[spmem:s23] =	stream.linear.scatter [tilespmem:s26], [sflag:$0x9], $0x2000, $0x38;
	[tilespmem:$0x1EA00] =	vst v63  }
0x36: {  	_ =	swait.ge [sflag:s25], $0x2000  }
0x37: {  	[sflag:s25] =	ssyncset.done $0x0  }
0x38: {  	s24 =	rddreg [dreg:$0xc];
	[sflag:s25] =	ssyncadd.s32 $0xFFFFE000  }
0x39: {  	[spmem:s24] =	stream.linear.scatter [tilespmem:s26], [sflag:$0x9], $0x2000, $0x38;
	[tilespmem:$0x1EA00] =	vst v63  }
0x3a: {  	_ =	swait.ge [sflag:s25], $0x2000  }
0x3b: {  	[sflag:s25] =	ssyncset.done $0x0  }
0x3c: {  	s16 =	rddreg [dreg:$0xd];
	[sflag:s25] =	ssyncadd.s32 $0xFFFFE000  }
0x3d: {  	[spmem:s16] =	stream.linear.scatter [tilespmem:s26], [sflag:$0x9], $0x2000, $0x38;
	[tilespmem:$0x1EA00] =	vst v63  }
0x3e: {  	_ =	swait.ge [sflag:s25], $0x2000  }
0x3f: {  	[sflag:s25] =	ssyncset.done $0x0  }
0x40: {  	s17 =	rddreg [dreg:$0xe];
	[sflag:s25] =	ssyncadd.s32 $0xFFFFE000  }
0x41: {  	[spmem:s17] =	stream.linear.scatter [tilespmem:s26], [sflag:$0x9], $0x2000, $0x38;
	[tilespmem:$0x1EA00] =	vst v63  }
0x42: {  	_ =	swait.ge [sflag:s25], $0x2000  }
0x43: {  	[sflag:s25] =	ssyncset.done $0x0  }
0x44: {  	s18 =	rddreg [dreg:$0xf];
	[sflag:s25] =	ssyncadd.s32 $0xFFFFE000  }
0x45: {  	[spmem:s18] =	stream.linear.scatter [tilespmem:s26], [sflag:$0x9], $0x2000, $0x38;
	[tilespmem:$0x1EA00] =	vst v63  }
0x46: {  	_ =	swait.ge [sflag:s25], $0x2000  }
0x47: {  	[sflag:s25] =	ssyncset.done $0x0  }
0x48: {  	s19 =	rddreg [dreg:$0x10];
	[sflag:s25] =	ssyncadd.s32 $0xFFFFE000  }
0x49: {  	[spmem:s19] =	stream.linear.scatter [tilespmem:s26], [sflag:$0x9], $0x2000, $0x38;
	[tilespmem:$0x1EA00] =	vst v63  }
0x4a: {  	_ =	swait.ge [sflag:s25], $0x2000  }
0x4b: {  	[sflag:s25] =	ssyncset.done $0x0  }
0x4c: {  	s20 =	rddreg [dreg:$0x11];
	[sflag:s25] =	ssyncadd.s32 $0xFFFFE000  }
0x4d: {  	[spmem:s20] =	stream.linear.scatter [tilespmem:s26], [sflag:$0x9], $0x2000, $0x38;
	[tilespmem:$0x1EA00] =	vst v63  }
0x4e: {  	_ =	swait.ge [sflag:s25], $0x2000  }
0x4f: {  	[sflag:s25] =	ssyncset.done $0x0  }
0x50: {  	s21 =	rddreg [dreg:$0x12];
	[sflag:s25] =	ssyncadd.s32 $0xFFFFE000  }
0x51: {  	[spmem:s21] =	stream.linear.scatter [tilespmem:s26], [sflag:$0x9], $0x2000, $0x38;
	[tilespmem:$0x1EA00] =	vst v63  }
0x52: {  	_ =	swait.ge [sflag:s25], $0x2000  }
0x53: {  	[sflag:s25] =	ssyncset.done $0x0  }
0x54: {  	s22 =	rddreg [dreg:$0x13];
	[sflag:s25] =	ssyncadd.s32 $0xFFFFE000  }
0x55: {  	[spmem:s22] =	stream.linear.scatter [tilespmem:s26], [sflag:$0x9], $0x2000, $0x38;
	[tilespmem:$0x1EA00] =	vst v63  }
0x56: {  	_ =	swait.ge [sflag:s25], $0x2000  }
0x57: {  	[sflag:s25] =	ssyncset.done $0x0  }
0x58: {  	[sflag:s25] =	ssyncadd.s32 $0xFFFFE000  }
0x59: {  	[bflag:$0x0] =	sbarrier.arrive $0xFFFF  }
0x5a: {  	s23 =	rddreg [dreg:$0x14]  }
0x5b: {  	[tilespmem:s28], [sflag:$0x1] =	stream.linear.gather [hbm4b:s23+s4], $0x40, $0x38;
	[tilespmem:$0x1EA00] =	vst v63  }
0x5c: {  	s24 =	rddreg [dreg:$0x15]  }
0x5d: {  	[tilespmem:s26], [sflag:$0x1] =	stream.indirect.gather [hbm4b:s5+s29], $0x80, s4, s29, $0xb8;
	[tilespmem:$0x1EA00] =	vst v63  }
0x5e: {  	s17 =	simm.s32 $0x0;
	s22 =	rddreg [dreg:$0x18]  }
0x5f: {  	[tilespmem:s30], [sflag:$0x2] =	stream.linear.gather [hbm4b:s24+s4], $0x40, $0x38;
	[tilespmem:$0x1EA00] =	vst v63  }
0x60: {  	s18 =	simm.s32 $0x0;
	s23 =	rddreg [dreg:$0x19];
	s24 =	smov.u32 s14  }
0x61: {  	[tilespmem:s31], [sflag:$0x2] =	stream.indirect.gather [hbm4b:s5+s29], $0x80, s29, s29, $0xb8;
	[tilespmem:$0x1EA00] =	vst v63  }
.LBB2_2:
0x62: {  	p1 =	seq.s32 s17, $0x0  }
0x63: {  	s19 =	simm.s32 @!p1 $0x7  }
0x64: {  	_ =	swait.ge @!p1 [sflag:s19], $0x2000  }
0x65: {  	[sflag:s19] =	ssyncset.done @!p1 $0x0  }
0x66: {  	s15 =	sshra.s32 s17, $0x2;
	s20 =	rddreg [dreg:$0x7];
	[sflag:s19] =	ssyncadd.s32 @!p1 $0xFFFFE000  }
0x67: {  	[tilespmem:s20], [sflag:$0x3] =	stream.linear.gather [hbm4b:s23+s4], $0x40, $0x38;
	[tilespmem:$0x1EA00] =	vst v63  }
0x68: {  	s21 =	sadd.s32 $0x80, s15;
	s20 =	rddreg [dreg:$0x8]  }
0x69: {  	[tilespmem:s20], [sflag:$0x3] =	stream.indirect.gather [hbm4b:s5+s29], $0x80, s21, s29, $0xb8;
	[tilespmem:$0x1EA00] =	vst v63  }
0x6a: {  	_ =	swait.ge [sflag:s0], $0x40  }
0x6b: {  	[sflag:s0] =	ssyncset.done $0x0  }
0x6c: {  	[sflag:s0] =	ssyncadd.s32 $0xFFFFFFC0  }
0x6d: {  	_ =	swait.ge [sflag:s0], $0x2000  }
0x6e: {  	[sflag:s0] =	ssyncset.done $0x0  }
0x6f: {  	s19 =	simm.s32 @!p1 $0x8;
	[sflag:s0] =	ssyncadd.s32 $0xFFFFE000  }
0x70: {  	[spmem:s3] =	stream.indirect.scatter.add.f32 [tilespmem:s26], [sflag:$0x5], $0x80, s28, s29, $0xb8;
	[tilespmem:$0x1EA00] =	vst v63  }
0x71: {  	_ =	swait.ge @!p1 [sflag:s19], $0x2000  }
0x72: {  	[sflag:s19] =	ssyncset.done @!p1 $0x0  }
0x73: {  	[sflag:s19] =	ssyncadd.s32 @!p1 $0xFFFFE000  }
0x74: {  	[tilespmem:s2], [sflag:$0x4] =	stream.linear.gather [hbm4b:s22+s4], $0x40, $0x38;
	[tilespmem:$0x1EA00] =	vst v63  }
0x75: {  	s16 =	sadd.s32 $0xC0, s15  }
0x76: {  	[tilespmem:s1], [sflag:$0x4] =	stream.indirect.gather [hbm4b:s5+s29], $0x80, s16, s29, $0xb8;
	[tilespmem:$0x1EA00] =	vst v63  }
0x77: {  	_ =	swait.ge [sflag:s8], $0x40  }
0x78: {  	[sflag:s8] =	ssyncset.done $0x0  }
0x79: {  	[sflag:s8] =	ssyncadd.s32 $0xFFFFFFC0  }
0x7a: {  	_ =	swait.ge [sflag:s8], $0x2000  }
0x7b: {  	[sflag:s8] =	ssyncset.done $0x0;
	s20 =	rddreg [dreg:$0x5]  }
0x7c: {  	[sflag:s8] =	ssyncadd.s32 $0xFFFFE000;
	p1 =	sge.u32 s18, s20  }
0x7d: {  	[spmem:s3] =	stream.indirect.scatter.add.f32 [tilespmem:s31], [sflag:$0x6], $0x80, s30, s29, $0xb8;
	[tilespmem:$0x1EA00] =	vst v63  }
0x7e: {  	s19 =	simm.s32 @p1 $0x3  }
0x7f: {  	_ =	swait.ge @p1 [sflag:s19], $0x40  }
0x80: {  	[sflag:s19] =	ssyncset.done @p1 $0x0  }
0x81: {  	[sflag:s19] =	ssyncadd.s32 @p1 $0xFFFFFFC0  }
0x82: {  	_ =	swait.ge @p1 [sflag:s19], $0x2000  }
0x83: {  	s20 =	simm.s32 @p1 $0x2900;
	[sflag:s19] =	ssyncset.done @p1 $0x0  }
0x84: {  	s21 =	simm.s32 @p1 $0x6A00;
	[sflag:s19] =	ssyncadd.s32 @p1 $0xFFFFE000;
	s19 =	simm.s32 @p1 $0x40  }
0x85: {  	[spmem:s3] =	stream.indirect.scatter.add.f32 @p1 [tilespmem:s21], [sflag:$0x7], $0x80, s20, s19, $0xb8;
	[tilespmem:$0x1EA00] =	vst v63  }
0x86: {  	s19 =	simm.s32 @!p1 $0x5  }
0x87: {  	_ =	swait.ge @!p1 [sflag:s19], $0x2000  }
0x88: {  	[sflag:s19] =	ssyncset.done @!p1 $0x0  }
0x89: {  	s20 =	simm.s32 @!p1 $0x2800;
	[sflag:s19] =	ssyncadd.s32 @!p1 $0xFFFFE000;
	s19 =	simm.s32 @!p1 $0x0  }
0x8a: {  	[tilespmem:s20], [sflag:$0x1] =	stream.linear.gather @!p1 [hbm4b:s24+s19], $0x40, $0x38;
	[tilespmem:$0x1EA00] =	vst v63  }
0x8b: {  	s20 =	sshra.s32 @!p1 s17, $0x2  }
0x8c: {  	s16 =	simm.s32 @!p1 $0x40;
	s15 =	simm.s32 @!p1 $0x2A00;
	s21 =	sadd.s32 @!p1 $0x100, s20  }
0x8d: {  	[tilespmem:s15], [sflag:$0x1] =	stream.indirect.gather @!p1 [hbm4b:s5+s16], $0x80, s21, s16, $0xb8;
	[tilespmem:$0x1EA00] =	vst v63  }
0x8e: {  	s15 =	simm.s32 @!p1 $0x3  }
0x8f: {  	_ =	swait.ge @!p1 [sflag:s15], $0x40  }
0x90: {  	[sflag:s15] =	ssyncset.done @!p1 $0x0  }
0x91: {  	[sflag:s15] =	ssyncadd.s32 @!p1 $0xFFFFFFC0  }
0x92: {  	_ =	swait.ge @!p1 [sflag:s15], $0x2000  }
0x93: {  	[sflag:s15] =	ssyncset.done @!p1 $0x0  }
0x94: {  	s21 =	simm.s32 @!p1 $0x6A00;
	[sflag:s15] =	ssyncadd.s32 @!p1 $0xFFFFE000;
	s15 =	simm.s32 @!p1 $0x2900  }
0x95: {  	[spmem:s3] =	stream.indirect.scatter.add.f32 @!p1 [tilespmem:s21], [sflag:$0x7], $0x80, s15, s16, $0xb8;
	[tilespmem:$0x1EA00] =	vst v63  }
0x96: {  	s15 =	simm.s32 @!p1 $0x6  }
0x97: {  	_ =	swait.ge @!p1 [sflag:s15], $0x2000  }
0x98: {  	[sflag:s15] =	ssyncset.done @!p1 $0x0  }
0x99: {  	s21 =	simm.s32 @!p1 $0x2880;
	[sflag:s15] =	ssyncadd.s32 @!p1 $0xFFFFE000;
	s15 =	sadd.s32 @!p1 $0x10, s22  }
0x9a: {  	[tilespmem:s21], [sflag:$0x2] =	stream.linear.gather @!p1 [hbm4b:s15+s19], $0x40, $0x38;
	[tilespmem:$0x1EA00] =	vst v63  }
0x9b: {  	s15 =	sadd.s32 @!p1 $0x140, s20;
	s19 =	simm.s32 @!p1 $0x4A00  }
0x9c: {  	[tilespmem:s19], [sflag:$0x2] =	stream.indirect.gather @!p1 [hbm4b:s5+s16], $0x80, s15, s16, $0xb8;
	[tilespmem:$0x1EA00] =	vst v63  }
0x9d: {  	_ =	swait.ge [sflag:s9], $0x40  }
0x9e: {  	[sflag:s9] =	ssyncset.done $0x0  }
0x9f: {  	[sflag:s9] =	ssyncadd.s32 $0xFFFFFFC0  }
0xa0: {  	_ =	swait.ge [sflag:s9], $0x2000  }
0xa1: {  	s17 =	sadd.s32 $0x400, s17;
	s21 =	rddreg [dreg:$0x6]  }
0xa2: {  	p1 =	sne.s32 s21, s17  }
.Ltmp0:
0xa3: {  	_ = 	snop;
	(pc) =	sbr.rel @p1 .LBB2_2-.Ltmp0, $4  }
0xa4: {  	_ = 	snop  }
0xa5: {  	s23 =	sadd.s32 $0x20, s23;
	s18 =	sadd.s32 $0x1, s18;
	[sflag:s9] =	ssyncset.done $0x0  }
0xa6: {  	s24 =	sadd.s32 $0x20, s24;
	s22 =	sadd.s32 $0x20, s22;
	[sflag:s9] =	ssyncadd.s32 $0xFFFFE000  }
0xa7: {  	[spmem:s3] =	stream.indirect.scatter.add.f32 [tilespmem:s1], [sflag:$0x8], $0x80, s2, s29, $0xb8;
	[tilespmem:$0x1EA00] =	vst v63  }
0xa8: {  	_ =	swait.ge [sflag:s10], $0x2000  }
0xa9: {  	[sflag:s10] =	ssyncset.done $0x0  }
0xaa: {  	[sflag:s10] =	ssyncadd.s32 $0xFFFFE000  }
0xab: {  	_ =	swait.ge [sflag:s11], $0x2000  }
0xac: {  	[sflag:s11] =	ssyncset.done $0x0  }
0xad: {  	[sflag:s11] =	ssyncadd.s32 $0xFFFFE000  }
0xae: {  	_ =	swait.ge [sflag:s12], $0x2000  }
0xaf: {  	[sflag:s12] =	ssyncset.done $0x0  }
0xb0: {  	[sflag:s12] =	ssyncadd.s32 $0xFFFFE000  }
0xb1: {  	_ =	swait.ge [sflag:s6], $0x2000  }
0xb2: {  	[sflag:s6] =	ssyncset.done $0x0  }
0xb3: {  	s15 =	stileid.u32;
	[sflag:s6] =	ssyncadd.s32 $0xFFFFE000  }
0xb4: {  	s15 =	sshll.u32 s15, $0x6;
	[bflag:$0x0] =	sbarrier.arrive $0xFFFF  }
0xb5: {  	s16 =	sshrl.u32 s7, $0x3;
	s15 =	sor.u32 $0x1C09, s15;
	s17 =	rddreg [dreg:$0x17]  }
0xb6: {  	[hbm:s17], [sflag:s15] =	dma.local [spmem:s16], $0x2800  }
0xb7: {  	_ =	swait.ge [sflag:s25], $0x2800  }
0xb8: {  	s13 =	sadd.s32 $0x1, s13;
	s24 =	rddreg [dreg:$0x16]  }
0xb9: {  	p1 =	sne.s32 s13, s24  }
.Ltmp1:
0xba: {  	_ = 	snop;
	(pc) =	sbr.rel @p1 .LBB2_1-.Ltmp1, $3  }
0xbb: {  	_ =	sdelay $0x1  }
0xbc: {  	[sflag:s25] =	ssyncset.done $0x0  }
0xbd: {  	[sflag:s25] =	ssyncadd.s32 $0xFFFFD800  }
0xbe: {  	_ =	sfence.sel $0x180000  }
0xbf: {  	[bflag:$0x0] =	sbarrier.arrive $0xFFFF  }
0xc0: {  	_ =	strace $0x9000004D  }
0xc1: {  	s0 =	stileid.u32;
	[bflag:$0x2] =	sbarrier.arrive $0xFFFF  }
0xc2: {  	p0 =	sne.s32 s0, $0x0;
	s0 =	rddreg [dreg:$0x4]  }
0xc3: {  	s0 =	sadd.s32 @!p0 $0x100000, s0  }
0xc4: {  	[sflag:s0] =	ssyncadd.tile.s32 @!p0 $0x1;
	_ =	shalt  }
.Lfunc_end2:
_tile_overlayer_lowered:
.L_overlay_start_2:
0xc5: {  	(tag) =	ssettag $0x2  }
0xc6: {  	s0 =	rddreg [dreg:$0x0];
	s2 =	stileid.u32  }
0xc7: {  	s1 =	rddreg [dreg:$0x1];
	p0 =	sne.s32 s2, $0x0  }
0xc8: {  	s3 =	rddreg [dreg:$0x2];
	[bflag:$0x3] =	sbarrier.arrive $0xFFFF;
	s2 =	simm.s32 @!p0 $0x1C09  }
0xc9: {  	[timem:s3], [sflag:s2] =	dma.local @!p0 [hbm:s0], s1  }
0xca: {  	s0 =	simm.s32 @!p0 $0x9  }
0xcb: {  	_ =	swait.ge @!p0 [sflag:s0], s1  }
0xcc: {  	s1 =	ssub.s32 @!p0 $0x0, s1;
	[sflag:s0] =	ssyncset.done @!p0 $0x0  }
0xcd: {  	[sflag:s0] =	ssyncadd.s32 @!p0 s1  }
0xce: {  	[bflag:$0x3] =	sbarrier.arrive $0xFFFF  }
0xcf: {  	_ =	shalt  }

// kernel: kernel.8.cloned.1.call-start
scs
__scs_entry_jumppad:
0x0: {  	(pc) =	sbr.rel $0x88, $3  }
0x1: {  	(tag) =	ssettag $0x0;
	lr =	simm.s32 $0x1  }
0x2: {  	[smem:$0x3F99] =	sst lr;
	_ =	strace $0xD0000000  }
0x3: {  	_ = 	snop  }
0x4: {  	_ = 	snop  }
0x5: {  	_ = 	snop  }
0x6: {  	_ = 	snop  }
0x7: {  	_ = 	snop  }
__scs_overlays_trampoline_lowered:
0x8: {  	[smem:$0x3FA8] =	sst s0  }
0x9: {  	[smem:$0x3FA9] =	sst s1  }
0xa: {  	[smem:$0x3FAA] =	sst s2  }
0xb: {  	[smem:$0x3FAB] =	sst s3  }
0xc: {  	[smem:$0x3FAC] =	sst s4  }
0xd: {  	[smem:$0x3FAD] =	sst s5  }
0xe: {  	[smem:$0x3FAE] =	sst s6  }
0xf: {  	[smem:$0x3FAF] =	sst s7  }
0x10: {  	[smem:$0x3FB0] =	sst s8  }
0x11: {  	[smem:$0x3FB1] =	sst s9;
	s0 =	simm.s32 @!p0 $0x0  }
0x12: {  	s1 =	sld [smem:$0x3F97];
	s0 =	simm.s32 @p0 $0x1  }
0x13: {  	[smem:$0x3FB2] =	sst s0;
	s0 =	simm.s32 @!p1 $0x0  }
0x14: {  	s2 =	sld [smem:$0x3F96];
	s0 =	simm.s32 @p1 $0x1  }
0x15: {  	[smem:$0x3FB3] =	sst s0;
	s0 =	simm.s32 @!p2 $0x0  }
0x16: {  	s3 =	sld [smem:$0x3FDB];
	s0 =	simm.s32 @p2 $0x1  }
0x17: {  	s4 =	simm.s32 $0x1BF5;
	[smem:$0x3FB5] =	sst s0  }
0x18: {  	s0 =	sld [smem:$0x3F98];
	_ =	swait.ge [sflag:s4], $0x0  }
0x19: {  	s7 =	sld [smem:$0x3F99]  }
0x1a: {  	s8 =	sadd.s32 $0xFFFFE003, lr  }
0x1b: {  	s9 =	sadd.s32 $0xFFFFFEF7, lr;
	s5 =	simm.s32 $0xFFFFFFFF;
	p2 =	slt.u32 s8, $0xFFFFF086  }
0x1c: {  	p1 =	slt.u32 s9, $0xF7A;
	s5 =	simm.s32 @!p2 $0x0  }
0x1d: {  	s5 =	simm.s32 @p1 $0x1;
	p0 =	seq.s32 s7, s2  }
0x1e: {  	s7 =	smul.u32 @!p0 $0xF7A, s2;
	p2 =	seq.s32 @!p0 s5, $0x0  }
0x1f: {  	s9 =	smul.u32 $0xF7A, s1;
	s8 =	simm.s32 @!p0 $0x1BF5;
	p2 =	por !p2, p0  }
0x20: {  	[sflag:s8] =	ssyncset.s32 @!p0 $0xFFFFF086;
	s6 =	sadd.s32 @!p0 s3, s7;
	s7 =	simm.s32 @!p0 $0x108  }
0x21: {  	s3 =	sadd.s32 s3, s9;
	s6 =	sadd.s32 @!p0 $0x88, s6;
	s7 =	simm.s32 @p2 $0x1082  }
0x22: {  	[simem:s7], [sflag:s8] =	dma.local @!p0 [hbm:s6], $0xF7A  }
0x23: {  	s9 =	sor.u32 $0xD0000000, s2;
	s6 =	simm.s32 $0x108;
	_ =	swait.ge @!p0 [sflag:s8], $0x0  }
0x24: {  	s3 =	sadd.s32 $0x88, s3;
	s6 =	simm.s32 @!p1 $0x1082;
	[sflag:s4] =	ssyncset.s32 $0xFFFFF086  }
0x25: {  	[simem:s6], [sflag:s4] =	dma.local [hbm:s3], $0xF7A  }
0x26: {  	[smem:$0x3F99] =	sst s1;
	(tag) =	ssettag s2;
	_ =	strace s9  }
0x27: {  	s1 =	sld [smem:$0x3FA9]  }
0x28: {  	s2 =	sld [smem:$0x3FAA]  }
0x29: {  	s4 =	sld [smem:$0x3FAC]  }
0x2a: {  	p0 =	seq.s32 s5, $0x0;
	s5 =	sld [smem:$0x3FAD]  }
0x2b: {  	s6 =	sld [smem:$0x3FAE]  }
0x2c: {  	s7 =	sld [smem:$0x3FAF]  }
0x2d: {  	s3 =	simm.s32 $0x108;
	s8 =	sld [smem:$0x3FB0]  }
0x2e: {  	s3 =	simm.s32 @!p0 $0x1082;
	s9 =	sld [smem:$0x3FB1]  }
0x2f: {  	lr =	sadd.s32 s0, s3;
	s0 =	sld [smem:$0x3FA8]  }
0x30: {  	s3 =	sld [smem:$0x3FAB]  }
0x31: {  	[smem:$0x3FB4] =	sst s10  }
0x32: {  	s10 =	sld [smem:$0x3FB2];
	_ =	sdelay $0x3  }
0x33: {  	p0 =	seq.s32 s10, $0x1;
	s10 =	sld [smem:$0x3FB4];
	_ =	sdelay $0x3  }
0x34: {  	[smem:$0x3FB4] =	sst s10  }
0x35: {  	s10 =	sld [smem:$0x3FB3];
	_ =	sdelay $0x3  }
0x36: {  	p1 =	seq.s32 s10, $0x1;
	s10 =	sld [smem:$0x3FB4];
	_ =	sdelay $0x3  }
0x37: {  	[smem:$0x3FB4] =	sst s10  }
0x38: {  	s10 =	sld [smem:$0x3FB5]  }
0x39: {  	_ = 	snop;
	(pc) =	sbr.ind lr, $3  }
0x3a: {  	_ = 	snop  }
0x3b: {  	_ = 	snop  }
0x3c: {  	p2 =	seq.s32 s10, $0x1;
	s10 =	sld [smem:$0x3FB4]  }
0x3d: {  	_ =	shalt  }
0x3e: {  	_ =	shalt  }
0x3f: {  	_ =	shalt  }
0x40: {  	_ =	shalt  }
0x41: {  	_ =	shalt  }
0x42: {  	_ =	shalt  }
0x43: {  	_ =	shalt  }
0x44: {  	_ =	shalt  }
0x45: {  	_ =	shalt  }
0x46: {  	_ =	shalt  }
0x47: {  	_ =	shalt  }
0x48: {  	_ =	shalt  }
0x49: {  	_ =	shalt  }
0x4a: {  	_ =	shalt  }
0x4b: {  	_ =	shalt  }
0x4c: {  	_ =	shalt  }
0x4d: {  	_ =	shalt  }
0x4e: {  	_ =	shalt  }
0x4f: {  	_ =	shalt  }
0x50: {  	_ =	shalt  }
0x51: {  	_ =	shalt  }
0x52: {  	_ =	shalt  }
0x53: {  	_ =	shalt  }
0x54: {  	_ =	shalt  }
0x55: {  	_ =	shalt  }
0x56: {  	_ =	shalt  }
0x57: {  	_ =	shalt  }
0x58: {  	_ =	shalt  }
0x59: {  	_ =	shalt  }
0x5a: {  	_ =	shalt  }
0x5b: {  	_ =	shalt  }
0x5c: {  	_ =	shalt  }
0x5d: {  	_ =	shalt  }
0x5e: {  	_ =	shalt  }
0x5f: {  	_ =	shalt  }
0x60: {  	_ =	shalt  }
0x61: {  	_ =	shalt  }
0x62: {  	_ =	shalt  }
0x63: {  	_ =	shalt  }
0x64: {  	_ =	shalt  }
0x65: {  	_ =	shalt  }
0x66: {  	_ =	shalt  }
0x67: {  	_ =	shalt  }
0x68: {  	_ =	shalt  }
0x69: {  	_ =	shalt  }
0x6a: {  	_ =	shalt  }
0x6b: {  	_ =	shalt  }
0x6c: {  	_ =	shalt  }
0x6d: {  	_ =	shalt  }
0x6e: {  	_ =	shalt  }
0x6f: {  	_ =	shalt  }
0x70: {  	_ =	shalt  }
0x71: {  	_ =	shalt  }
0x72: {  	_ =	shalt  }
0x73: {  	_ =	shalt  }
0x74: {  	_ =	shalt  }
0x75: {  	_ =	shalt  }
0x76: {  	_ =	shalt  }
0x77: {  	_ =	shalt  }
0x78: {  	_ =	shalt  }
0x79: {  	_ =	shalt  }
0x7a: {  	_ =	shalt  }
0x7b: {  	_ =	shalt  }
0x7c: {  	_ =	shalt  }
0x7d: {  	_ =	shalt  }
0x7e: {  	_ =	shalt  }
0x7f: {  	_ =	shalt  }
0x80: {  	_ =	shalt  }
0x81: {  	_ =	shalt  }
0x82: {  	_ =	shalt  }
0x83: {  	_ =	shalt  }
0x84: {  	_ =	shalt  }
0x85: {  	_ =	shalt  }
0x86: {  	_ =	shalt  }
0x87: {  	_ =	shalt  }
.Lfunc_end0:
.L_simem_size_0:
called_computation_lowered:
.L_overlay_start_0:
0x88: {  	s2 =	sld [smem:$0x3FD9]  }
0x89: {  	s3 =	sld [smem:$0x3FFE];
	_ =	sdelay $0x1  }
0x8a: {  	s1 =	srdreg.scid  }
0x8b: {  	s0 =	sand.u32 $0x1, s1  }
0x8c: {  	s14 =	sshll.u32 s0, $0xA;
	s2 =	sadd.s32 s3, s2  }
0x8d: {  	s2 =	sadd.s32 s2, s14  }
0x8e: {  	[smem:$0x3FC0] =	sst s2  }
0x8f: {  	_ = 	snop  }
0x90: {  	s2 =	sld [smem:$0x3FD0];
	_ =	sdelay $0x2  }
0x91: {  	s15 =	simm.s32 $0xA;
	s4 =	simm.s32 $0x10  }
0x92: {  	[smem:s4], [sflag:s15] =	dma.local [hbm:s2], $0x1  }
0x93: {  	_ =	swait.eq [sflag:s15], $0x1  }
0x94: {  	[sflag:s15] =	ssyncset.done $0x0  }
0x95: {  	[sflag:s15] =	ssyncadd.s32 $0xFFFFFFFF  }
0x96: {  	s16 =	sld [smem:$0x11];
	(tm) =	ssettm $0x1  }
0x97: {  	s17 =	sld [smem:$0x3FFB];
	_ =	sdelay $0x3  }
0x98: {  	_ =	strace s17  }
0x99: {  	s3 =	sld [smem:$0x3FFC];
	_ =	sdelay $0x3  }
0x9a: {  	_ =	strace s3  }
0x9b: {  	s3 =	sld [smem:$0x3FFD];
	_ =	sdelay $0x3  }
0x9c: {  	_ =	strace s3  }
0x9d: {  	_ =	strace $0x8FFFFFFF  }
0x9e: {  	s18 =	sld [smem:$0x3FDB];
	_ =	sdelay $0x1  }
0x9f: {  	s19 =	simm.s32 $_scs_section_size  }
0xa0: {  	s5 =	simm.s32 $_size__tile_overlayer_lowered;
	s6 =	simm.s32 $_tile_overlayer_lowered  }
0xa1: {  	s22 =	simm.s32 $0x1BFF;
	s21 =	sshll.u32 s6, $0x1;
	s3 =	sadd.s32 s19, s18  }
0xa2: {  	s7 =	simm.s32 $0x0;
	s20 =	sshll.u32 s5, $0x1;
	s5 =	sadd.s32 s21, s3  }
0xa3: {  	[timem:s7], [sflag:s22] =	dma.local [hbm:s5], s20  }
0xa4: {  	_ =	swait.ge [sflag:s22], s20  }
0xa5: {  	s4 =	ssub.s32 $0x0, s20;
	[sflag:s22] =	ssyncset.done $0x0  }
0xa6: {  	[sflag:s22] =	ssyncadd.s32 s4;
	_ =	sdelay $0x1  }
0xa7: {  	s23 =	simm.s32 $0x1B8B  }
0xa8: {  	_ =	swait.ge [sflag:s23], $0x1  }
0xa9: {  	[sflag:s23] =	ssyncset.done $0x0  }
0xaa: {  	s25 =	simm.s32 $0x1B8E;
	s24 =	sld [smem:$0x3FFE];
	[sflag:s23] =	ssyncadd.s32 $0xFFFFFFFF  }
0xab: {  	s26 =	simm.s32 $execute0_lowered;
	[smem:$0x3FD2] =	sst s25  }
0xac: {  	s5 =	sshll.u32 s26, $0x1;
	_ =	strace $0x80000046;
	[dreg:$0x1] =	wrdreg $0xFFFFFFFF  }
0xad: {  	s28 =	simm.s32 $_size_execute0_lowered;
	s3 =	sadd.s32 s3, s5;
	[dreg:$0x0] =	wrdreg $0x0  }
0xae: {  	s5 =	sshll.u32 s28, $0x1;
	[dreg:$0x2] =	wrdreg s3  }
0xaf: {  	[dreg:$0x3] =	wrdreg s5  }
0xb0: {  	[dreg:$0x4] =	wrdreg $0xC0  }
0xb1: {  	_ =	task [dreg:s7], $0x5FFFF  }
0xb2: {  	[dreg:$0x1] =	wrdreg $0xFFFFFFFF  }
0xb3: {  	[dreg:$0x0] =	wrdreg $0x60  }
0xb4: {  	[dreg:$0x2] =	wrdreg s16  }
0xb5: {  	[dreg:$0x3] =	wrdreg s24  }
0xb6: {  	[dreg:$0x4] =	wrdreg $0x53000  }
0xb7: {  	[dreg:$0x5] =	wrdreg $0x9  }
0xb8: {  	_ =	task.clear_ibuf [dreg:s7], $0x6FFFF;
	_ =	strace $0x90000046  }
0xb9: {  	s29 =	simm.s32 $0x9;
	_ =	strace $0x80000048  }
0xba: {  	_ =	swait.ge [sflag:s29], $0x1  }
0xbb: {  	[sflag:s29] =	ssyncadd.s32 $0xFFFFFFFF  }
0xbc: {  	_ =	strace $0x90000048  }
0xbd: {  	_ =	sfence  }
0xbe: {  	s30 =	sld [smem:$0x0];
	_ =	sdelay $0x2  }
0xbf: {  	s31 =	sshll.u32 s1, $0xD;
	s1 =	sshrl.u32 s1, $0x2  }
0xc0: {  	s3 =	sand.u32 $0x4000, s31;
	s1 =	sadd.s32 s1, s30  }
0xc1: {  	s0 =	sor.u32 s3, s0;
	s1 =	sshll.u32 s1, $0x11  }
0xc2: {  	s0 =	sor.u32 s1, s0  }
0xc3: {  	s0 =	sadd.s32 $0x8F2B, s0  }
0xc4: {  	[sflag:s0] =	ssyncadd.remote.s32 $0x1  }
0xc5: {  	_ =	sfence.sel $0xFFFF  }
0xc6: {  	[dreg:$0x0] =	wrdreg $0xFFFFFFFF;
	(pc) =	sbr.abs _section_cstart, $3  }
0xc7: {  	[dreg:$0x1] =	wrdreg $0xFFFFFFFF  }
0xc8: {  	_ =	task.clear_ibuf [dreg:s7], $0x2FFFF;
	_ =	strace $0x9FFFFFFF  }
0xc9: {  	(tm) =	ssettm $0x7FFFFFFF  }
tec
execute0_lowered:
.L_overlay_start_1:
0x0: {  	(tag) =	ssettag $0x1  }
0x1: {  	s7 =	rddreg [dreg:$0x0]  }
0x2: {  	s8 =	rddreg [dreg:$0x1]  }
0x3: {  	s1 =	rddreg [dreg:$0x2];
	s2 =	srdreg.scid  }
0x4: {  	s0 =	rddreg [dreg:$0x3];
	s3 =	simm.s32 $0x0;
	s13 =	simm.s32 $0xD800  }
0x5: {  	s14 =	simm.s32 $0x5000;
	s15 =	simm.s32 $0x1;
	s18 =	simm.s32 $0x0  }
0x6: {  	s6 =	sand.u32 $0x1, s2;
	[smem:$0x7FF] =	sst s3;
	s2 =	stileid.u32  }
0x7: {  	s4 =	sshll.u32 s6, $0x4;
	_ =	strace $0x80000047;
	s5 =	ssub.s32 $0x2, s6  }
0x8: {  	s12 =	smul.u32 $0x280, s2;
	p1 =	seq.s32 s6, $0x1;
	s16 =	sshll.u32 s2, $0x6  }
0x9: {  	s9 =	sor.u32 s2, s4;
	s4 =	sadd.s32 $0xD000, s8;
	s10 =	sshrl.u32 s5, $0x1  }
0xa: {  	s13 =	simm.s32 @!p1 $0xD200;
	s16 =	sor.u32 $0x1C02, s16;
	s11 =	smul.u32 $0x5000, s9  }
0xb: {  	s10 =	ssub.s32 s5, s10;
	p0 =	seq.s32 s9, $0x1F;
	s5 =	simm.s32 $0x28  }
0xc: {  	s9 =	smul.u32 $0xA00, s9;
	s31 =	sshrl.u32 s12, $0x3;
	s13 =	sadd.s32 s13, s8  }
0xd: {  	s8 =	sadd.s32 s12, s1;
	s12 =	simm.s32 $0x5080;
	s5 =	simm.s32 @!p0 $0xA0  }
0xe: {  	s17 =	sshrl.u32 s8, $0x3;
	s11 =	sshrl.u32 s11, $0x3;
	s6 =	sadd.s32 s7, s9  }
0xf: {  	s9 =	smax.u32 s10, $0x1;
	s10 =	sadd.s32 s13, s31;
	s7 =	sadd.s32 s7, s11  }
0x10: {  	v0 =	vimm.f32 $1.000000000e+00;
	s13 =	simm.s32 $0x40;
	s11 =	simm.s32 $0x2;
	s7 =	sadd.s32 $0x280, s7  }
.LBB2_1:
0x11: {  	[tilespmem:$0x5000] =	vst v0  }
0x12: {  	[tilespmem:$0x5010] =	vst v0  }
0x13: {  	[tilespmem:$0x5020] =	vst v0  }
0x14: {  	[tilespmem:$0x5030] =	vst v0  }
0x15: {  	[tilespmem:s3], [sflag:$0x2] =	stream.linear.gather [hbm4b:s6+s3], $0x1400, $0x38;
	[tilespmem:$0x5580] =	vst v63  }
0x16: {  	_ =	swait.ge [sflag:s11], $0x1400  }
0x17: {  	[sflag:s11] =	ssyncset.done $0x0  }
0x18: {  	s19 =	simm.s32 @!p0 $0x0;
	s20 =	simm.s32 @!p0 $0x1400;
	[sflag:s11] =	ssyncadd.s32 $0xFFFFEC00  }
0x19: {  	[tilespmem:s20], [sflag:$0x2] =	stream.linear.gather @!p0 [hbm4b:s7+s19], $0x3C00, $0x38;
	[tilespmem:$0x5580] =	vst v63  }
0x1a: {  	s19 =	simm.s32 @!p0 $0x2  }
0x1b: {  	_ =	swait.ge @!p0 [sflag:s19], $0x3C00  }
0x1c: {  	[sflag:s19] =	ssyncset.done @!p0 $0x0  }
0x1d: {  	[sflag:s19] =	ssyncadd.s32 @!p0 $0xFFFFC400  }
0x1e: {  	[tilespmem:s12], [sflag:$0x2] =	stream.linear.gather [hbm4b:s4+s3], $0x280, $0x38;
	[tilespmem:$0x5580] =	vst v63  }
0x1f: {  	_ =	swait.ge [sflag:s11], $0x280  }
0x20: {  	[sflag:s11] =	ssyncset.done $0x0  }
0x21: {  	p1 =	sne.s32 s5, $0x1;
	[sflag:s11] =	ssyncadd.s32 $0xFFFFFD80  }
0x22: {  	[spmem:s8] =	stream.linear.scatter [tilespmem:s12], [sflag:$0x2], $0x280, $0x38;
	[tilespmem:$0x5580] =	vst v63  }
.Ltmp0:
0x23: {  	_ =	swait.ge [sflag:s11], $0x280;
	(pc) =	sbr.rel @!p1 .LBB2_3-.Ltmp0, $4  }
0x24: {  	[sflag:s11] =	ssyncset.done $0x0  }
0x25: {  	[sflag:s11] =	ssyncadd.s32 $0xFFFFFD80  }
0x26: {  	s20 =	simm.s32 $0x0;
	s19 =	sadd.s32 $0xFFFFFFFF, s5;
	[bflag:$0x0] =	sbarrier.arrive $0xFFFF  }
0x27: {  	[spmem:s1] =	stream.indirect.scatter.add.f32 [tilespmem:s14], [sflag:$0x1], $0x1, s3, s13, $0xb8;
	[tilespmem:$0x5580] =	vst v63  }
.LBB2_2:
0x28: {  	p2 =	sne.s32 s19, $0x1  }
.Ltmp1:
0x29: {  	_ = 	snop;
	(pc) =	sbr.rel @p2 .LBB2_2-.Ltmp1, $3  }
0x2a: {  	_ = 	snop  }
0x2b: {  	s19 =	sadd.s32 $0xFFFFFFFF, s19;
	s20 =	sadd.s32 $0x80, s20;
	_ =	sdelay $0x1  }
0x2c: {  	[spmem:s1] =	stream.indirect.scatter.add.f32 [tilespmem:s14], [sflag:$0x1], $0x1, s20, s13, $0xb8;
	[tilespmem:$0x5580] =	vst v63  }
.LBB2_3:
.Ltmp2:
0x2d: {  	(pc) =	sbr.rel @!p1 .LBB2_5-.Ltmp2, $3  }
0x2e: {  	_ =	sdelay $0x1  }
0x2f: {  	_ =	swait.ge [sflag:s15], $0x40  }
0x30: {  	s19 =	sadd.s32 $0xFFFFFFFF, s5;
	[sflag:s15] =	ssyncset.done $0x0  }
.LBB2_4:
0x31: {  	p1 =	sne.s32 s19, $0x1;
	s19 =	sadd.s32 $0xFFFFFFFF, s19;
	[sflag:s15] =	ssyncadd.s32 $0xFFFFFFC0  }
.Ltmp3:
0x32: {  	(pc) =	sbr.rel @p1 .LBB2_4-.Ltmp3, $3  }
0x33: {  	_ =	sdelay $0x1  }
0x34: {  	_ =	swait.ge [sflag:s15], $0x40  }
0x35: {  	[sflag:s15] =	ssyncset.done $0x0  }
.LBB2_5:
0x36: {  	s18 =	sadd.s32 $0x1, s18  }
0x37: {  	[sflag:s15] =	ssyncadd.s32 $0xFFFFFFC0;
	p1 =	sne.s32 s18, s9  }
.Ltmp4:
0x38: {  	[bflag:$0x0] =	sbarrier.arrive $0xFFFF;
	(pc) =	sbr.rel @p1 .LBB2_1-.Ltmp4, $4  }
0x39: {  	[hbm:s10], [sflag:s16] =	dma.local [spmem:s17], $0x50  }
0x3a: {  	_ =	swait.ge [sflag:s11], $0x50  }
0x3b: {  	[sflag:s11] =	ssyncset.done $0x0  }
0x3c: {  	[sflag:s11] =	ssyncadd.s32 $0xFFFFFFB0  }
0x3d: {  	_ =	sfence.sel $0x180000  }
0x3e: {  	[bflag:$0x0] =	sbarrier.arrive $0xFFFF  }
0x3f: {  	p0 =	sne.s32 s2, $0x0;
	_ =	strace $0x90000047  }
0x40: {  	s0 =	sadd.s32 @!p0 $0x100000, s0;
	[bflag:$0x2] =	sbarrier.arrive $0xFFFF  }
0x41: {  	[sflag:s0] =	ssyncadd.tile.s32 @!p0 $0x1;
	_ =	shalt  }
.Lfunc_end2:
_tile_overlayer_lowered:
.L_overlay_start_2:
0x42: {  	(tag) =	ssettag $0x2  }
0x43: {  	s0 =	rddreg [dreg:$0x0];
	s2 =	stileid.u32  }
0x44: {  	s1 =	rddreg [dreg:$0x1];
	p0 =	sne.s32 s2, $0x0  }
0x45: {  	s3 =	rddreg [dreg:$0x2];
	[bflag:$0x3] =	sbarrier.arrive $0xFFFF;
	s2 =	simm.s32 @!p0 $0x1C02  }
0x46: {  	[timem:s3], [sflag:s2] =	dma.local @!p0 [hbm:s0], s1  }
0x47: {  	s0 =	simm.s32 @!p0 $0x2  }
0x48: {  	_ =	swait.ge @!p0 [sflag:s0], s1  }
0x49: {  	s1 =	ssub.s32 @!p0 $0x0, s1;
	[sflag:s0] =	ssyncset.done @!p0 $0x0  }
0x4a: {  	[sflag:s0] =	ssyncadd.s32 @!p0 s1  }
0x4b: {  	[bflag:$0x3] =	sbarrier.arrive $0xFFFF  }
0x4c: {  	_ =	shalt  }

</sc_bundles>
